<compile_context>
chip_gen: v7x
topology: tpu7x:2x2x1
jax: 0.10.2.dev20260603
libtpu: 0.0.44.dev20260713+nightly
codegen_flags: <defaults>
</compile_context>

<pallas_src>
import functools

import jax
import jax.numpy as jnp
from jax import lax
from jax.experimental import pallas as pl
from jax.experimental.pallas import tpu as pltpu
from jax.experimental.pallas import tpu_sc as plsc

N = 10000
E = 160000
C = 256
HALF = 128
NH = 5000
NC = 2
NS = 16
CHUNK = 128
NCH_H = 40
NCH_S = 80
EP = NC * NS * NCH_H * CHUNK
NBUF = 4
_B = 1000

NP_S = 5120
DUMP_S = NH
ZR_S = NP_S // NS
RO_S = 312
_ZCH_S = [(0, 128), (128, 128), (256, ZR_S - 256)]
_RCH_S = [(0, 128), (128, 128), (256, RO_S - 256)]
_TAIL_S = NH - NS * RO_S
_NSL = 4


def _mesh():
    return plsc.VectorSubcoreMesh(core_axis_name="c", subcore_axis_name="s")


@functools.partial(
    pl.kernel,
    out_type=jax.ShapeDtypeStruct((NC, NH, HALF), jnp.float32),
    mesh=_mesh(),
    scratch_types=[
        pltpu.VMEM((NCH_S, CHUNK), jnp.int32),
        pltpu.VMEM((CHUNK, HALF), jnp.float32),
        pltpu.VMEM_SHARED((NP_S, HALF), jnp.float32),
    ],
)
def _hist(dstc, ones, z128, out, dst_v, ones_v, cnt_s):
    c = lax.axis_index("c")
    s = lax.axis_index("s")
    pltpu.sync_copy(dstc.at[c, s], dst_v)
    pltpu.sync_copy(z128, ones_v)
    for off, sz in _ZCH_S:
        pltpu.sync_copy(ones_v.at[pl.ds(0, sz)],
                        cnt_s.at[pl.ds(s * ZR_S + off, sz)])
    pltpu.sync_copy(ones, ones_v)
    plsc.subcore_barrier()

    def body(j, carry):
        pltpu.sync_copy(ones_v, cnt_s.at[dst_v.at[j]], add=True)
        return carry

    lax.fori_loop(0, NCH_S, body, 0)
    plsc.subcore_barrier()
    for off, sz in _RCH_S:
        pltpu.sync_copy(cnt_s.at[pl.ds(s * RO_S + off, sz)], ones_v.at[pl.ds(0, sz)])
        pltpu.sync_copy(ones_v.at[pl.ds(0, sz)],
                        out.at[c, pl.ds(s * RO_S + off, sz)])

    @pl.when(s == 0)
    def _tail():
        pltpu.sync_copy(cnt_s.at[pl.ds(NS * RO_S, _TAIL_S)],
                        ones_v.at[pl.ds(0, _TAIL_S)])
        pltpu.sync_copy(ones_v.at[pl.ds(0, _TAIL_S)],
                        out.at[c, pl.ds(NS * RO_S, _TAIL_S)])


@functools.partial(
    pl.kernel,
    out_type=jax.ShapeDtypeStruct((NC, NH, HALF), jnp.float32),
    mesh=_mesh(),
    scratch_types=[
        pltpu.VMEM((NCH_S, CHUNK), jnp.int32),
        pltpu.VMEM((NCH_S, CHUNK), jnp.int32),
        pltpu.VMEM((_NSL, CHUNK, HALF), jnp.float32),
        pltpu.VMEM_SHARED((NP_S, HALF), jnp.float32),
        pltpu.SemaphoreType.DMA,
        pltpu.SemaphoreType.DMA,
        pltpu.SemaphoreType.DMA,
        pltpu.SemaphoreType.DMA,
    ],
)
def _scatter(srcr, dstc, y2, z128, out, src_v, dst_v, rows_v, t_s,
             g0, g1, g2, g3):
    gsems = [g0, g1, g2, g3]
    c = lax.axis_index("c")
    s = lax.axis_index("s")
    pltpu.sync_copy(srcr.at[s], src_v)
    pltpu.sync_copy(dstc.at[c, s], dst_v)
    pltpu.sync_copy(z128, rows_v.at[0])
    for off, sz in _ZCH_S:
        pltpu.sync_copy(rows_v.at[0, pl.ds(0, sz)],
                        t_s.at[pl.ds(s * ZR_S + off, sz)])
    plsc.subcore_barrier()

    def gather(j, b):
        pltpu.async_copy(y2.at[src_v.at[j]], rows_v.at[b], gsems[b])

    def wait_gather(j, b):
        pltpu.make_async_copy(y2.at[src_v.at[j]], rows_v.at[b], gsems[b]).wait()

    for b in range(_NSL):
        gather(b, b)

    def body(g, carry):
        for b in range(_NSL):
            j = g * _NSL + b
            wait_gather(j, b)
            pltpu.sync_copy(rows_v.at[b], t_s.at[dst_v.at[j]], add=True)

            @pl.when(j + _NSL < NCH_S)
            def _refill():
                gather(j + _NSL, b)

        return carry

    lax.fori_loop(0, NCH_S // _NSL, body, 0)
    plsc.subcore_barrier()
    for off, sz in _RCH_S:
        pltpu.sync_copy(t_s.at[pl.ds(s * RO_S + off, sz)], rows_v.at[0, pl.ds(0, sz)])
        pltpu.sync_copy(rows_v.at[0, pl.ds(0, sz)],
                        out.at[c, pl.ds(s * RO_S + off, sz)])

    @pl.when(s == 0)
    def _tail():
        pltpu.sync_copy(t_s.at[pl.ds(NS * RO_S, _TAIL_S)],
                        rows_v.at[0, pl.ds(0, _TAIL_S)])
        pltpu.sync_copy(rows_v.at[0, pl.ds(0, _TAIL_S)],
                        out.at[c, pl.ds(NS * RO_S, _TAIL_S)])


def _scale_body(cnt_ref, x_ref, y2_ref, dis_ref):
    deg = cnt_ref[:, 0:1] + 1.0
    d = lax.rsqrt(deg)
    y = x_ref[...] * d
    y2_ref[0] = y[:, :HALF]
    y2_ref[1] = y[:, HALF:]
    dis_ref[...] = d


def _scale(cnt, x):
    nb = N // _B
    return pl.pallas_call(
        _scale_body,
        grid=(nb,),
        in_specs=[
            pl.BlockSpec((_B, HALF), lambda i: (i, 0)),
            pl.BlockSpec((_B, C), lambda i: (i, 0)),
        ],
        out_specs=[
            pl.BlockSpec((2, _B, HALF), lambda i: (0, i, 0)),
            pl.BlockSpec((_B, 1), lambda i: (i, 0)),
        ],
        out_shape=[
            jax.ShapeDtypeStruct((2, N, HALF), jnp.float32),
            jax.ShapeDtypeStruct((N, 1), jnp.float32),
        ],
    )(cnt, x)


def _fold_body(wz_ref, lz_ref, bz_ref, lzb_ref, wh_ref, lh_ref, bh_ref, lhb_ref,
               mz_ref, cz_ref, mh_ref, ch_ref):
    mz_ref[...] = jnp.dot(wz_ref[...], lz_ref[...], preferred_element_type=jnp.float32)
    cz_ref[...] = jnp.dot(bz_ref[...], lz_ref[...], preferred_element_type=jnp.float32) + lzb_ref[...]
    mh_ref[...] = jnp.dot(wh_ref[...], lh_ref[...], preferred_element_type=jnp.float32)
    ch_ref[...] = jnp.dot(bh_ref[...], lh_ref[...], preferred_element_type=jnp.float32) + lhb_ref[...]


def _fold(wz, lz, bz, lzb, wh, lh, bh, lhb):
    return pl.pallas_call(
        _fold_body,
        out_shape=[
            jax.ShapeDtypeStruct((C, C), jnp.float32),
            jax.ShapeDtypeStruct((1, C), jnp.float32),
            jax.ShapeDtypeStruct((C, C), jnp.float32),
            jax.ShapeDtypeStruct((1, C), jnp.float32),
        ],
    )(wz, lz, bz, lzb, wh, lh, bh, lhb)


def _final_body(tl_ref, tr_ref, yl_ref, yr_ref, dis_ref,
                mz_ref, cz_ref, mh_ref, ch_ref, out_ref):
    d = dis_ref[...]
    sl = (tl_ref[...] + yl_ref[0]) * d
    sr = (tr_ref[...] + yr_ref[0]) * d
    mz = mz_ref[...]
    mh = mh_ref[...]
    az = (jnp.dot(sl, mz[:HALF], preferred_element_type=jnp.float32)
          + jnp.dot(sr, mz[HALF:], preferred_element_type=jnp.float32)
          + cz_ref[...])
    ah = (jnp.dot(sl, mh[:HALF], preferred_element_type=jnp.float32)
          + jnp.dot(sr, mh[HALF:], preferred_element_type=jnp.float32)
          + ch_ref[...])
    out_ref[...] = (1.0 - jax.nn.sigmoid(az)) * jnp.tanh(ah)


def _final(tl, tr, y2, dis, mz, cz, mh, ch):
    nb = N // _B
    return pl.pallas_call(
        _final_body,
        grid=(nb,),
        in_specs=[
            pl.BlockSpec((_B, HALF), lambda i: (i, 0)),
            pl.BlockSpec((_B, HALF), lambda i: (i, 0)),
            pl.BlockSpec((1, _B, HALF), lambda i: (0, i, 0)),
            pl.BlockSpec((1, _B, HALF), lambda i: (1, i, 0)),
            pl.BlockSpec((_B, 1), lambda i: (i, 0)),
            pl.BlockSpec((C, C), lambda i: (0, 0)),
            pl.BlockSpec((1, C), lambda i: (0, 0)),
            pl.BlockSpec((C, C), lambda i: (0, 0)),
            pl.BlockSpec((1, C), lambda i: (0, 0)),
        ],
        out_specs=pl.BlockSpec((_B, C), lambda i: (i, 0)),
        out_shape=jax.ShapeDtypeStruct((N, C), jnp.float32),
    )(tl, tr, y2, y2, dis, mz, cz, mh, ch)


def kernel(X, edge_index, Wz, bz, Wr, br, Wh, bh, LzW, Lzb, LrW, Lrb, LhW, Lhb):
    src = edge_index[0].astype(jnp.int32)
    dst = edge_index[1].astype(jnp.int32)
    pad = EP - E
    srcp = jnp.concatenate([src, jnp.zeros((pad,), jnp.int32)])
    dstp = jnp.concatenate([dst, jnp.full((pad,), N, jnp.int32)])

    d0 = jnp.where(dstp < NH, dstp, DUMP_S)
    d1m = dstp - NH
    d1 = jnp.where((d1m >= 0) & (d1m < NH), d1m, DUMP_S)
    dstc = jnp.stack([d0, d1]).reshape(NC, NS, NCH_S, CHUNK)
    srcr0 = srcp.reshape(NS, NCH_S, CHUNK)
    srcr1 = (srcp + N).reshape(NS, NCH_S, CHUNK)

    ones128 = jnp.ones((CHUNK, HALF), jnp.float32)
    z128 = jnp.zeros((CHUNK, HALF), jnp.float32)

    cnt = _hist(dstc, ones128, z128).reshape(N, HALF)
    y2, dis = _scale(cnt, X)
    y2f = y2.reshape(2 * N, HALF)
    mz, cz, mh, ch = _fold(
        Wz, LzW[:C], bz.reshape(1, C), Lzb.reshape(1, C),
        Wh, LhW[:C], bh.reshape(1, C), Lhb.reshape(1, C),
    )
    tl = _scatter(srcr0, dstc, y2f, z128).reshape(N, HALF)
    tr = _scatter(srcr1, dstc, y2f, z128).reshape(N, HALF)
    return _final(tl, tr, y2, dis, mz, cz, mh, ch)

# --- scband reference (transcript-rebuilt; emitter-appended) ---
"""Pipeline reference for scband-tgcn-31722628448347 (READ-ONLY COPY).

The authoritative reference and input builder live on the scoring server;
editing this copy changes nothing except your own understanding.
"""

import jax, jax.numpy as jnp
import numpy as np

IN_CH = 256
OUT_CH = 256
N_NODES = 10000
N_EDGES = 160000


def _gcn_conv(X, edge_index, W, b):
    # PyG GCNConv (improved=False, add_self_loops=True, edge_weight=None):
    # out_i = sum_{j in N(i) cup {i}} (deg_i * deg_j)^{-1/2} * (X_j @ W) + b
    N = X.shape[0]
    loop = jnp.arange(N, dtype=edge_index.dtype)
    src = jnp.concatenate([edge_index[0], loop])
    dst = jnp.concatenate([edge_index[1], loop])
    w = jnp.ones(src.shape[0], dtype=X.dtype)
    deg = jax.ops.segment_sum(w, dst, num_segments=N)
    deg_inv_sqrt = jnp.where(deg > 0, jax.lax.rsqrt(jnp.maximum(deg, 1e-12)), 0.0)
    norm = deg_inv_sqrt[src] * deg_inv_sqrt[dst]
    Xw = X @ W
    msg = norm[:, None] * jnp.take(Xw, src, axis=0)
    out = jax.ops.segment_sum(msg, dst, num_segments=N)
    return out + b


def setup_inputs(seed: int = 0) -> dict:
    key = jax.random.key(seed)
    ks = jax.random.split(key, 16)
    X = jax.random.normal(ks[0], (N_NODES, IN_CH), dtype=jnp.float32)
    edge_index = jax.random.randint(ks[1], (2, N_EDGES), 0, N_NODES, dtype=jnp.int64)
    s = 0.02
    params = {
        'Wz': jax.random.normal(ks[2], (IN_CH, OUT_CH), dtype=jnp.float32) * s,
        'bz': jnp.zeros((OUT_CH,), dtype=jnp.float32),
        'Wr': jax.random.normal(ks[3], (IN_CH, OUT_CH), dtype=jnp.float32) * s,
        'br': jnp.zeros((OUT_CH,), dtype=jnp.float32),
        'Wh': jax.random.normal(ks[4], (IN_CH, OUT_CH), dtype=jnp.float32) * s,
        'bh': jnp.zeros((OUT_CH,), dtype=jnp.float32),
        'LzW': jax.random.normal(ks[5], (2 * OUT_CH, OUT_CH), dtype=jnp.float32) * s,
        'Lzb': jnp.zeros((OUT_CH,), dtype=jnp.float32),
        'LrW': jax.random.normal(ks[6], (2 * OUT_CH, OUT_CH), dtype=jnp.float32) * s,
        'Lrb': jnp.zeros((OUT_CH,), dtype=jnp.float32),
        'LhW': jax.random.normal(ks[7], (2 * OUT_CH, OUT_CH), dtype=jnp.float32) * s,
        'Lhb': jnp.zeros((OUT_CH,), dtype=jnp.float32),
    }
    return {'X': X, 'edge_index': edge_index, **params}


def reference(X, edge_index, Wz, bz, Wr, br, Wh, bh, LzW, Lzb, LrW, Lrb, LhW, Lhb):
    N = X.shape[0]
    H = jnp.zeros((N, OUT_CH), dtype=X.dtype)
    # update gate
    Z = jnp.concatenate([_gcn_conv(X, edge_index, Wz, bz), H], axis=1)
    Z = jax.nn.sigmoid(Z @ LzW + Lzb)
    # reset gate
    R = jnp.concatenate([_gcn_conv(X, edge_index, Wr, br), H], axis=1)
    R = jax.nn.sigmoid(R @ LrW + Lrb)
    # candidate state
    H_tilde = jnp.concatenate([_gcn_conv(X, edge_index, Wh, bh), H * R], axis=1)
    H_tilde = jnp.tanh(H_tilde @ LhW + Lhb)
    # hidden state
    H = Z * H + (1.0 - Z) * H_tilde
    return H

if __name__ == "__main__":
    import jax
    _d = setup_inputs()
    print(jax.jit(kernel)(*tuple(_d.values())))

</pallas_src>

<mosaic_0001>
#map = affine_map<(d0, d1) -> (0, 0, 0)>
#map1 = affine_map<(d0, d1) -> (0, 0, 0, 0)>
#map2 = affine_map<(d0, d1) -> (0, 0)>
module attributes {stable_mosaic.version = 14 : i64} {
  func.func @_scatter(%arg0: i32, %arg1: i32, %arg2: memref<16x80x128xi32, #tpu.memory_space<hbm>>, %arg3: memref<2x16x80x128xi32, #tpu.memory_space<hbm>>, %arg4: memref<20000x128xf32, #tpu.memory_space<hbm>>, %arg5: memref<128x128xf32, #tpu.memory_space<hbm>>, %arg6: memref<2x5000x128xf32, #tpu.memory_space<hbm>>, %arg7: memref<80x128xi32, #tpu.memory_space<vmem>>, %arg8: memref<80x128xi32, #tpu.memory_space<vmem>>, %arg9: memref<4x128x128xf32, #tpu.memory_space<vmem>>, %arg10: memref<5120x128xf32, #tpu.memory_space<vmem_shared>>, %arg11: memref<!tpu.dma_semaphore, #tpu.memory_space<semaphore_mem>>, %arg12: memref<!tpu.dma_semaphore, #tpu.memory_space<semaphore_mem>>, %arg13: memref<!tpu.dma_semaphore, #tpu.memory_space<semaphore_mem>>, %arg14: memref<!tpu.dma_semaphore, #tpu.memory_space<semaphore_mem>>) attributes {dimension_semantics = [#tpu.dimension_semantics<core_parallel>, #tpu.dimension_semantics<subcore_parallel>], iteration_bounds = array<i64: 2, 16>, scalar_prefetch = 0 : i64, scratch_operands = 8 : i64, tpu.core_type = #tpu.core_type<sc_vector_subcore>, window_params = [{transform_indices = #map}, {transform_indices = #map1}, {transform_indices = #map2}, {transform_indices = #map2}, {transform_indices = #map}]} {
    "tpu.region"() ({
      %run_scoped3A_98 = tpu.sem_alloc : memref<!tpu.dma_semaphore, #tpu.memory_space<semaphore_mem>>
      %dma_start3A_99 = arith.constant 0 : i32
      %dma_start3A_100 = arith.constant 0 : i32
      %dma_start3A_101 = tpu.memref_slice %arg2[%arg1, %dma_start3A_99, %dma_start3A_100] : memref<16x80x128xi32, #tpu.memory_space<hbm>> -> memref<1x80x128xi32, #tpu.memory_space<hbm>>
      %dma_start3A_102 = tpu.memref_squeeze %dma_start3A_101 : memref<1x80x128xi32, #tpu.memory_space<hbm>> -> memref<80x128xi32, #tpu.memory_space<hbm>>
      %dma_start3A_103 = arith.constant 0 : i32
      %dma_start3A_104 = arith.constant 0 : i32
      %dma_start3A_105 = tpu.memref_slice %arg2[%arg1, %dma_start3A_103, %dma_start3A_104] : memref<16x80x128xi32, #tpu.memory_space<hbm>> -> memref<1x80x128xi32, #tpu.memory_space<hbm>>
      %dma_start3A_106 = tpu.memref_squeeze %dma_start3A_105 : memref<1x80x128xi32, #tpu.memory_space<hbm>> -> memref<80x128xi32, #tpu.memory_space<hbm>>
      tpu.enqueue_dma source(%dma_start3A_106 : memref<80x128xi32, #tpu.memory_space<hbm>>) target(%arg7 : memref<80x128xi32, #tpu.memory_space<vmem>>) target_semaphore(%run_scoped3A_98 : memref<!tpu.dma_semaphore, #tpu.memory_space<semaphore_mem>>)
      %dma_wait3A = arith.constant 0 : i32
      %dma_wait3A_107 = arith.constant 0 : i32
      %dma_wait3A_108 = tpu.memref_slice %arg2[%arg1, %dma_wait3A, %dma_wait3A_107] : memref<16x80x128xi32, #tpu.memory_space<hbm>> -> memref<1x80x128xi32, #tpu.memory_space<hbm>>
      %dma_wait3A_109 = tpu.memref_squeeze %dma_wait3A_108 : memref<1x80x128xi32, #tpu.memory_space<hbm>> -> memref<80x128xi32, #tpu.memory_space<hbm>>
      %dma_wait3A_110 = arith.constant 0 : i32
      %dma_wait3A_111 = arith.constant 0 : i32
      %dma_wait3A_112 = tpu.memref_slice %arg2[%arg1, %dma_wait3A_110, %dma_wait3A_111] : memref<16x80x128xi32, #tpu.memory_space<hbm>> -> memref<1x80x128xi32, #tpu.memory_space<hbm>>
      %dma_wait3A_113 = tpu.memref_squeeze %dma_wait3A_112 : memref<1x80x128xi32, #tpu.memory_space<hbm>> -> memref<80x128xi32, #tpu.memory_space<hbm>>
      tpu.wait_dma2 semaphore(%run_scoped3A_98 : memref<!tpu.dma_semaphore, #tpu.memory_space<semaphore_mem>>) src(%dma_wait3A_113 : memref<80x128xi32, #tpu.memory_space<hbm>>) dst(%arg7 : memref<80x128xi32, #tpu.memory_space<vmem>>)
      tpu.yield
    }) : () -> ()
    "tpu.region"() ({
      %run_scoped3A_98 = tpu.sem_alloc : memref<!tpu.dma_semaphore, #tpu.memory_space<semaphore_mem>>
      %dma_start3A_99 = arith.constant 0 : i32
      %dma_start3A_100 = arith.constant 0 : i32
      %dma_start3A_101 = tpu.memref_slice %arg3[%arg0, %arg1, %dma_start3A_99, %dma_start3A_100] : memref<2x16x80x128xi32, #tpu.memory_space<hbm>> -> memref<1x1x80x128xi32, #tpu.memory_space<hbm>>
      %dma_start3A_102 = tpu.memref_squeeze %dma_start3A_101 : memref<1x1x80x128xi32, #tpu.memory_space<hbm>> -> memref<80x128xi32, #tpu.memory_space<hbm>>
      %dma_start3A_103 = arith.constant 0 : i32
      %dma_start3A_104 = arith.constant 0 : i32
      %dma_start3A_105 = tpu.memref_slice %arg3[%arg0, %arg1, %dma_start3A_103, %dma_start3A_104] : memref<2x16x80x128xi32, #tpu.memory_space<hbm>> -> memref<1x1x80x128xi32, #tpu.memory_space<hbm>>
      %dma_start3A_106 = tpu.memref_squeeze %dma_start3A_105 : memref<1x1x80x128xi32, #tpu.memory_space<hbm>> -> memref<80x128xi32, #tpu.memory_space<hbm>>
      tpu.enqueue_dma source(%dma_start3A_106 : memref<80x128xi32, #tpu.memory_space<hbm>>) target(%arg8 : memref<80x128xi32, #tpu.memory_space<vmem>>) target_semaphore(%run_scoped3A_98 : memref<!tpu.dma_semaphore, #tpu.memory_space<semaphore_mem>>)
      %dma_wait3A = arith.constant 0 : i32
      %dma_wait3A_107 = arith.constant 0 : i32
      %dma_wait3A_108 = tpu.memref_slice %arg3[%arg0, %arg1, %dma_wait3A, %dma_wait3A_107] : memref<2x16x80x128xi32, #tpu.memory_space<hbm>> -> memref<1x1x80x128xi32, #tpu.memory_space<hbm>>
      %dma_wait3A_109 = tpu.memref_squeeze %dma_wait3A_108 : memref<1x1x80x128xi32, #tpu.memory_space<hbm>> -> memref<80x128xi32, #tpu.memory_space<hbm>>
      %dma_wait3A_110 = arith.constant 0 : i32
      %dma_wait3A_111 = arith.constant 0 : i32
      %dma_wait3A_112 = tpu.memref_slice %arg3[%arg0, %arg1, %dma_wait3A_110, %dma_wait3A_111] : memref<2x16x80x128xi32, #tpu.memory_space<hbm>> -> memref<1x1x80x128xi32, #tpu.memory_space<hbm>>
      %dma_wait3A_113 = tpu.memref_squeeze %dma_wait3A_112 : memref<1x1x80x128xi32, #tpu.memory_space<hbm>> -> memref<80x128xi32, #tpu.memory_space<hbm>>
      tpu.wait_dma2 semaphore(%run_scoped3A_98 : memref<!tpu.dma_semaphore, #tpu.memory_space<semaphore_mem>>) src(%dma_wait3A_113 : memref<80x128xi32, #tpu.memory_space<hbm>>) dst(%arg8 : memref<80x128xi32, #tpu.memory_space<vmem>>)
      tpu.yield
    }) : () -> ()
    %run_scoped3A = arith.constant 0 : i32
    "tpu.region"() ({
      %run_scoped3A_98 = tpu.sem_alloc : memref<!tpu.dma_semaphore, #tpu.memory_space<semaphore_mem>>
      %dma_start3A_99 = arith.constant 0 : i32
      %dma_start3A_100 = arith.constant 0 : i32
      %dma_start3A_101 = tpu.memref_slice %arg9[%run_scoped3A, %dma_start3A_99, %dma_start3A_100] : memref<4x128x128xf32, #tpu.memory_space<vmem>> -> memref<1x128x128xf32, #tpu.memory_space<vmem>>
      %dma_start3A_102 = tpu.memref_squeeze %dma_start3A_101 : memref<1x128x128xf32, #tpu.memory_space<vmem>> -> memref<128x128xf32, #tpu.memory_space<vmem>>
      %dma_start3A_103 = arith.constant 0 : i32
      %dma_start3A_104 = arith.constant 0 : i32
      %dma_start3A_105 = tpu.memref_slice %arg9[%run_scoped3A, %dma_start3A_103, %dma_start3A_104] : memref<4x128x128xf32, #tpu.memory_space<vmem>> -> memref<1x128x128xf32, #tpu.memory_space<vmem>>
      %dma_start3A_106 = tpu.memref_squeeze %dma_start3A_105 : memref<1x128x128xf32, #tpu.memory_space<vmem>> -> memref<128x128xf32, #tpu.memory_space<vmem>>
      tpu.enqueue_dma source(%arg5 : memref<128x128xf32, #tpu.memory_space<hbm>>) target(%dma_start3A_106 : memref<128x128xf32, #tpu.memory_space<vmem>>) target_semaphore(%run_scoped3A_98 : memref<!tpu.dma_semaphore, #tpu.memory_space<semaphore_mem>>)
      %dma_wait3A = arith.constant 0 : i32
      %dma_wait3A_107 = arith.constant 0 : i32
      %dma_wait3A_108 = tpu.memref_slice %arg9[%run_scoped3A, %dma_wait3A, %dma_wait3A_107] : memref<4x128x128xf32, #tpu.memory_space<vmem>> -> memref<1x128x128xf32, #tpu.memory_space<vmem>>
      %dma_wait3A_109 = tpu.memref_squeeze %dma_wait3A_108 : memref<1x128x128xf32, #tpu.memory_space<vmem>> -> memref<128x128xf32, #tpu.memory_space<vmem>>
      %dma_wait3A_110 = arith.constant 0 : i32
      %dma_wait3A_111 = arith.constant 0 : i32
      %dma_wait3A_112 = tpu.memref_slice %arg9[%run_scoped3A, %dma_wait3A_110, %dma_wait3A_111] : memref<4x128x128xf32, #tpu.memory_space<vmem>> -> memref<1x128x128xf32, #tpu.memory_space<vmem>>
      %dma_wait3A_113 = tpu.memref_squeeze %dma_wait3A_112 : memref<1x128x128xf32, #tpu.memory_space<vmem>> -> memref<128x128xf32, #tpu.memory_space<vmem>>
      tpu.wait_dma2 semaphore(%run_scoped3A_98 : memref<!tpu.dma_semaphore, #tpu.memory_space<semaphore_mem>>) src(%arg5 : memref<128x128xf32, #tpu.memory_space<hbm>>) dst(%dma_wait3A_113 : memref<128x128xf32, #tpu.memory_space<vmem>>)
      tpu.yield
    }) : () -> ()
    %mul3A = arith.constant 320 : i32
    %mul3A_0 = arith.muli %arg1, %mul3A : i32
    %add3A = arith.constant 0 : i32
    %add3A_1 = arith.addi %mul3A_0, %add3A : i32
    %run_scoped3A_2 = arith.constant 0 : i32
    "tpu.region"() ({
      %run_scoped3A_98 = tpu.sem_alloc : memref<!tpu.dma_semaphore, #tpu.memory_space<semaphore_mem>>
      %dma_start3A_99 = arith.constant 0 : i32
      %dma_start3A_100 = arith.constant 0 : i32
      %dma_start3A_101 = tpu.memref_slice %arg9[%run_scoped3A_2, %dma_start3A_99, %dma_start3A_100] : memref<4x128x128xf32, #tpu.memory_space<vmem>> -> memref<1x128x128xf32, #tpu.memory_space<vmem>>
      %dma_start3A_102 = tpu.memref_squeeze %dma_start3A_101 : memref<1x128x128xf32, #tpu.memory_space<vmem>> -> memref<128x128xf32, #tpu.memory_space<vmem>>
      %dma_start3A_103 = arith.constant 0 : i32
      %dma_start3A_104 = tpu.memref_slice %arg10[%add3A_1, %dma_start3A_103] : memref<5120x128xf32, #tpu.memory_space<vmem_shared>> -> memref<128x128xf32, #tpu.memory_space<vmem_shared>>
      %dma_start3A_105 = arith.constant 0 : i32
      %dma_start3A_106 = tpu.memref_slice %arg10[%add3A_1, %dma_start3A_105] : memref<5120x128xf32, #tpu.memory_space<vmem_shared>> -> memref<128x128xf32, #tpu.memory_space<vmem_shared>>
      %dma_start3A_107 = arith.constant 0 : i32
      %dma_start3A_108 = arith.constant 0 : i32
      %dma_start3A_109 = tpu.memref_slice %arg9[%run_scoped3A_2, %dma_start3A_107, %dma_start3A_108] : memref<4x128x128xf32, #tpu.memory_space<vmem>> -> memref<1x128x128xf32, #tpu.memory_space<vmem>>
      %dma_start3A_110 = tpu.memref_squeeze %dma_start3A_109 : memref<1x128x128xf32, #tpu.memory_space<vmem>> -> memref<128x128xf32, #tpu.memory_space<vmem>>
      tpu.enqueue_dma source(%dma_start3A_110 : memref<128x128xf32, #tpu.memory_space<vmem>>) target(%dma_start3A_106 : memref<128x128xf32, #tpu.memory_space<vmem_shared>>) target_semaphore(%run_scoped3A_98 : memref<!tpu.dma_semaphore, #tpu.memory_space<semaphore_mem>>)
      %dma_wait3A = arith.constant 0 : i32
      %dma_wait3A_111 = arith.constant 0 : i32
      %dma_wait3A_112 = tpu.memref_slice %arg9[%run_scoped3A_2, %dma_wait3A, %dma_wait3A_111] : memref<4x128x128xf32, #tpu.memory_space<vmem>> -> memref<1x128x128xf32, #tpu.memory_space<vmem>>
      %dma_wait3A_113 = tpu.memref_squeeze %dma_wait3A_112 : memref<1x128x128xf32, #tpu.memory_space<vmem>> -> memref<128x128xf32, #tpu.memory_space<vmem>>
      %dma_wait3A_114 = arith.constant 0 : i32
      %dma_wait3A_115 = tpu.memref_slice %arg10[%add3A_1, %dma_wait3A_114] : memref<5120x128xf32, #tpu.memory_space<vmem_shared>> -> memref<128x128xf32, #tpu.memory_space<vmem_shared>>
      %dma_wait3A_116 = arith.constant 0 : i32
      %dma_wait3A_117 = tpu.memref_slice %arg10[%add3A_1, %dma_wait3A_116] : memref<5120x128xf32, #tpu.memory_space<vmem_shared>> -> memref<128x128xf32, #tpu.memory_space<vmem_shared>>
      %dma_wait3A_118 = arith.constant 0 : i32
      %dma_wait3A_119 = arith.constant 0 : i32
      %dma_wait3A_120 = tpu.memref_slice %arg9[%run_scoped3A_2, %dma_wait3A_118, %dma_wait3A_119] : memref<4x128x128xf32, #tpu.memory_space<vmem>> -> memref<1x128x128xf32, #tpu.memory_space<vmem>>
      %dma_wait3A_121 = tpu.memref_squeeze %dma_wait3A_120 : memref<1x128x128xf32, #tpu.memory_space<vmem>> -> memref<128x128xf32, #tpu.memory_space<vmem>>
      tpu.wait_dma2 semaphore(%run_scoped3A_98 : memref<!tpu.dma_semaphore, #tpu.memory_space<semaphore_mem>>) src(%dma_wait3A_121 : memref<128x128xf32, #tpu.memory_space<vmem>>) dst(%dma_wait3A_117 : memref<128x128xf32, #tpu.memory_space<vmem_shared>>)
      tpu.yield
    }) : () -> ()
    %mul3A_3 = arith.constant 320 : i32
    %mul3A_4 = arith.muli %arg1, %mul3A_3 : i32
    %add3A_5 = arith.constant 128 : i32
    %add3A_6 = arith.addi %mul3A_4, %add3A_5 : i32
    %run_scoped3A_7 = arith.constant 0 : i32
    "tpu.region"() ({
      %run_scoped3A_98 = tpu.sem_alloc : memref<!tpu.dma_semaphore, #tpu.memory_space<semaphore_mem>>
      %dma_start3A_99 = arith.constant 0 : i32
      %dma_start3A_100 = arith.constant 0 : i32
      %dma_start3A_101 = tpu.memref_slice %arg9[%run_scoped3A_7, %dma_start3A_99, %dma_start3A_100] : memref<4x128x128xf32, #tpu.memory_space<vmem>> -> memref<1x128x128xf32, #tpu.memory_space<vmem>>
      %dma_start3A_102 = tpu.memref_squeeze %dma_start3A_101 : memref<1x128x128xf32, #tpu.memory_space<vmem>> -> memref<128x128xf32, #tpu.memory_space<vmem>>
      %dma_start3A_103 = arith.constant 0 : i32
      %dma_start3A_104 = tpu.memref_slice %arg10[%add3A_6, %dma_start3A_103] : memref<5120x128xf32, #tpu.memory_space<vmem_shared>> -> memref<128x128xf32, #tpu.memory_space<vmem_shared>>
      %dma_start3A_105 = arith.constant 0 : i32
      %dma_start3A_106 = tpu.memref_slice %arg10[%add3A_6, %dma_start3A_105] : memref<5120x128xf32, #tpu.memory_space<vmem_shared>> -> memref<128x128xf32, #tpu.memory_space<vmem_shared>>
      %dma_start3A_107 = arith.constant 0 : i32
      %dma_start3A_108 = arith.constant 0 : i32
      %dma_start3A_109 = tpu.memref_slice %arg9[%run_scoped3A_7, %dma_start3A_107, %dma_start3A_108] : memref<4x128x128xf32, #tpu.memory_space<vmem>> -> memref<1x128x128xf32, #tpu.memory_space<vmem>>
      %dma_start3A_110 = tpu.memref_squeeze %dma_start3A_109 : memref<1x128x128xf32, #tpu.memory_space<vmem>> -> memref<128x128xf32, #tpu.memory_space<vmem>>
      tpu.enqueue_dma source(%dma_start3A_110 : memref<128x128xf32, #tpu.memory_space<vmem>>) target(%dma_start3A_106 : memref<128x128xf32, #tpu.memory_space<vmem_shared>>) target_semaphore(%run_scoped3A_98 : memref<!tpu.dma_semaphore, #tpu.memory_space<semaphore_mem>>)
      %dma_wait3A = arith.constant 0 : i32
      %dma_wait3A_111 = arith.constant 0 : i32
      %dma_wait3A_112 = tpu.memref_slice %arg9[%run_scoped3A_7, %dma_wait3A, %dma_wait3A_111] : memref<4x128x128xf32, #tpu.memory_space<vmem>> -> memref<1x128x128xf32, #tpu.memory_space<vmem>>
      %dma_wait3A_113 = tpu.memref_squeeze %dma_wait3A_112 : memref<1x128x128xf32, #tpu.memory_space<vmem>> -> memref<128x128xf32, #tpu.memory_space<vmem>>
      %dma_wait3A_114 = arith.constant 0 : i32
      %dma_wait3A_115 = tpu.memref_slice %arg10[%add3A_6, %dma_wait3A_114] : memref<5120x128xf32, #tpu.memory_space<vmem_shared>> -> memref<128x128xf32, #tpu.memory_space<vmem_shared>>
      %dma_wait3A_116 = arith.constant 0 : i32
      %dma_wait3A_117 = tpu.memref_slice %arg10[%add3A_6, %dma_wait3A_116] : memref<5120x128xf32, #tpu.memory_space<vmem_shared>> -> memref<128x128xf32, #tpu.memory_space<vmem_shared>>
      %dma_wait3A_118 = arith.constant 0 : i32
      %dma_wait3A_119 = arith.constant 0 : i32
      %dma_wait3A_120 = tpu.memref_slice %arg9[%run_scoped3A_7, %dma_wait3A_118, %dma_wait3A_119] : memref<4x128x128xf32, #tpu.memory_space<vmem>> -> memref<1x128x128xf32, #tpu.memory_space<vmem>>
      %dma_wait3A_121 = tpu.memref_squeeze %dma_wait3A_120 : memref<1x128x128xf32, #tpu.memory_space<vmem>> -> memref<128x128xf32, #tpu.memory_space<vmem>>
      tpu.wait_dma2 semaphore(%run_scoped3A_98 : memref<!tpu.dma_semaphore, #tpu.memory_space<semaphore_mem>>) src(%dma_wait3A_121 : memref<128x128xf32, #tpu.memory_space<vmem>>) dst(%dma_wait3A_117 : memref<128x128xf32, #tpu.memory_space<vmem_shared>>)
      tpu.yield
    }) : () -> ()
    %mul3A_8 = arith.constant 320 : i32
    %mul3A_9 = arith.muli %arg1, %mul3A_8 : i32
    %add3A_10 = arith.constant 256 : i32
    %add3A_11 = arith.addi %mul3A_9, %add3A_10 : i32
    %run_scoped3A_12 = arith.constant 0 : i32
    "tpu.region"() ({
      %run_scoped3A_98 = tpu.sem_alloc : memref<!tpu.dma_semaphore, #tpu.memory_space<semaphore_mem>>
      %dma_start3A_99 = arith.constant 0 : i32
      %dma_start3A_100 = arith.constant 0 : i32
      %dma_start3A_101 = tpu.memref_slice %arg9[%run_scoped3A_12, %dma_start3A_99, %dma_start3A_100] : memref<4x128x128xf32, #tpu.memory_space<vmem>> -> memref<1x64x128xf32, #tpu.memory_space<vmem>>
      %dma_start3A_102 = tpu.memref_squeeze %dma_start3A_101 : memref<1x64x128xf32, #tpu.memory_space<vmem>> -> memref<64x128xf32, #tpu.memory_space<vmem>>
      %dma_start3A_103 = arith.constant 0 : i32
      %dma_start3A_104 = tpu.memref_slice %arg10[%add3A_11, %dma_start3A_103] : memref<5120x128xf32, #tpu.memory_space<vmem_shared>> -> memref<64x128xf32, #tpu.memory_space<vmem_shared>>
      %dma_start3A_105 = arith.constant 0 : i32
      %dma_start3A_106 = tpu.memref_slice %arg10[%add3A_11, %dma_start3A_105] : memref<5120x128xf32, #tpu.memory_space<vmem_shared>> -> memref<64x128xf32, #tpu.memory_space<vmem_shared>>
      %dma_start3A_107 = arith.constant 0 : i32
      %dma_start3A_108 = arith.constant 0 : i32
      %dma_start3A_109 = tpu.memref_slice %arg9[%run_scoped3A_12, %dma_start3A_107, %dma_start3A_108] : memref<4x128x128xf32, #tpu.memory_space<vmem>> -> memref<1x64x128xf32, #tpu.memory_space<vmem>>
      %dma_start3A_110 = tpu.memref_squeeze %dma_start3A_109 : memref<1x64x128xf32, #tpu.memory_space<vmem>> -> memref<64x128xf32, #tpu.memory_space<vmem>>
      tpu.enqueue_dma source(%dma_start3A_110 : memref<64x128xf32, #tpu.memory_space<vmem>>) target(%dma_start3A_106 : memref<64x128xf32, #tpu.memory_space<vmem_shared>>) target_semaphore(%run_scoped3A_98 : memref<!tpu.dma_semaphore, #tpu.memory_space<semaphore_mem>>)
      %dma_wait3A = arith.constant 0 : i32
      %dma_wait3A_111 = arith.constant 0 : i32
      %dma_wait3A_112 = tpu.memref_slice %arg9[%run_scoped3A_12, %dma_wait3A, %dma_wait3A_111] : memref<4x128x128xf32, #tpu.memory_space<vmem>> -> memref<1x64x128xf32, #tpu.memory_space<vmem>>
      %dma_wait3A_113 = tpu.memref_squeeze %dma_wait3A_112 : memref<1x64x128xf32, #tpu.memory_space<vmem>> -> memref<64x128xf32, #tpu.memory_space<vmem>>
      %dma_wait3A_114 = arith.constant 0 : i32
      %dma_wait3A_115 = tpu.memref_slice %arg10[%add3A_11, %dma_wait3A_114] : memref<5120x128xf32, #tpu.memory_space<vmem_shared>> -> memref<64x128xf32, #tpu.memory_space<vmem_shared>>
      %dma_wait3A_116 = arith.constant 0 : i32
      %dma_wait3A_117 = tpu.memref_slice %arg10[%add3A_11, %dma_wait3A_116] : memref<5120x128xf32, #tpu.memory_space<vmem_shared>> -> memref<64x128xf32, #tpu.memory_space<vmem_shared>>
      %dma_wait3A_118 = arith.constant 0 : i32
      %dma_wait3A_119 = arith.constant 0 : i32
      %dma_wait3A_120 = tpu.memref_slice %arg9[%run_scoped3A_12, %dma_wait3A_118, %dma_wait3A_119] : memref<4x128x128xf32, #tpu.memory_space<vmem>> -> memref<1x64x128xf32, #tpu.memory_space<vmem>>
      %dma_wait3A_121 = tpu.memref_squeeze %dma_wait3A_120 : memref<1x64x128xf32, #tpu.memory_space<vmem>> -> memref<64x128xf32, #tpu.memory_space<vmem>>
      tpu.wait_dma2 semaphore(%run_scoped3A_98 : memref<!tpu.dma_semaphore, #tpu.memory_space<semaphore_mem>>) src(%dma_wait3A_121 : memref<64x128xf32, #tpu.memory_space<vmem>>) dst(%dma_wait3A_117 : memref<64x128xf32, #tpu.memory_space<vmem_shared>>)
      tpu.yield
    }) : () -> ()
    %barrier3A = arith.constant 0 : index
    tpu.barrier barrier_id(%barrier3A)
    %dma_start3A = arith.constant 0 : i32
    %dma_start3A_13 = arith.constant 0 : i32
    %dma_start3A_14 = arith.constant 0 : i32
    %dma_start3A_15 = arith.constant 0 : i32
    %dma_start3A_16 = tpu.memref_slice %arg9[%dma_start3A_13, %dma_start3A_14, %dma_start3A_15] : memref<4x128x128xf32, #tpu.memory_space<vmem>> -> memref<1x128x128xf32, #tpu.memory_space<vmem>>
    %dma_start3A_17 = tpu.memref_squeeze %dma_start3A_16 : memref<1x128x128xf32, #tpu.memory_space<vmem>> -> memref<128x128xf32, #tpu.memory_space<vmem>>
    %dma_start3A_18 = arith.constant 0 : i32
    %dma_start3A_19 = tpu.memref_slice %arg7[%dma_start3A, %dma_start3A_18] : memref<80x128xi32, #tpu.memory_space<vmem>> -> memref<1x128xi32, #tpu.memory_space<vmem>>
    %dma_start3A_20 = tpu.memref_squeeze %dma_start3A_19 : memref<1x128xi32, #tpu.memory_space<vmem>> -> memref<128xi32, #tpu.memory_space<vmem>>
    %dma_start3A_21 = arith.constant 0 : i32
    %dma_start3A_22 = arith.constant 0 : i32
    %dma_start3A_23 = tpu.memref_slice %arg4[%dma_start3A_21, %dma_start3A_22] : memref<20000x128xf32, #tpu.memory_space<hbm>> -> memref<20000x128xf32, #tpu.memory_space<hbm>>
    tpu.enqueue_indirect_dma source(%dma_start3A_23 : memref<20000x128xf32, #tpu.memory_space<hbm>>) target(%dma_start3A_17 : memref<128x128xf32, #tpu.memory_space<vmem>>) offsets(%dma_start3A_20 : memref<128xi32, #tpu.memory_space<vmem>>) semaphore(%arg11 : memref<!tpu.dma_semaphore, #tpu.memory_space<semaphore_mem>>)
    %dma_start3A_24 = arith.constant 1 : i32
    %dma_start3A_25 = arith.constant 1 : i32
    %dma_start3A_26 = arith.constant 0 : i32
    %dma_start3A_27 = arith.constant 0 : i32
    %dma_start3A_28 = tpu.memref_slice %arg9[%dma_start3A_25, %dma_start3A_26, %dma_start3A_27] : memref<4x128x128xf32, #tpu.memory_space<vmem>> -> memref<1x128x128xf32, #tpu.memory_space<vmem>>
    %dma_start3A_29 = tpu.memref_squeeze %dma_start3A_28 : memref<1x128x128xf32, #tpu.memory_space<vmem>> -> memref<128x128xf32, #tpu.memory_space<vmem>>
    %dma_start3A_30 = arith.constant 0 : i32
    %dma_start3A_31 = tpu.memref_slice %arg7[%dma_start3A_24, %dma_start3A_30] : memref<80x128xi32, #tpu.memory_space<vmem>> -> memref<1x128xi32, #tpu.memory_space<vmem>>
    %dma_start3A_32 = tpu.memref_squeeze %dma_start3A_31 : memref<1x128xi32, #tpu.memory_space<vmem>> -> memref<128xi32, #tpu.memory_space<vmem>>
    %dma_start3A_33 = arith.constant 0 : i32
    %dma_start3A_34 = arith.constant 0 : i32
    %dma_start3A_35 = tpu.memref_slice %arg4[%dma_start3A_33, %dma_start3A_34] : memref<20000x128xf32, #tpu.memory_space<hbm>> -> memref<20000x128xf32, #tpu.memory_space<hbm>>
    tpu.enqueue_indirect_dma source(%dma_start3A_35 : memref<20000x128xf32, #tpu.memory_space<hbm>>) target(%dma_start3A_29 : memref<128x128xf32, #tpu.memory_space<vmem>>) offsets(%dma_start3A_32 : memref<128xi32, #tpu.memory_space<vmem>>) semaphore(%arg12 : memref<!tpu.dma_semaphore, #tpu.memory_space<semaphore_mem>>)
    %dma_start3A_36 = arith.constant 2 : i32
    %dma_start3A_37 = arith.constant 2 : i32
    %dma_start3A_38 = arith.constant 0 : i32
    %dma_start3A_39 = arith.constant 0 : i32
    %dma_start3A_40 = tpu.memref_slice %arg9[%dma_start3A_37, %dma_start3A_38, %dma_start3A_39] : memref<4x128x128xf32, #tpu.memory_space<vmem>> -> memref<1x128x128xf32, #tpu.memory_space<vmem>>
    %dma_start3A_41 = tpu.memref_squeeze %dma_start3A_40 : memref<1x128x128xf32, #tpu.memory_space<vmem>> -> memref<128x128xf32, #tpu.memory_space<vmem>>
    %dma_start3A_42 = arith.constant 0 : i32
    %dma_start3A_43 = tpu.memref_slice %arg7[%dma_start3A_36, %dma_start3A_42] : memref<80x128xi32, #tpu.memory_space<vmem>> -> memref<1x128xi32, #tpu.memory_space<vmem>>
    %dma_start3A_44 = tpu.memref_squeeze %dma_start3A_43 : memref<1x128xi32, #tpu.memory_space<vmem>> -> memref<128xi32, #tpu.memory_space<vmem>>
    %dma_start3A_45 = arith.constant 0 : i32
    %dma_start3A_46 = arith.constant 0 : i32
    %dma_start3A_47 = tpu.memref_slice %arg4[%dma_start3A_45, %dma_start3A_46] : memref<20000x128xf32, #tpu.memory_space<hbm>> -> memref<20000x128xf32, #tpu.memory_space<hbm>>
    tpu.enqueue_indirect_dma source(%dma_start3A_47 : memref<20000x128xf32, #tpu.memory_space<hbm>>) target(%dma_start3A_41 : memref<128x128xf32, #tpu.memory_space<vmem>>) offsets(%dma_start3A_44 : memref<128xi32, #tpu.memory_space<vmem>>) semaphore(%arg13 : memref<!tpu.dma_semaphore, #tpu.memory_space<semaphore_mem>>)
    %dma_start3A_48 = arith.constant 3 : i32
    %dma_start3A_49 = arith.constant 3 : i32
    %dma_start3A_50 = arith.constant 0 : i32
    %dma_start3A_51 = arith.constant 0 : i32
    %dma_start3A_52 = tpu.memref_slice %arg9[%dma_start3A_49, %dma_start3A_50, %dma_start3A_51] : memref<4x128x128xf32, #tpu.memory_space<vmem>> -> memref<1x128x128xf32, #tpu.memory_space<vmem>>
    %dma_start3A_53 = tpu.memref_squeeze %dma_start3A_52 : memref<1x128x128xf32, #tpu.memory_space<vmem>> -> memref<128x128xf32, #tpu.memory_space<vmem>>
    %dma_start3A_54 = arith.constant 0 : i32
    %dma_start3A_55 = tpu.memref_slice %arg7[%dma_start3A_48, %dma_start3A_54] : memref<80x128xi32, #tpu.memory_space<vmem>> -> memref<1x128xi32, #tpu.memory_space<vmem>>
    %dma_start3A_56 = tpu.memref_squeeze %dma_start3A_55 : memref<1x128xi32, #tpu.memory_space<vmem>> -> memref<128xi32, #tpu.memory_space<vmem>>
    %dma_start3A_57 = arith.constant 0 : i32
    %dma_start3A_58 = arith.constant 0 : i32
    %dma_start3A_59 = tpu.memref_slice %arg4[%dma_start3A_57, %dma_start3A_58] : memref<20000x128xf32, #tpu.memory_space<hbm>> -> memref<20000x128xf32, #tpu.memory_space<hbm>>
    tpu.enqueue_indirect_dma source(%dma_start3A_59 : memref<20000x128xf32, #tpu.memory_space<hbm>>) target(%dma_start3A_53 : memref<128x128xf32, #tpu.memory_space<vmem>>) offsets(%dma_start3A_56 : memref<128xi32, #tpu.memory_space<vmem>>) semaphore(%arg14 : memref<!tpu.dma_semaphore, #tpu.memory_space<semaphore_mem>>)
    %scan3A = arith.constant 0 : i32
    %scan3A_60 = arith.constant 0 : i32
    %scan3A_61 = arith.constant 20 : i32
    %scan3A_62 = arith.addi %scan3A_60, %scan3A_61 : i32
    %scan3A_63 = arith.constant 1 : i32
    scf.for %scan3A_98 = %scan3A_60 to %scan3A_62 step %scan3A_63  : i32 {
      %mul3A_99 = arith.constant 4 : i32
      %mul3A_100 = arith.muli %scan3A_98, %mul3A_99 : i32
      %add3A_101 = arith.constant 0 : i32
      %add3A_102 = arith.addi %mul3A_100, %add3A_101 : i32
      %dma_wait3A = arith.constant 0 : i32
      %dma_wait3A_103 = arith.constant 0 : i32
      %dma_wait3A_104 = arith.constant 0 : i32
      %dma_wait3A_105 = tpu.memref_slice %arg9[%dma_wait3A, %dma_wait3A_103, %dma_wait3A_104] : memref<4x128x128xf32, #tpu.memory_space<vmem>> -> memref<1x128x128xf32, #tpu.memory_space<vmem>>
      %dma_wait3A_106 = tpu.memref_squeeze %dma_wait3A_105 : memref<1x128x128xf32, #tpu.memory_space<vmem>> -> memref<128x128xf32, #tpu.memory_space<vmem>>
      %dma_wait3A_107 = arith.constant 0 : i32
      %dma_wait3A_108 = tpu.memref_slice %arg7[%add3A_102, %dma_wait3A_107] : memref<80x128xi32, #tpu.memory_space<vmem>> -> memref<1x128xi32, #tpu.memory_space<vmem>>
      %dma_wait3A_109 = tpu.memref_squeeze %dma_wait3A_108 : memref<1x128xi32, #tpu.memory_space<vmem>> -> memref<128xi32, #tpu.memory_space<vmem>>
      %dma_wait3A_110 = arith.constant 0 : i32
      %dma_wait3A_111 = arith.constant 0 : i32
      %dma_wait3A_112 = tpu.memref_slice %arg4[%dma_wait3A_110, %dma_wait3A_111] : memref<20000x128xf32, #tpu.memory_space<hbm>> -> memref<20000x128xf32, #tpu.memory_space<hbm>>
      tpu.wait_indirect_dma semaphore(%arg11 : memref<!tpu.dma_semaphore, #tpu.memory_space<semaphore_mem>>) src(%dma_wait3A_112 : memref<20000x128xf32, #tpu.memory_space<hbm>>) dst(%dma_wait3A_106 : memref<128x128xf32, #tpu.memory_space<vmem>>)
      %run_scoped3A_113 = arith.constant 0 : i32
      "tpu.region"() ({
        %run_scoped3A_189 = tpu.sem_alloc : memref<!tpu.dma_semaphore, #tpu.memory_space<semaphore_mem>>
        %dma_start3A_190 = arith.constant 0 : i32
        %dma_start3A_191 = arith.constant 0 : i32
        %dma_start3A_192 = tpu.memref_slice %arg9[%run_scoped3A_113, %dma_start3A_190, %dma_start3A_191] : memref<4x128x128xf32, #tpu.memory_space<vmem>> -> memref<1x128x128xf32, #tpu.memory_space<vmem>>
        %dma_start3A_193 = tpu.memref_squeeze %dma_start3A_192 : memref<1x128x128xf32, #tpu.memory_space<vmem>> -> memref<128x128xf32, #tpu.memory_space<vmem>>
        %dma_start3A_194 = arith.constant 0 : i32
        %dma_start3A_195 = tpu.memref_slice %arg8[%add3A_102, %dma_start3A_194] : memref<80x128xi32, #tpu.memory_space<vmem>> -> memref<1x128xi32, #tpu.memory_space<vmem>>
        %dma_start3A_196 = tpu.memref_squeeze %dma_start3A_195 : memref<1x128xi32, #tpu.memory_space<vmem>> -> memref<128xi32, #tpu.memory_space<vmem>>
        %dma_start3A_197 = arith.constant 0 : i32
        %dma_start3A_198 = arith.constant 0 : i32
        %dma_start3A_199 = tpu.memref_slice %arg10[%dma_start3A_197, %dma_start3A_198] : memref<5120x128xf32, #tpu.memory_space<vmem_shared>> -> memref<5120x128xf32, #tpu.memory_space<vmem_shared>>
        tpu.enqueue_indirect_dma source(%dma_start3A_193 : memref<128x128xf32, #tpu.memory_space<vmem>>) target(%dma_start3A_199 : memref<5120x128xf32, #tpu.memory_space<vmem_shared>>) offsets(%dma_start3A_196 : memref<128xi32, #tpu.memory_space<vmem>>) semaphore(%run_scoped3A_189 : memref<!tpu.dma_semaphore, #tpu.memory_space<semaphore_mem>>) {add = true}
        %dma_wait3A_200 = arith.constant 0 : i32
        %dma_wait3A_201 = arith.constant 0 : i32
        %dma_wait3A_202 = tpu.memref_slice %arg9[%run_scoped3A_113, %dma_wait3A_200, %dma_wait3A_201] : memref<4x128x128xf32, #tpu.memory_space<vmem>> -> memref<1x128x128xf32, #tpu.memory_space<vmem>>
        %dma_wait3A_203 = tpu.memref_squeeze %dma_wait3A_202 : memref<1x128x128xf32, #tpu.memory_space<vmem>> -> memref<128x128xf32, #tpu.memory_space<vmem>>
        %dma_wait3A_204 = arith.constant 0 : i32
        %dma_wait3A_205 = tpu.memref_slice %arg8[%add3A_102, %dma_wait3A_204] : memref<80x128xi32, #tpu.memory_space<vmem>> -> memref<1x128xi32, #tpu.memory_space<vmem>>
        %dma_wait3A_206 = tpu.memref_squeeze %dma_wait3A_205 : memref<1x128xi32, #tpu.memory_space<vmem>> -> memref<128xi32, #tpu.memory_space<vmem>>
        %dma_wait3A_207 = arith.constant 0 : i32
        %dma_wait3A_208 = arith.constant 0 : i32
        %dma_wait3A_209 = tpu.memref_slice %arg10[%dma_wait3A_207, %dma_wait3A_208] : memref<5120x128xf32, #tpu.memory_space<vmem_shared>> -> memref<5120x128xf32, #tpu.memory_space<vmem_shared>>
        tpu.wait_indirect_dma semaphore(%run_scoped3A_189 : memref<!tpu.dma_semaphore, #tpu.memory_space<semaphore_mem>>) src(%dma_wait3A_203 : memref<128x128xf32, #tpu.memory_space<vmem>>) dst(%dma_wait3A_209 : memref<5120x128xf32, #tpu.memory_space<vmem_shared>>)
        tpu.yield
      }) : () -> ()
      %add3A_114 = arith.constant 4 : i32
      %add3A_115 = arith.addi %add3A_102, %add3A_114 : i32
      %lt3A = arith.constant 80 : i32
      %lt3A_116 = arith.cmpi slt, %add3A_115, %lt3A : i32
      %convert_element_type3A_117 = arith.extui %lt3A_116 : i1 to i32
      %cond3A_118 = arith.constant 0 : i32
      %cond3A_119 = arith.cmpi ne, %convert_element_type3A_117, %cond3A_118 : i32
      scf.if %cond3A_119 {
        %add3A_189 = arith.constant 4 : i32
        %add3A_190 = arith.addi %add3A_102, %add3A_189 : i32
        %dma_start3A_191 = arith.constant 0 : i32
        %dma_start3A_192 = arith.constant 0 : i32
        %dma_start3A_193 = arith.constant 0 : i32
        %dma_start3A_194 = tpu.memref_slice %arg9[%dma_start3A_191, %dma_start3A_192, %dma_start3A_193] : memref<4x128x128xf32, #tpu.memory_space<vmem>> -> memref<1x128x128xf32, #tpu.memory_space<vmem>>
        %dma_start3A_195 = tpu.memref_squeeze %dma_start3A_194 : memref<1x128x128xf32, #tpu.memory_space<vmem>> -> memref<128x128xf32, #tpu.memory_space<vmem>>
        %dma_start3A_196 = arith.constant 0 : i32
        %dma_start3A_197 = tpu.memref_slice %arg7[%add3A_190, %dma_start3A_196] : memref<80x128xi32, #tpu.memory_space<vmem>> -> memref<1x128xi32, #tpu.memory_space<vmem>>
        %dma_start3A_198 = tpu.memref_squeeze %dma_start3A_197 : memref<1x128xi32, #tpu.memory_space<vmem>> -> memref<128xi32, #tpu.memory_space<vmem>>
        %dma_start3A_199 = arith.constant 0 : i32
        %dma_start3A_200 = arith.constant 0 : i32
        %dma_start3A_201 = tpu.memref_slice %arg4[%dma_start3A_199, %dma_start3A_200] : memref<20000x128xf32, #tpu.memory_space<hbm>> -> memref<20000x128xf32, #tpu.memory_space<hbm>>
        tpu.enqueue_indirect_dma source(%dma_start3A_201 : memref<20000x128xf32, #tpu.memory_space<hbm>>) target(%dma_start3A_195 : memref<128x128xf32, #tpu.memory_space<vmem>>) offsets(%dma_start3A_198 : memref<128xi32, #tpu.memory_space<vmem>>) semaphore(%arg11 : memref<!tpu.dma_semaphore, #tpu.memory_space<semaphore_mem>>)
      } else {
      }
      %mul3A_120 = arith.constant 4 : i32
      %mul3A_121 = arith.muli %scan3A_98, %mul3A_120 : i32
      %add3A_122 = arith.constant 1 : i32
      %add3A_123 = arith.addi %mul3A_121, %add3A_122 : i32
      %dma_wait3A_124 = arith.constant 1 : i32
      %dma_wait3A_125 = arith.constant 0 : i32
      %dma_wait3A_126 = arith.constant 0 : i32
      %dma_wait3A_127 = tpu.memref_slice %arg9[%dma_wait3A_124, %dma_wait3A_125, %dma_wait3A_126] : memref<4x128x128xf32, #tpu.memory_space<vmem>> -> memref<1x128x128xf32, #tpu.memory_space<vmem>>
      %dma_wait3A_128 = tpu.memref_squeeze %dma_wait3A_127 : memref<1x128x128xf32, #tpu.memory_space<vmem>> -> memref<128x128xf32, #tpu.memory_space<vmem>>
      %dma_wait3A_129 = arith.constant 0 : i32
      %dma_wait3A_130 = tpu.memref_slice %arg7[%add3A_123, %dma_wait3A_129] : memref<80x128xi32, #tpu.memory_space<vmem>> -> memref<1x128xi32, #tpu.memory_space<vmem>>
      %dma_wait3A_131 = tpu.memref_squeeze %dma_wait3A_130 : memref<1x128xi32, #tpu.memory_space<vmem>> -> memref<128xi32, #tpu.memory_space<vmem>>
      %dma_wait3A_132 = arith.constant 0 : i32
      %dma_wait3A_133 = arith.constant 0 : i32
      %dma_wait3A_134 = tpu.memref_slice %arg4[%dma_wait3A_132, %dma_wait3A_133] : memref<20000x128xf32, #tpu.memory_space<hbm>> -> memref<20000x128xf32, #tpu.memory_space<hbm>>
      tpu.wait_indirect_dma semaphore(%arg12 : memref<!tpu.dma_semaphore, #tpu.memory_space<semaphore_mem>>) src(%dma_wait3A_134 : memref<20000x128xf32, #tpu.memory_space<hbm>>) dst(%dma_wait3A_128 : memref<128x128xf32, #tpu.memory_space<vmem>>)
      %run_scoped3A_135 = arith.constant 1 : i32
      "tpu.region"() ({
        %run_scoped3A_189 = tpu.sem_alloc : memref<!tpu.dma_semaphore, #tpu.memory_space<semaphore_mem>>
        %dma_start3A_190 = arith.constant 0 : i32
        %dma_start3A_191 = arith.constant 0 : i32
        %dma_start3A_192 = tpu.memref_slice %arg9[%run_scoped3A_135, %dma_start3A_190, %dma_start3A_191] : memref<4x128x128xf32, #tpu.memory_space<vmem>> -> memref<1x128x128xf32, #tpu.memory_space<vmem>>
        %dma_start3A_193 = tpu.memref_squeeze %dma_start3A_192 : memref<1x128x128xf32, #tpu.memory_space<vmem>> -> memref<128x128xf32, #tpu.memory_space<vmem>>
        %dma_start3A_194 = arith.constant 0 : i32
        %dma_start3A_195 = tpu.memref_slice %arg8[%add3A_123, %dma_start3A_194] : memref<80x128xi32, #tpu.memory_space<vmem>> -> memref<1x128xi32, #tpu.memory_space<vmem>>
        %dma_start3A_196 = tpu.memref_squeeze %dma_start3A_195 : memref<1x128xi32, #tpu.memory_space<vmem>> -> memref<128xi32, #tpu.memory_space<vmem>>
        %dma_start3A_197 = arith.constant 0 : i32
        %dma_start3A_198 = arith.constant 0 : i32
        %dma_start3A_199 = tpu.memref_slice %arg10[%dma_start3A_197, %dma_start3A_198] : memref<5120x128xf32, #tpu.memory_space<vmem_shared>> -> memref<5120x128xf32, #tpu.memory_space<vmem_shared>>
        tpu.enqueue_indirect_dma source(%dma_start3A_193 : memref<128x128xf32, #tpu.memory_space<vmem>>) target(%dma_start3A_199 : memref<5120x128xf32, #tpu.memory_space<vmem_shared>>) offsets(%dma_start3A_196 : memref<128xi32, #tpu.memory_space<vmem>>) semaphore(%run_scoped3A_189 : memref<!tpu.dma_semaphore, #tpu.memory_space<semaphore_mem>>) {add = true}
        %dma_wait3A_200 = arith.constant 0 : i32
        %dma_wait3A_201 = arith.constant 0 : i32
        %dma_wait3A_202 = tpu.memref_slice %arg9[%run_scoped3A_135, %dma_wait3A_200, %dma_wait3A_201] : memref<4x128x128xf32, #tpu.memory_space<vmem>> -> memref<1x128x128xf32, #tpu.memory_space<vmem>>
        %dma_wait3A_203 = tpu.memref_squeeze %dma_wait3A_202 : memref<1x128x128xf32, #tpu.memory_space<vmem>> -> memref<128x128xf32, #tpu.memory_space<vmem>>
        %dma_wait3A_204 = arith.constant 0 : i32
        %dma_wait3A_205 = tpu.memref_slice %arg8[%add3A_123, %dma_wait3A_204] : memref<80x128xi32, #tpu.memory_space<vmem>> -> memref<1x128xi32, #tpu.memory_space<vmem>>
        %dma_wait3A_206 = tpu.memref_squeeze %dma_wait3A_205 : memref<1x128xi32, #tpu.memory_space<vmem>> -> memref<128xi32, #tpu.memory_space<vmem>>
        %dma_wait3A_207 = arith.constant 0 : i32
        %dma_wait3A_208 = arith.constant 0 : i32
        %dma_wait3A_209 = tpu.memref_slice %arg10[%dma_wait3A_207, %dma_wait3A_208] : memref<5120x128xf32, #tpu.memory_space<vmem_shared>> -> memref<5120x128xf32, #tpu.memory_space<vmem_shared>>
        tpu.wait_indirect_dma semaphore(%run_scoped3A_189 : memref<!tpu.dma_semaphore, #tpu.memory_space<semaphore_mem>>) src(%dma_wait3A_203 : memref<128x128xf32, #tpu.memory_space<vmem>>) dst(%dma_wait3A_209 : memref<5120x128xf32, #tpu.memory_space<vmem_shared>>)
        tpu.yield
      }) : () -> ()
      %add3A_136 = arith.constant 4 : i32
      %add3A_137 = arith.addi %add3A_123, %add3A_136 : i32
      %lt3A_138 = arith.constant 80 : i32
      %lt3A_139 = arith.cmpi slt, %add3A_137, %lt3A_138 : i32
      %convert_element_type3A_140 = arith.extui %lt3A_139 : i1 to i32
      %cond3A_141 = arith.constant 0 : i32
      %cond3A_142 = arith.cmpi ne, %convert_element_type3A_140, %cond3A_141 : i32
      scf.if %cond3A_142 {
        %add3A_189 = arith.constant 4 : i32
        %add3A_190 = arith.addi %add3A_123, %add3A_189 : i32
        %dma_start3A_191 = arith.constant 1 : i32
        %dma_start3A_192 = arith.constant 0 : i32
        %dma_start3A_193 = arith.constant 0 : i32
        %dma_start3A_194 = tpu.memref_slice %arg9[%dma_start3A_191, %dma_start3A_192, %dma_start3A_193] : memref<4x128x128xf32, #tpu.memory_space<vmem>> -> memref<1x128x128xf32, #tpu.memory_space<vmem>>
        %dma_start3A_195 = tpu.memref_squeeze %dma_start3A_194 : memref<1x128x128xf32, #tpu.memory_space<vmem>> -> memref<128x128xf32, #tpu.memory_space<vmem>>
        %dma_start3A_196 = arith.constant 0 : i32
        %dma_start3A_197 = tpu.memref_slice %arg7[%add3A_190, %dma_start3A_196] : memref<80x128xi32, #tpu.memory_space<vmem>> -> memref<1x128xi32, #tpu.memory_space<vmem>>
        %dma_start3A_198 = tpu.memref_squeeze %dma_start3A_197 : memref<1x128xi32, #tpu.memory_space<vmem>> -> memref<128xi32, #tpu.memory_space<vmem>>
        %dma_start3A_199 = arith.constant 0 : i32
        %dma_start3A_200 = arith.constant 0 : i32
        %dma_start3A_201 = tpu.memref_slice %arg4[%dma_start3A_199, %dma_start3A_200] : memref<20000x128xf32, #tpu.memory_space<hbm>> -> memref<20000x128xf32, #tpu.memory_space<hbm>>
        tpu.enqueue_indirect_dma source(%dma_start3A_201 : memref<20000x128xf32, #tpu.memory_space<hbm>>) target(%dma_start3A_195 : memref<128x128xf32, #tpu.memory_space<vmem>>) offsets(%dma_start3A_198 : memref<128xi32, #tpu.memory_space<vmem>>) semaphore(%arg12 : memref<!tpu.dma_semaphore, #tpu.memory_space<semaphore_mem>>)
      } else {
      }
      %mul3A_143 = arith.constant 4 : i32
      %mul3A_144 = arith.muli %scan3A_98, %mul3A_143 : i32
      %add3A_145 = arith.constant 2 : i32
      %add3A_146 = arith.addi %mul3A_144, %add3A_145 : i32
      %dma_wait3A_147 = arith.constant 2 : i32
      %dma_wait3A_148 = arith.constant 0 : i32
      %dma_wait3A_149 = arith.constant 0 : i32
      %dma_wait3A_150 = tpu.memref_slice %arg9[%dma_wait3A_147, %dma_wait3A_148, %dma_wait3A_149] : memref<4x128x128xf32, #tpu.memory_space<vmem>> -> memref<1x128x128xf32, #tpu.memory_space<vmem>>
      %dma_wait3A_151 = tpu.memref_squeeze %dma_wait3A_150 : memref<1x128x128xf32, #tpu.memory_space<vmem>> -> memref<128x128xf32, #tpu.memory_space<vmem>>
      %dma_wait3A_152 = arith.constant 0 : i32
      %dma_wait3A_153 = tpu.memref_slice %arg7[%add3A_146, %dma_wait3A_152] : memref<80x128xi32, #tpu.memory_space<vmem>> -> memref<1x128xi32, #tpu.memory_space<vmem>>
      %dma_wait3A_154 = tpu.memref_squeeze %dma_wait3A_153 : memref<1x128xi32, #tpu.memory_space<vmem>> -> memref<128xi32, #tpu.memory_space<vmem>>
      %dma_wait3A_155 = arith.constant 0 : i32
      %dma_wait3A_156 = arith.constant 0 : i32
      %dma_wait3A_157 = tpu.memref_slice %arg4[%dma_wait3A_155, %dma_wait3A_156] : memref<20000x128xf32, #tpu.memory_space<hbm>> -> memref<20000x128xf32, #tpu.memory_space<hbm>>
      tpu.wait_indirect_dma semaphore(%arg13 : memref<!tpu.dma_semaphore, #tpu.memory_space<semaphore_mem>>) src(%dma_wait3A_157 : memref<20000x128xf32, #tpu.memory_space<hbm>>) dst(%dma_wait3A_151 : memref<128x128xf32, #tpu.memory_space<vmem>>)
      %run_scoped3A_158 = arith.constant 2 : i32
      "tpu.region"() ({
        %run_scoped3A_189 = tpu.sem_alloc : memref<!tpu.dma_semaphore, #tpu.memory_space<semaphore_mem>>
        %dma_start3A_190 = arith.constant 0 : i32
        %dma_start3A_191 = arith.constant 0 : i32
        %dma_start3A_192 = tpu.memref_slice %arg9[%run_scoped3A_158, %dma_start3A_190, %dma_start3A_191] : memref<4x128x128xf32, #tpu.memory_space<vmem>> -> memref<1x128x128xf32, #tpu.memory_space<vmem>>
        %dma_start3A_193 = tpu.memref_squeeze %dma_start3A_192 : memref<1x128x128xf32, #tpu.memory_space<vmem>> -> memref<128x128xf32, #tpu.memory_space<vmem>>
        %dma_start3A_194 = arith.constant 0 : i32
        %dma_start3A_195 = tpu.memref_slice %arg8[%add3A_146, %dma_start3A_194] : memref<80x128xi32, #tpu.memory_space<vmem>> -> memref<1x128xi32, #tpu.memory_space<vmem>>
        %dma_start3A_196 = tpu.memref_squeeze %dma_start3A_195 : memref<1x128xi32, #tpu.memory_space<vmem>> -> memref<128xi32, #tpu.memory_space<vmem>>
        %dma_start3A_197 = arith.constant 0 : i32
        %dma_start3A_198 = arith.constant 0 : i32
        %dma_start3A_199 = tpu.memref_slice %arg10[%dma_start3A_197, %dma_start3A_198] : memref<5120x128xf32, #tpu.memory_space<vmem_shared>> -> memref<5120x128xf32, #tpu.memory_space<vmem_shared>>
        tpu.enqueue_indirect_dma source(%dma_start3A_193 : memref<128x128xf32, #tpu.memory_space<vmem>>) target(%dma_start3A_199 : memref<5120x128xf32, #tpu.memory_space<vmem_shared>>) offsets(%dma_start3A_196 : memref<128xi32, #tpu.memory_space<vmem>>) semaphore(%run_scoped3A_189 : memref<!tpu.dma_semaphore, #tpu.memory_space<semaphore_mem>>) {add = true}
        %dma_wait3A_200 = arith.constant 0 : i32
        %dma_wait3A_201 = arith.constant 0 : i32
        %dma_wait3A_202 = tpu.memref_slice %arg9[%run_scoped3A_158, %dma_wait3A_200, %dma_wait3A_201] : memref<4x128x128xf32, #tpu.memory_space<vmem>> -> memref<1x128x128xf32, #tpu.memory_space<vmem>>
        %dma_wait3A_203 = tpu.memref_squeeze %dma_wait3A_202 : memref<1x128x128xf32, #tpu.memory_space<vmem>> -> memref<128x128xf32, #tpu.memory_space<vmem>>
        %dma_wait3A_204 = arith.constant 0 : i32
        %dma_wait3A_205 = tpu.memref_slice %arg8[%add3A_146, %dma_wait3A_204] : memref<80x128xi32, #tpu.memory_space<vmem>> -> memref<1x128xi32, #tpu.memory_space<vmem>>
        %dma_wait3A_206 = tpu.memref_squeeze %dma_wait3A_205 : memref<1x128xi32, #tpu.memory_space<vmem>> -> memref<128xi32, #tpu.memory_space<vmem>>
        %dma_wait3A_207 = arith.constant 0 : i32
        %dma_wait3A_208 = arith.constant 0 : i32
        %dma_wait3A_209 = tpu.memref_slice %arg10[%dma_wait3A_207, %dma_wait3A_208] : memref<5120x128xf32, #tpu.memory_space<vmem_shared>> -> memref<5120x128xf32, #tpu.memory_space<vmem_shared>>
        tpu.wait_indirect_dma semaphore(%run_scoped3A_189 : memref<!tpu.dma_semaphore, #tpu.memory_space<semaphore_mem>>) src(%dma_wait3A_203 : memref<128x128xf32, #tpu.memory_space<vmem>>) dst(%dma_wait3A_209 : memref<5120x128xf32, #tpu.memory_space<vmem_shared>>)
        tpu.yield
      }) : () -> ()
      %add3A_159 = arith.constant 4 : i32
      %add3A_160 = arith.addi %add3A_146, %add3A_159 : i32
      %lt3A_161 = arith.constant 80 : i32
      %lt3A_162 = arith.cmpi slt, %add3A_160, %lt3A_161 : i32
      %convert_element_type3A_163 = arith.extui %lt3A_162 : i1 to i32
      %cond3A_164 = arith.constant 0 : i32
      %cond3A_165 = arith.cmpi ne, %convert_element_type3A_163, %cond3A_164 : i32
      scf.if %cond3A_165 {
        %add3A_189 = arith.constant 4 : i32
        %add3A_190 = arith.addi %add3A_146, %add3A_189 : i32
        %dma_start3A_191 = arith.constant 2 : i32
        %dma_start3A_192 = arith.constant 0 : i32
        %dma_start3A_193 = arith.constant 0 : i32
        %dma_start3A_194 = tpu.memref_slice %arg9[%dma_start3A_191, %dma_start3A_192, %dma_start3A_193] : memref<4x128x128xf32, #tpu.memory_space<vmem>> -> memref<1x128x128xf32, #tpu.memory_space<vmem>>
        %dma_start3A_195 = tpu.memref_squeeze %dma_start3A_194 : memref<1x128x128xf32, #tpu.memory_space<vmem>> -> memref<128x128xf32, #tpu.memory_space<vmem>>
        %dma_start3A_196 = arith.constant 0 : i32
        %dma_start3A_197 = tpu.memref_slice %arg7[%add3A_190, %dma_start3A_196] : memref<80x128xi32, #tpu.memory_space<vmem>> -> memref<1x128xi32, #tpu.memory_space<vmem>>
        %dma_start3A_198 = tpu.memref_squeeze %dma_start3A_197 : memref<1x128xi32, #tpu.memory_space<vmem>> -> memref<128xi32, #tpu.memory_space<vmem>>
        %dma_start3A_199 = arith.constant 0 : i32
        %dma_start3A_200 = arith.constant 0 : i32
        %dma_start3A_201 = tpu.memref_slice %arg4[%dma_start3A_199, %dma_start3A_200] : memref<20000x128xf32, #tpu.memory_space<hbm>> -> memref<20000x128xf32, #tpu.memory_space<hbm>>
        tpu.enqueue_indirect_dma source(%dma_start3A_201 : memref<20000x128xf32, #tpu.memory_space<hbm>>) target(%dma_start3A_195 : memref<128x128xf32, #tpu.memory_space<vmem>>) offsets(%dma_start3A_198 : memref<128xi32, #tpu.memory_space<vmem>>) semaphore(%arg13 : memref<!tpu.dma_semaphore, #tpu.memory_space<semaphore_mem>>)
      } else {
      }
      %mul3A_166 = arith.constant 4 : i32
      %mul3A_167 = arith.muli %scan3A_98, %mul3A_166 : i32
      %add3A_168 = arith.constant 3 : i32
      %add3A_169 = arith.addi %mul3A_167, %add3A_168 : i32
      %dma_wait3A_170 = arith.constant 3 : i32
      %dma_wait3A_171 = arith.constant 0 : i32
      %dma_wait3A_172 = arith.constant 0 : i32
      %dma_wait3A_173 = tpu.memref_slice %arg9[%dma_wait3A_170, %dma_wait3A_171, %dma_wait3A_172] : memref<4x128x128xf32, #tpu.memory_space<vmem>> -> memref<1x128x128xf32, #tpu.memory_space<vmem>>
      %dma_wait3A_174 = tpu.memref_squeeze %dma_wait3A_173 : memref<1x128x128xf32, #tpu.memory_space<vmem>> -> memref<128x128xf32, #tpu.memory_space<vmem>>
      %dma_wait3A_175 = arith.constant 0 : i32
      %dma_wait3A_176 = tpu.memref_slice %arg7[%add3A_169, %dma_wait3A_175] : memref<80x128xi32, #tpu.memory_space<vmem>> -> memref<1x128xi32, #tpu.memory_space<vmem>>
      %dma_wait3A_177 = tpu.memref_squeeze %dma_wait3A_176 : memref<1x128xi32, #tpu.memory_space<vmem>> -> memref<128xi32, #tpu.memory_space<vmem>>
      %dma_wait3A_178 = arith.constant 0 : i32
      %dma_wait3A_179 = arith.constant 0 : i32
      %dma_wait3A_180 = tpu.memref_slice %arg4[%dma_wait3A_178, %dma_wait3A_179] : memref<20000x128xf32, #tpu.memory_space<hbm>> -> memref<20000x128xf32, #tpu.memory_space<hbm>>
      tpu.wait_indirect_dma semaphore(%arg14 : memref<!tpu.dma_semaphore, #tpu.memory_space<semaphore_mem>>) src(%dma_wait3A_180 : memref<20000x128xf32, #tpu.memory_space<hbm>>) dst(%dma_wait3A_174 : memref<128x128xf32, #tpu.memory_space<vmem>>)
      %run_scoped3A_181 = arith.constant 3 : i32
      "tpu.region"() ({
        %run_scoped3A_189 = tpu.sem_alloc : memref<!tpu.dma_semaphore, #tpu.memory_space<semaphore_mem>>
        %dma_start3A_190 = arith.constant 0 : i32
        %dma_start3A_191 = arith.constant 0 : i32
        %dma_start3A_192 = tpu.memref_slice %arg9[%run_scoped3A_181, %dma_start3A_190, %dma_start3A_191] : memref<4x128x128xf32, #tpu.memory_space<vmem>> -> memref<1x128x128xf32, #tpu.memory_space<vmem>>
        %dma_start3A_193 = tpu.memref_squeeze %dma_start3A_192 : memref<1x128x128xf32, #tpu.memory_space<vmem>> -> memref<128x128xf32, #tpu.memory_space<vmem>>
        %dma_start3A_194 = arith.constant 0 : i32
        %dma_start3A_195 = tpu.memref_slice %arg8[%add3A_169, %dma_start3A_194] : memref<80x128xi32, #tpu.memory_space<vmem>> -> memref<1x128xi32, #tpu.memory_space<vmem>>
        %dma_start3A_196 = tpu.memref_squeeze %dma_start3A_195 : memref<1x128xi32, #tpu.memory_space<vmem>> -> memref<128xi32, #tpu.memory_space<vmem>>
        %dma_start3A_197 = arith.constant 0 : i32
        %dma_start3A_198 = arith.constant 0 : i32
        %dma_start3A_199 = tpu.memref_slice %arg10[%dma_start3A_197, %dma_start3A_198] : memref<5120x128xf32, #tpu.memory_space<vmem_shared>> -> memref<5120x128xf32, #tpu.memory_space<vmem_shared>>
        tpu.enqueue_indirect_dma source(%dma_start3A_193 : memref<128x128xf32, #tpu.memory_space<vmem>>) target(%dma_start3A_199 : memref<5120x128xf32, #tpu.memory_space<vmem_shared>>) offsets(%dma_start3A_196 : memref<128xi32, #tpu.memory_space<vmem>>) semaphore(%run_scoped3A_189 : memref<!tpu.dma_semaphore, #tpu.memory_space<semaphore_mem>>) {add = true}
        %dma_wait3A_200 = arith.constant 0 : i32
        %dma_wait3A_201 = arith.constant 0 : i32
        %dma_wait3A_202 = tpu.memref_slice %arg9[%run_scoped3A_181, %dma_wait3A_200, %dma_wait3A_201] : memref<4x128x128xf32, #tpu.memory_space<vmem>> -> memref<1x128x128xf32, #tpu.memory_space<vmem>>
        %dma_wait3A_203 = tpu.memref_squeeze %dma_wait3A_202 : memref<1x128x128xf32, #tpu.memory_space<vmem>> -> memref<128x128xf32, #tpu.memory_space<vmem>>
        %dma_wait3A_204 = arith.constant 0 : i32
        %dma_wait3A_205 = tpu.memref_slice %arg8[%add3A_169, %dma_wait3A_204] : memref<80x128xi32, #tpu.memory_space<vmem>> -> memref<1x128xi32, #tpu.memory_space<vmem>>
        %dma_wait3A_206 = tpu.memref_squeeze %dma_wait3A_205 : memref<1x128xi32, #tpu.memory_space<vmem>> -> memref<128xi32, #tpu.memory_space<vmem>>
        %dma_wait3A_207 = arith.constant 0 : i32
        %dma_wait3A_208 = arith.constant 0 : i32
        %dma_wait3A_209 = tpu.memref_slice %arg10[%dma_wait3A_207, %dma_wait3A_208] : memref<5120x128xf32, #tpu.memory_space<vmem_shared>> -> memref<5120x128xf32, #tpu.memory_space<vmem_shared>>
        tpu.wait_indirect_dma semaphore(%run_scoped3A_189 : memref<!tpu.dma_semaphore, #tpu.memory_space<semaphore_mem>>) src(%dma_wait3A_203 : memref<128x128xf32, #tpu.memory_space<vmem>>) dst(%dma_wait3A_209 : memref<5120x128xf32, #tpu.memory_space<vmem_shared>>)
        tpu.yield
      }) : () -> ()
      %add3A_182 = arith.constant 4 : i32
      %add3A_183 = arith.addi %add3A_169, %add3A_182 : i32
      %lt3A_184 = arith.constant 80 : i32
      %lt3A_185 = arith.cmpi slt, %add3A_183, %lt3A_184 : i32
      %convert_element_type3A_186 = arith.extui %lt3A_185 : i1 to i32
      %cond3A_187 = arith.constant 0 : i32
      %cond3A_188 = arith.cmpi ne, %convert_element_type3A_186, %cond3A_187 : i32
      scf.if %cond3A_188 {
        %add3A_189 = arith.constant 4 : i32
        %add3A_190 = arith.addi %add3A_169, %add3A_189 : i32
        %dma_start3A_191 = arith.constant 3 : i32
        %dma_start3A_192 = arith.constant 0 : i32
        %dma_start3A_193 = arith.constant 0 : i32
        %dma_start3A_194 = tpu.memref_slice %arg9[%dma_start3A_191, %dma_start3A_192, %dma_start3A_193] : memref<4x128x128xf32, #tpu.memory_space<vmem>> -> memref<1x128x128xf32, #tpu.memory_space<vmem>>
        %dma_start3A_195 = tpu.memref_squeeze %dma_start3A_194 : memref<1x128x128xf32, #tpu.memory_space<vmem>> -> memref<128x128xf32, #tpu.memory_space<vmem>>
        %dma_start3A_196 = arith.constant 0 : i32
        %dma_start3A_197 = tpu.memref_slice %arg7[%add3A_190, %dma_start3A_196] : memref<80x128xi32, #tpu.memory_space<vmem>> -> memref<1x128xi32, #tpu.memory_space<vmem>>
        %dma_start3A_198 = tpu.memref_squeeze %dma_start3A_197 : memref<1x128xi32, #tpu.memory_space<vmem>> -> memref<128xi32, #tpu.memory_space<vmem>>
        %dma_start3A_199 = arith.constant 0 : i32
        %dma_start3A_200 = arith.constant 0 : i32
        %dma_start3A_201 = tpu.memref_slice %arg4[%dma_start3A_199, %dma_start3A_200] : memref<20000x128xf32, #tpu.memory_space<hbm>> -> memref<20000x128xf32, #tpu.memory_space<hbm>>
        tpu.enqueue_indirect_dma source(%dma_start3A_201 : memref<20000x128xf32, #tpu.memory_space<hbm>>) target(%dma_start3A_195 : memref<128x128xf32, #tpu.memory_space<vmem>>) offsets(%dma_start3A_198 : memref<128xi32, #tpu.memory_space<vmem>>) semaphore(%arg14 : memref<!tpu.dma_semaphore, #tpu.memory_space<semaphore_mem>>)
      } else {
      }
    }
    %scan3A_64 = arith.constant 20 : i32
    %barrier3A_65 = arith.constant 0 : index
    tpu.barrier barrier_id(%barrier3A_65)
    %mul3A_66 = arith.constant 312 : i32
    %mul3A_67 = arith.muli %arg1, %mul3A_66 : i32
    %add3A_68 = arith.constant 0 : i32
    %add3A_69 = arith.addi %mul3A_67, %add3A_68 : i32
    %run_scoped3A_70 = arith.constant 0 : i32
    "tpu.region"() ({
      %run_scoped3A_98 = tpu.sem_alloc : memref<!tpu.dma_semaphore, #tpu.memory_space<semaphore_mem>>
      %dma_start3A_99 = arith.constant 0 : i32
      %dma_start3A_100 = arith.constant 0 : i32
      %dma_start3A_101 = tpu.memref_slice %arg9[%run_scoped3A_70, %dma_start3A_99, %dma_start3A_100] : memref<4x128x128xf32, #tpu.memory_space<vmem>> -> memref<1x128x128xf32, #tpu.memory_space<vmem>>
      %dma_start3A_102 = tpu.memref_squeeze %dma_start3A_101 : memref<1x128x128xf32, #tpu.memory_space<vmem>> -> memref<128x128xf32, #tpu.memory_space<vmem>>
      %dma_start3A_103 = arith.constant 0 : i32
      %dma_start3A_104 = tpu.memref_slice %arg10[%add3A_69, %dma_start3A_103] : memref<5120x128xf32, #tpu.memory_space<vmem_shared>> -> memref<128x128xf32, #tpu.memory_space<vmem_shared>>
      %dma_start3A_105 = arith.constant 0 : i32
      %dma_start3A_106 = arith.constant 0 : i32
      %dma_start3A_107 = tpu.memref_slice %arg9[%run_scoped3A_70, %dma_start3A_105, %dma_start3A_106] : memref<4x128x128xf32, #tpu.memory_space<vmem>> -> memref<1x128x128xf32, #tpu.memory_space<vmem>>
      %dma_start3A_108 = tpu.memref_squeeze %dma_start3A_107 : memref<1x128x128xf32, #tpu.memory_space<vmem>> -> memref<128x128xf32, #tpu.memory_space<vmem>>
      %dma_start3A_109 = arith.constant 0 : i32
      %dma_start3A_110 = tpu.memref_slice %arg10[%add3A_69, %dma_start3A_109] : memref<5120x128xf32, #tpu.memory_space<vmem_shared>> -> memref<128x128xf32, #tpu.memory_space<vmem_shared>>
      tpu.enqueue_dma source(%dma_start3A_110 : memref<128x128xf32, #tpu.memory_space<vmem_shared>>) target(%dma_start3A_108 : memref<128x128xf32, #tpu.memory_space<vmem>>) target_semaphore(%run_scoped3A_98 : memref<!tpu.dma_semaphore, #tpu.memory_space<semaphore_mem>>)
      %dma_wait3A = arith.constant 0 : i32
      %dma_wait3A_111 = arith.constant 0 : i32
      %dma_wait3A_112 = tpu.memref_slice %arg9[%run_scoped3A_70, %dma_wait3A, %dma_wait3A_111] : memref<4x128x128xf32, #tpu.memory_space<vmem>> -> memref<1x128x128xf32, #tpu.memory_space<vmem>>
      %dma_wait3A_113 = tpu.memref_squeeze %dma_wait3A_112 : memref<1x128x128xf32, #tpu.memory_space<vmem>> -> memref<128x128xf32, #tpu.memory_space<vmem>>
      %dma_wait3A_114 = arith.constant 0 : i32
      %dma_wait3A_115 = tpu.memref_slice %arg10[%add3A_69, %dma_wait3A_114] : memref<5120x128xf32, #tpu.memory_space<vmem_shared>> -> memref<128x128xf32, #tpu.memory_space<vmem_shared>>
      %dma_wait3A_116 = arith.constant 0 : i32
      %dma_wait3A_117 = arith.constant 0 : i32
      %dma_wait3A_118 = tpu.memref_slice %arg9[%run_scoped3A_70, %dma_wait3A_116, %dma_wait3A_117] : memref<4x128x128xf32, #tpu.memory_space<vmem>> -> memref<1x128x128xf32, #tpu.memory_space<vmem>>
      %dma_wait3A_119 = tpu.memref_squeeze %dma_wait3A_118 : memref<1x128x128xf32, #tpu.memory_space<vmem>> -> memref<128x128xf32, #tpu.memory_space<vmem>>
      %dma_wait3A_120 = arith.constant 0 : i32
      %dma_wait3A_121 = tpu.memref_slice %arg10[%add3A_69, %dma_wait3A_120] : memref<5120x128xf32, #tpu.memory_space<vmem_shared>> -> memref<128x128xf32, #tpu.memory_space<vmem_shared>>
      tpu.wait_dma2 semaphore(%run_scoped3A_98 : memref<!tpu.dma_semaphore, #tpu.memory_space<semaphore_mem>>) src(%dma_wait3A_121 : memref<128x128xf32, #tpu.memory_space<vmem_shared>>) dst(%dma_wait3A_119 : memref<128x128xf32, #tpu.memory_space<vmem>>)
      tpu.yield
    }) : () -> ()
    %mul3A_71 = arith.constant 312 : i32
    %mul3A_72 = arith.muli %arg1, %mul3A_71 : i32
    %add3A_73 = arith.constant 0 : i32
    %add3A_74 = arith.addi %mul3A_72, %add3A_73 : i32
    %run_scoped3A_75 = arith.constant 0 : i32
    "tpu.region"() ({
      %run_scoped3A_98 = tpu.sem_alloc : memref<!tpu.dma_semaphore, #tpu.memory_space<semaphore_mem>>
      %dma_start3A_99 = arith.constant 0 : i32
      %dma_start3A_100 = arith.constant 0 : i32
      %dma_start3A_101 = tpu.memref_slice %arg9[%run_scoped3A_75, %dma_start3A_99, %dma_start3A_100] : memref<4x128x128xf32, #tpu.memory_space<vmem>> -> memref<1x128x128xf32, #tpu.memory_space<vmem>>
      %dma_start3A_102 = tpu.memref_squeeze %dma_start3A_101 : memref<1x128x128xf32, #tpu.memory_space<vmem>> -> memref<128x128xf32, #tpu.memory_space<vmem>>
      %dma_start3A_103 = arith.constant 0 : i32
      %dma_start3A_104 = tpu.memref_slice %arg6[%arg0, %add3A_74, %dma_start3A_103] : memref<2x5000x128xf32, #tpu.memory_space<hbm>> -> memref<1x128x128xf32, #tpu.memory_space<hbm>>
      %dma_start3A_105 = tpu.memref_squeeze %dma_start3A_104 : memref<1x128x128xf32, #tpu.memory_space<hbm>> -> memref<128x128xf32, #tpu.memory_space<hbm>>
      %dma_start3A_106 = arith.constant 0 : i32
      %dma_start3A_107 = tpu.memref_slice %arg6[%arg0, %add3A_74, %dma_start3A_106] : memref<2x5000x128xf32, #tpu.memory_space<hbm>> -> memref<1x128x128xf32, #tpu.memory_space<hbm>>
      %dma_start3A_108 = tpu.memref_squeeze %dma_start3A_107 : memref<1x128x128xf32, #tpu.memory_space<hbm>> -> memref<128x128xf32, #tpu.memory_space<hbm>>
      %dma_start3A_109 = arith.constant 0 : i32
      %dma_start3A_110 = arith.constant 0 : i32
      %dma_start3A_111 = tpu.memref_slice %arg9[%run_scoped3A_75, %dma_start3A_109, %dma_start3A_110] : memref<4x128x128xf32, #tpu.memory_space<vmem>> -> memref<1x128x128xf32, #tpu.memory_space<vmem>>
      %dma_start3A_112 = tpu.memref_squeeze %dma_start3A_111 : memref<1x128x128xf32, #tpu.memory_space<vmem>> -> memref<128x128xf32, #tpu.memory_space<vmem>>
      tpu.enqueue_dma source(%dma_start3A_112 : memref<128x128xf32, #tpu.memory_space<vmem>>) target(%dma_start3A_108 : memref<128x128xf32, #tpu.memory_space<hbm>>) target_semaphore(%run_scoped3A_98 : memref<!tpu.dma_semaphore, #tpu.memory_space<semaphore_mem>>)
      %dma_wait3A = arith.constant 0 : i32
      %dma_wait3A_113 = arith.constant 0 : i32
      %dma_wait3A_114 = tpu.memref_slice %arg9[%run_scoped3A_75, %dma_wait3A, %dma_wait3A_113] : memref<4x128x128xf32, #tpu.memory_space<vmem>> -> memref<1x128x128xf32, #tpu.memory_space<vmem>>
      %dma_wait3A_115 = tpu.memref_squeeze %dma_wait3A_114 : memref<1x128x128xf32, #tpu.memory_space<vmem>> -> memref<128x128xf32, #tpu.memory_space<vmem>>
      %dma_wait3A_116 = arith.constant 0 : i32
      %dma_wait3A_117 = tpu.memref_slice %arg6[%arg0, %add3A_74, %dma_wait3A_116] : memref<2x5000x128xf32, #tpu.memory_space<hbm>> -> memref<1x128x128xf32, #tpu.memory_space<hbm>>
      %dma_wait3A_118 = tpu.memref_squeeze %dma_wait3A_117 : memref<1x128x128xf32, #tpu.memory_space<hbm>> -> memref<128x128xf32, #tpu.memory_space<hbm>>
      %dma_wait3A_119 = arith.constant 0 : i32
      %dma_wait3A_120 = tpu.memref_slice %arg6[%arg0, %add3A_74, %dma_wait3A_119] : memref<2x5000x128xf32, #tpu.memory_space<hbm>> -> memref<1x128x128xf32, #tpu.memory_space<hbm>>
      %dma_wait3A_121 = tpu.memref_squeeze %dma_wait3A_120 : memref<1x128x128xf32, #tpu.memory_space<hbm>> -> memref<128x128xf32, #tpu.memory_space<hbm>>
      %dma_wait3A_122 = arith.constant 0 : i32
      %dma_wait3A_123 = arith.constant 0 : i32
      %dma_wait3A_124 = tpu.memref_slice %arg9[%run_scoped3A_75, %dma_wait3A_122, %dma_wait3A_123] : memref<4x128x128xf32, #tpu.memory_space<vmem>> -> memref<1x128x128xf32, #tpu.memory_space<vmem>>
      %dma_wait3A_125 = tpu.memref_squeeze %dma_wait3A_124 : memref<1x128x128xf32, #tpu.memory_space<vmem>> -> memref<128x128xf32, #tpu.memory_space<vmem>>
      tpu.wait_dma2 semaphore(%run_scoped3A_98 : memref<!tpu.dma_semaphore, #tpu.memory_space<semaphore_mem>>) src(%dma_wait3A_125 : memref<128x128xf32, #tpu.memory_space<vmem>>) dst(%dma_wait3A_121 : memref<128x128xf32, #tpu.memory_space<hbm>>)
      tpu.yield
    }) : () -> ()
    %mul3A_76 = arith.constant 312 : i32
    %mul3A_77 = arith.muli %arg1, %mul3A_76 : i32
    %add3A_78 = arith.constant 128 : i32
    %add3A_79 = arith.addi %mul3A_77, %add3A_78 : i32
    %run_scoped3A_80 = arith.constant 0 : i32
    "tpu.region"() ({
      %run_scoped3A_98 = tpu.sem_alloc : memref<!tpu.dma_semaphore, #tpu.memory_space<semaphore_mem>>
      %dma_start3A_99 = arith.constant 0 : i32
      %dma_start3A_100 = arith.constant 0 : i32
      %dma_start3A_101 = tpu.memref_slice %arg9[%run_scoped3A_80, %dma_start3A_99, %dma_start3A_100] : memref<4x128x128xf32, #tpu.memory_space<vmem>> -> memref<1x128x128xf32, #tpu.memory_space<vmem>>
      %dma_start3A_102 = tpu.memref_squeeze %dma_start3A_101 : memref<1x128x128xf32, #tpu.memory_space<vmem>> -> memref<128x128xf32, #tpu.memory_space<vmem>>
      %dma_start3A_103 = arith.constant 0 : i32
      %dma_start3A_104 = tpu.memref_slice %arg10[%add3A_79, %dma_start3A_103] : memref<5120x128xf32, #tpu.memory_space<vmem_shared>> -> memref<128x128xf32, #tpu.memory_space<vmem_shared>>
      %dma_start3A_105 = arith.constant 0 : i32
      %dma_start3A_106 = arith.constant 0 : i32
      %dma_start3A_107 = tpu.memref_slice %arg9[%run_scoped3A_80, %dma_start3A_105, %dma_start3A_106] : memref<4x128x128xf32, #tpu.memory_space<vmem>> -> memref<1x128x128xf32, #tpu.memory_space<vmem>>
      %dma_start3A_108 = tpu.memref_squeeze %dma_start3A_107 : memref<1x128x128xf32, #tpu.memory_space<vmem>> -> memref<128x128xf32, #tpu.memory_space<vmem>>
      %dma_start3A_109 = arith.constant 0 : i32
      %dma_start3A_110 = tpu.memref_slice %arg10[%add3A_79, %dma_start3A_109] : memref<5120x128xf32, #tpu.memory_space<vmem_shared>> -> memref<128x128xf32, #tpu.memory_space<vmem_shared>>
      tpu.enqueue_dma source(%dma_start3A_110 : memref<128x128xf32, #tpu.memory_space<vmem_shared>>) target(%dma_start3A_108 : memref<128x128xf32, #tpu.memory_space<vmem>>) target_semaphore(%run_scoped3A_98 : memref<!tpu.dma_semaphore, #tpu.memory_space<semaphore_mem>>)
      %dma_wait3A = arith.constant 0 : i32
      %dma_wait3A_111 = arith.constant 0 : i32
      %dma_wait3A_112 = tpu.memref_slice %arg9[%run_scoped3A_80, %dma_wait3A, %dma_wait3A_111] : memref<4x128x128xf32, #tpu.memory_space<vmem>> -> memref<1x128x128xf32, #tpu.memory_space<vmem>>
      %dma_wait3A_113 = tpu.memref_squeeze %dma_wait3A_112 : memref<1x128x128xf32, #tpu.memory_space<vmem>> -> memref<128x128xf32, #tpu.memory_space<vmem>>
      %dma_wait3A_114 = arith.constant 0 : i32
      %dma_wait3A_115 = tpu.memref_slice %arg10[%add3A_79, %dma_wait3A_114] : memref<5120x128xf32, #tpu.memory_space<vmem_shared>> -> memref<128x128xf32, #tpu.memory_space<vmem_shared>>
      %dma_wait3A_116 = arith.constant 0 : i32
      %dma_wait3A_117 = arith.constant 0 : i32
      %dma_wait3A_118 = tpu.memref_slice %arg9[%run_scoped3A_80, %dma_wait3A_116, %dma_wait3A_117] : memref<4x128x128xf32, #tpu.memory_space<vmem>> -> memref<1x128x128xf32, #tpu.memory_space<vmem>>
      %dma_wait3A_119 = tpu.memref_squeeze %dma_wait3A_118 : memref<1x128x128xf32, #tpu.memory_space<vmem>> -> memref<128x128xf32, #tpu.memory_space<vmem>>
      %dma_wait3A_120 = arith.constant 0 : i32
      %dma_wait3A_121 = tpu.memref_slice %arg10[%add3A_79, %dma_wait3A_120] : memref<5120x128xf32, #tpu.memory_space<vmem_shared>> -> memref<128x128xf32, #tpu.memory_space<vmem_shared>>
      tpu.wait_dma2 semaphore(%run_scoped3A_98 : memref<!tpu.dma_semaphore, #tpu.memory_space<semaphore_mem>>) src(%dma_wait3A_121 : memref<128x128xf32, #tpu.memory_space<vmem_shared>>) dst(%dma_wait3A_119 : memref<128x128xf32, #tpu.memory_space<vmem>>)
      tpu.yield
    }) : () -> ()
    %mul3A_81 = arith.constant 312 : i32
    %mul3A_82 = arith.muli %arg1, %mul3A_81 : i32
    %add3A_83 = arith.constant 128 : i32
    %add3A_84 = arith.addi %mul3A_82, %add3A_83 : i32
    %run_scoped3A_85 = arith.constant 0 : i32
    "tpu.region"() ({
      %run_scoped3A_98 = tpu.sem_alloc : memref<!tpu.dma_semaphore, #tpu.memory_space<semaphore_mem>>
      %dma_start3A_99 = arith.constant 0 : i32
      %dma_start3A_100 = arith.constant 0 : i32
      %dma_start3A_101 = tpu.memref_slice %arg9[%run_scoped3A_85, %dma_start3A_99, %dma_start3A_100] : memref<4x128x128xf32, #tpu.memory_space<vmem>> -> memref<1x128x128xf32, #tpu.memory_space<vmem>>
      %dma_start3A_102 = tpu.memref_squeeze %dma_start3A_101 : memref<1x128x128xf32, #tpu.memory_space<vmem>> -> memref<128x128xf32, #tpu.memory_space<vmem>>
      %dma_start3A_103 = arith.constant 0 : i32
      %dma_start3A_104 = tpu.memref_slice %arg6[%arg0, %add3A_84, %dma_start3A_103] : memref<2x5000x128xf32, #tpu.memory_space<hbm>> -> memref<1x128x128xf32, #tpu.memory_space<hbm>>
      %dma_start3A_105 = tpu.memref_squeeze %dma_start3A_104 : memref<1x128x128xf32, #tpu.memory_space<hbm>> -> memref<128x128xf32, #tpu.memory_space<hbm>>
      %dma_start3A_106 = arith.constant 0 : i32
      %dma_start3A_107 = tpu.memref_slice %arg6[%arg0, %add3A_84, %dma_start3A_106] : memref<2x5000x128xf32, #tpu.memory_space<hbm>> -> memref<1x128x128xf32, #tpu.memory_space<hbm>>
      %dma_start3A_108 = tpu.memref_squeeze %dma_start3A_107 : memref<1x128x128xf32, #tpu.memory_space<hbm>> -> memref<128x128xf32, #tpu.memory_space<hbm>>
      %dma_start3A_109 = arith.constant 0 : i32
      %dma_start3A_110 = arith.constant 0 : i32
      %dma_start3A_111 = tpu.memref_slice %arg9[%run_scoped3A_85, %dma_start3A_109, %dma_start3A_110] : memref<4x128x128xf32, #tpu.memory_space<vmem>> -> memref<1x128x128xf32, #tpu.memory_space<vmem>>
      %dma_start3A_112 = tpu.memref_squeeze %dma_start3A_111 : memref<1x128x128xf32, #tpu.memory_space<vmem>> -> memref<128x128xf32, #tpu.memory_space<vmem>>
      tpu.enqueue_dma source(%dma_start3A_112 : memref<128x128xf32, #tpu.memory_space<vmem>>) target(%dma_start3A_108 : memref<128x128xf32, #tpu.memory_space<hbm>>) target_semaphore(%run_scoped3A_98 : memref<!tpu.dma_semaphore, #tpu.memory_space<semaphore_mem>>)
      %dma_wait3A = arith.constant 0 : i32
      %dma_wait3A_113 = arith.constant 0 : i32
      %dma_wait3A_114 = tpu.memref_slice %arg9[%run_scoped3A_85, %dma_wait3A, %dma_wait3A_113] : memref<4x128x128xf32, #tpu.memory_space<vmem>> -> memref<1x128x128xf32, #tpu.memory_space<vmem>>
      %dma_wait3A_115 = tpu.memref_squeeze %dma_wait3A_114 : memref<1x128x128xf32, #tpu.memory_space<vmem>> -> memref<128x128xf32, #tpu.memory_space<vmem>>
      %dma_wait3A_116 = arith.constant 0 : i32
      %dma_wait3A_117 = tpu.memref_slice %arg6[%arg0, %add3A_84, %dma_wait3A_116] : memref<2x5000x128xf32, #tpu.memory_space<hbm>> -> memref<1x128x128xf32, #tpu.memory_space<hbm>>
      %dma_wait3A_118 = tpu.memref_squeeze %dma_wait3A_117 : memref<1x128x128xf32, #tpu.memory_space<hbm>> -> memref<128x128xf32, #tpu.memory_space<hbm>>
      %dma_wait3A_119 = arith.constant 0 : i32
      %dma_wait3A_120 = tpu.memref_slice %arg6[%arg0, %add3A_84, %dma_wait3A_119] : memref<2x5000x128xf32, #tpu.memory_space<hbm>> -> memref<1x128x128xf32, #tpu.memory_space<hbm>>
      %dma_wait3A_121 = tpu.memref_squeeze %dma_wait3A_120 : memref<1x128x128xf32, #tpu.memory_space<hbm>> -> memref<128x128xf32, #tpu.memory_space<hbm>>
      %dma_wait3A_122 = arith.constant 0 : i32
      %dma_wait3A_123 = arith.constant 0 : i32
      %dma_wait3A_124 = tpu.memref_slice %arg9[%run_scoped3A_85, %dma_wait3A_122, %dma_wait3A_123] : memref<4x128x128xf32, #tpu.memory_space<vmem>> -> memref<1x128x128xf32, #tpu.memory_space<vmem>>
      %dma_wait3A_125 = tpu.memref_squeeze %dma_wait3A_124 : memref<1x128x128xf32, #tpu.memory_space<vmem>> -> memref<128x128xf32, #tpu.memory_space<vmem>>
      tpu.wait_dma2 semaphore(%run_scoped3A_98 : memref<!tpu.dma_semaphore, #tpu.memory_space<semaphore_mem>>) src(%dma_wait3A_125 : memref<128x128xf32, #tpu.memory_space<vmem>>) dst(%dma_wait3A_121 : memref<128x128xf32, #tpu.memory_space<hbm>>)
      tpu.yield
    }) : () -> ()
    %mul3A_86 = arith.constant 312 : i32
    %mul3A_87 = arith.muli %arg1, %mul3A_86 : i32
    %add3A_88 = arith.constant 256 : i32
    %add3A_89 = arith.addi %mul3A_87, %add3A_88 : i32
    %run_scoped3A_90 = arith.constant 0 : i32
    "tpu.region"() ({
      %run_scoped3A_98 = tpu.sem_alloc : memref<!tpu.dma_semaphore, #tpu.memory_space<semaphore_mem>>
      %dma_start3A_99 = arith.constant 0 : i32
      %dma_start3A_100 = arith.constant 0 : i32
      %dma_start3A_101 = tpu.memref_slice %arg9[%run_scoped3A_90, %dma_start3A_99, %dma_start3A_100] : memref<4x128x128xf32, #tpu.memory_space<vmem>> -> memref<1x56x128xf32, #tpu.memory_space<vmem>>
      %dma_start3A_102 = tpu.memref_squeeze %dma_start3A_101 : memref<1x56x128xf32, #tpu.memory_space<vmem>> -> memref<56x128xf32, #tpu.memory_space<vmem>>
      %dma_start3A_103 = arith.constant 0 : i32
      %dma_start3A_104 = tpu.memref_slice %arg10[%add3A_89, %dma_start3A_103] : memref<5120x128xf32, #tpu.memory_space<vmem_shared>> -> memref<56x128xf32, #tpu.memory_space<vmem_shared>>
      %dma_start3A_105 = arith.constant 0 : i32
      %dma_start3A_106 = arith.constant 0 : i32
      %dma_start3A_107 = tpu.memref_slice %arg9[%run_scoped3A_90, %dma_start3A_105, %dma_start3A_106] : memref<4x128x128xf32, #tpu.memory_space<vmem>> -> memref<1x56x128xf32, #tpu.memory_space<vmem>>
      %dma_start3A_108 = tpu.memref_squeeze %dma_start3A_107 : memref<1x56x128xf32, #tpu.memory_space<vmem>> -> memref<56x128xf32, #tpu.memory_space<vmem>>
      %dma_start3A_109 = arith.constant 0 : i32
      %dma_start3A_110 = tpu.memref_slice %arg10[%add3A_89, %dma_start3A_109] : memref<5120x128xf32, #tpu.memory_space<vmem_shared>> -> memref<56x128xf32, #tpu.memory_space<vmem_shared>>
      tpu.enqueue_dma source(%dma_start3A_110 : memref<56x128xf32, #tpu.memory_space<vmem_shared>>) target(%dma_start3A_108 : memref<56x128xf32, #tpu.memory_space<vmem>>) target_semaphore(%run_scoped3A_98 : memref<!tpu.dma_semaphore, #tpu.memory_space<semaphore_mem>>)
      %dma_wait3A = arith.constant 0 : i32
      %dma_wait3A_111 = arith.constant 0 : i32
      %dma_wait3A_112 = tpu.memref_slice %arg9[%run_scoped3A_90, %dma_wait3A, %dma_wait3A_111] : memref<4x128x128xf32, #tpu.memory_space<vmem>> -> memref<1x56x128xf32, #tpu.memory_space<vmem>>
      %dma_wait3A_113 = tpu.memref_squeeze %dma_wait3A_112 : memref<1x56x128xf32, #tpu.memory_space<vmem>> -> memref<56x128xf32, #tpu.memory_space<vmem>>
      %dma_wait3A_114 = arith.constant 0 : i32
      %dma_wait3A_115 = tpu.memref_slice %arg10[%add3A_89, %dma_wait3A_114] : memref<5120x128xf32, #tpu.memory_space<vmem_shared>> -> memref<56x128xf32, #tpu.memory_space<vmem_shared>>
      %dma_wait3A_116 = arith.constant 0 : i32
      %dma_wait3A_117 = arith.constant 0 : i32
      %dma_wait3A_118 = tpu.memref_slice %arg9[%run_scoped3A_90, %dma_wait3A_116, %dma_wait3A_117] : memref<4x128x128xf32, #tpu.memory_space<vmem>> -> memref<1x56x128xf32, #tpu.memory_space<vmem>>
      %dma_wait3A_119 = tpu.memref_squeeze %dma_wait3A_118 : memref<1x56x128xf32, #tpu.memory_space<vmem>> -> memref<56x128xf32, #tpu.memory_space<vmem>>
      %dma_wait3A_120 = arith.constant 0 : i32
      %dma_wait3A_121 = tpu.memref_slice %arg10[%add3A_89, %dma_wait3A_120] : memref<5120x128xf32, #tpu.memory_space<vmem_shared>> -> memref<56x128xf32, #tpu.memory_space<vmem_shared>>
      tpu.wait_dma2 semaphore(%run_scoped3A_98 : memref<!tpu.dma_semaphore, #tpu.memory_space<semaphore_mem>>) src(%dma_wait3A_121 : memref<56x128xf32, #tpu.memory_space<vmem_shared>>) dst(%dma_wait3A_119 : memref<56x128xf32, #tpu.memory_space<vmem>>)
      tpu.yield
    }) : () -> ()
    %mul3A_91 = arith.constant 312 : i32
    %mul3A_92 = arith.muli %arg1, %mul3A_91 : i32
    %add3A_93 = arith.constant 256 : i32
    %add3A_94 = arith.addi %mul3A_92, %add3A_93 : i32
    %run_scoped3A_95 = arith.constant 0 : i32
    "tpu.region"() ({
      %run_scoped3A_98 = tpu.sem_alloc : memref<!tpu.dma_semaphore, #tpu.memory_space<semaphore_mem>>
      %dma_start3A_99 = arith.constant 0 : i32
      %dma_start3A_100 = arith.constant 0 : i32
      %dma_start3A_101 = tpu.memref_slice %arg9[%run_scoped3A_95, %dma_start3A_99, %dma_start3A_100] : memref<4x128x128xf32, #tpu.memory_space<vmem>> -> memref<1x56x128xf32, #tpu.memory_space<vmem>>
      %dma_start3A_102 = tpu.memref_squeeze %dma_start3A_101 : memref<1x56x128xf32, #tpu.memory_space<vmem>> -> memref<56x128xf32, #tpu.memory_space<vmem>>
      %dma_start3A_103 = arith.constant 0 : i32
      %dma_start3A_104 = tpu.memref_slice %arg6[%arg0, %add3A_94, %dma_start3A_103] : memref<2x5000x128xf32, #tpu.memory_space<hbm>> -> memref<1x56x128xf32, #tpu.memory_space<hbm>>
      %dma_start3A_105 = tpu.memref_squeeze %dma_start3A_104 : memref<1x56x128xf32, #tpu.memory_space<hbm>> -> memref<56x128xf32, #tpu.memory_space<hbm>>
      %dma_start3A_106 = arith.constant 0 : i32
      %dma_start3A_107 = tpu.memref_slice %arg6[%arg0, %add3A_94, %dma_start3A_106] : memref<2x5000x128xf32, #tpu.memory_space<hbm>> -> memref<1x56x128xf32, #tpu.memory_space<hbm>>
      %dma_start3A_108 = tpu.memref_squeeze %dma_start3A_107 : memref<1x56x128xf32, #tpu.memory_space<hbm>> -> memref<56x128xf32, #tpu.memory_space<hbm>>
      %dma_start3A_109 = arith.constant 0 : i32
      %dma_start3A_110 = arith.constant 0 : i32
      %dma_start3A_111 = tpu.memref_slice %arg9[%run_scoped3A_95, %dma_start3A_109, %dma_start3A_110] : memref<4x128x128xf32, #tpu.memory_space<vmem>> -> memref<1x56x128xf32, #tpu.memory_space<vmem>>
      %dma_start3A_112 = tpu.memref_squeeze %dma_start3A_111 : memref<1x56x128xf32, #tpu.memory_space<vmem>> -> memref<56x128xf32, #tpu.memory_space<vmem>>
      tpu.enqueue_dma source(%dma_start3A_112 : memref<56x128xf32, #tpu.memory_space<vmem>>) target(%dma_start3A_108 : memref<56x128xf32, #tpu.memory_space<hbm>>) target_semaphore(%run_scoped3A_98 : memref<!tpu.dma_semaphore, #tpu.memory_space<semaphore_mem>>)
      %dma_wait3A = arith.constant 0 : i32
      %dma_wait3A_113 = arith.constant 0 : i32
      %dma_wait3A_114 = tpu.memref_slice %arg9[%run_scoped3A_95, %dma_wait3A, %dma_wait3A_113] : memref<4x128x128xf32, #tpu.memory_space<vmem>> -> memref<1x56x128xf32, #tpu.memory_space<vmem>>
      %dma_wait3A_115 = tpu.memref_squeeze %dma_wait3A_114 : memref<1x56x128xf32, #tpu.memory_space<vmem>> -> memref<56x128xf32, #tpu.memory_space<vmem>>
      %dma_wait3A_116 = arith.constant 0 : i32
      %dma_wait3A_117 = tpu.memref_slice %arg6[%arg0, %add3A_94, %dma_wait3A_116] : memref<2x5000x128xf32, #tpu.memory_space<hbm>> -> memref<1x56x128xf32, #tpu.memory_space<hbm>>
      %dma_wait3A_118 = tpu.memref_squeeze %dma_wait3A_117 : memref<1x56x128xf32, #tpu.memory_space<hbm>> -> memref<56x128xf32, #tpu.memory_space<hbm>>
      %dma_wait3A_119 = arith.constant 0 : i32
      %dma_wait3A_120 = tpu.memref_slice %arg6[%arg0, %add3A_94, %dma_wait3A_119] : memref<2x5000x128xf32, #tpu.memory_space<hbm>> -> memref<1x56x128xf32, #tpu.memory_space<hbm>>
      %dma_wait3A_121 = tpu.memref_squeeze %dma_wait3A_120 : memref<1x56x128xf32, #tpu.memory_space<hbm>> -> memref<56x128xf32, #tpu.memory_space<hbm>>
      %dma_wait3A_122 = arith.constant 0 : i32
      %dma_wait3A_123 = arith.constant 0 : i32
      %dma_wait3A_124 = tpu.memref_slice %arg9[%run_scoped3A_95, %dma_wait3A_122, %dma_wait3A_123] : memref<4x128x128xf32, #tpu.memory_space<vmem>> -> memref<1x56x128xf32, #tpu.memory_space<vmem>>
      %dma_wait3A_125 = tpu.memref_squeeze %dma_wait3A_124 : memref<1x56x128xf32, #tpu.memory_space<vmem>> -> memref<56x128xf32, #tpu.memory_space<vmem>>
      tpu.wait_dma2 semaphore(%run_scoped3A_98 : memref<!tpu.dma_semaphore, #tpu.memory_space<semaphore_mem>>) src(%dma_wait3A_125 : memref<56x128xf32, #tpu.memory_space<vmem>>) dst(%dma_wait3A_121 : memref<56x128xf32, #tpu.memory_space<hbm>>)
      tpu.yield
    }) : () -> ()
    %eq3A = arith.constant 0 : i32
    %eq3A_96 = arith.cmpi eq, %arg1, %eq3A : i32
    %convert_element_type3A = arith.extui %eq3A_96 : i1 to i32
    %cond3A = arith.constant 0 : i32
    %cond3A_97 = arith.cmpi ne, %convert_element_type3A, %cond3A : i32
    scf.if %cond3A_97 {
      %run_scoped3A_98 = arith.constant 0 : i32
      "tpu.region"() ({
        %run_scoped3A_100 = tpu.sem_alloc : memref<!tpu.dma_semaphore, #tpu.memory_space<semaphore_mem>>
        %dma_start3A_101 = arith.constant 0 : i32
        %dma_start3A_102 = arith.constant 0 : i32
        %dma_start3A_103 = tpu.memref_slice %arg9[%run_scoped3A_98, %dma_start3A_101, %dma_start3A_102] : memref<4x128x128xf32, #tpu.memory_space<vmem>> -> memref<1x8x128xf32, #tpu.memory_space<vmem>>
        %dma_start3A_104 = tpu.memref_squeeze %dma_start3A_103 : memref<1x8x128xf32, #tpu.memory_space<vmem>> -> memref<8x128xf32, #tpu.memory_space<vmem>>
        %dma_start3A_105 = arith.constant 4992 : i32
        %dma_start3A_106 = arith.constant 0 : i32
        %dma_start3A_107 = tpu.memref_slice %arg10[%dma_start3A_105, %dma_start3A_106] : memref<5120x128xf32, #tpu.memory_space<vmem_shared>> -> memref<8x128xf32, #tpu.memory_space<vmem_shared>>
        %dma_start3A_108 = arith.constant 0 : i32
        %dma_start3A_109 = arith.constant 0 : i32
        %dma_start3A_110 = tpu.memref_slice %arg9[%run_scoped3A_98, %dma_start3A_108, %dma_start3A_109] : memref<4x128x128xf32, #tpu.memory_space<vmem>> -> memref<1x8x128xf32, #tpu.memory_space<vmem>>
        %dma_start3A_111 = tpu.memref_squeeze %dma_start3A_110 : memref<1x8x128xf32, #tpu.memory_space<vmem>> -> memref<8x128xf32, #tpu.memory_space<vmem>>
        %dma_start3A_112 = arith.constant 4992 : i32
        %dma_start3A_113 = arith.constant 0 : i32
        %dma_start3A_114 = tpu.memref_slice %arg10[%dma_start3A_112, %dma_start3A_113] : memref<5120x128xf32, #tpu.memory_space<vmem_shared>> -> memref<8x128xf32, #tpu.memory_space<vmem_shared>>
        tpu.enqueue_dma source(%dma_start3A_114 : memref<8x128xf32, #tpu.memory_space<vmem_shared>>) target(%dma_start3A_111 : memref<8x128xf32, #tpu.memory_space<vmem>>) target_semaphore(%run_scoped3A_100 : memref<!tpu.dma_semaphore, #tpu.memory_space<semaphore_mem>>)
        %dma_wait3A = arith.constant 0 : i32
        %dma_wait3A_115 = arith.constant 0 : i32
        %dma_wait3A_116 = tpu.memref_slice %arg9[%run_scoped3A_98, %dma_wait3A, %dma_wait3A_115] : memref<4x128x128xf32, #tpu.memory_space<vmem>> -> memref<1x8x128xf32, #tpu.memory_space<vmem>>
        %dma_wait3A_117 = tpu.memref_squeeze %dma_wait3A_116 : memref<1x8x128xf32, #tpu.memory_space<vmem>> -> memref<8x128xf32, #tpu.memory_space<vmem>>
        %dma_wait3A_118 = arith.constant 4992 : i32
        %dma_wait3A_119 = arith.constant 0 : i32
        %dma_wait3A_120 = tpu.memref_slice %arg10[%dma_wait3A_118, %dma_wait3A_119] : memref<5120x128xf32, #tpu.memory_space<vmem_shared>> -> memref<8x128xf32, #tpu.memory_space<vmem_shared>>
        %dma_wait3A_121 = arith.constant 0 : i32
        %dma_wait3A_122 = arith.constant 0 : i32
        %dma_wait3A_123 = tpu.memref_slice %arg9[%run_scoped3A_98, %dma_wait3A_121, %dma_wait3A_122] : memref<4x128x128xf32, #tpu.memory_space<vmem>> -> memref<1x8x128xf32, #tpu.memory_space<vmem>>
        %dma_wait3A_124 = tpu.memref_squeeze %dma_wait3A_123 : memref<1x8x128xf32, #tpu.memory_space<vmem>> -> memref<8x128xf32, #tpu.memory_space<vmem>>
        %dma_wait3A_125 = arith.constant 4992 : i32
        %dma_wait3A_126 = arith.constant 0 : i32
        %dma_wait3A_127 = tpu.memref_slice %arg10[%dma_wait3A_125, %dma_wait3A_126] : memref<5120x128xf32, #tpu.memory_space<vmem_shared>> -> memref<8x128xf32, #tpu.memory_space<vmem_shared>>
        tpu.wait_dma2 semaphore(%run_scoped3A_100 : memref<!tpu.dma_semaphore, #tpu.memory_space<semaphore_mem>>) src(%dma_wait3A_127 : memref<8x128xf32, #tpu.memory_space<vmem_shared>>) dst(%dma_wait3A_124 : memref<8x128xf32, #tpu.memory_space<vmem>>)
        tpu.yield
      }) : () -> ()
      %run_scoped3A_99 = arith.constant 0 : i32
      "tpu.region"() ({
        %run_scoped3A_100 = tpu.sem_alloc : memref<!tpu.dma_semaphore, #tpu.memory_space<semaphore_mem>>
        %dma_start3A_101 = arith.constant 0 : i32
        %dma_start3A_102 = arith.constant 0 : i32
        %dma_start3A_103 = tpu.memref_slice %arg9[%run_scoped3A_99, %dma_start3A_101, %dma_start3A_102] : memref<4x128x128xf32, #tpu.memory_space<vmem>> -> memref<1x8x128xf32, #tpu.memory_space<vmem>>
        %dma_start3A_104 = tpu.memref_squeeze %dma_start3A_103 : memref<1x8x128xf32, #tpu.memory_space<vmem>> -> memref<8x128xf32, #tpu.memory_space<vmem>>
        %dma_start3A_105 = arith.constant 4992 : i32
        %dma_start3A_106 = arith.constant 0 : i32
        %dma_start3A_107 = tpu.memref_slice %arg6[%arg0, %dma_start3A_105, %dma_start3A_106] : memref<2x5000x128xf32, #tpu.memory_space<hbm>> -> memref<1x8x128xf32, #tpu.memory_space<hbm>>
        %dma_start3A_108 = tpu.memref_squeeze %dma_start3A_107 : memref<1x8x128xf32, #tpu.memory_space<hbm>> -> memref<8x128xf32, #tpu.memory_space<hbm>>
        %dma_start3A_109 = arith.constant 4992 : i32
        %dma_start3A_110 = arith.constant 0 : i32
        %dma_start3A_111 = tpu.memref_slice %arg6[%arg0, %dma_start3A_109, %dma_start3A_110] : memref<2x5000x128xf32, #tpu.memory_space<hbm>> -> memref<1x8x128xf32, #tpu.memory_space<hbm>>
        %dma_start3A_112 = tpu.memref_squeeze %dma_start3A_111 : memref<1x8x128xf32, #tpu.memory_space<hbm>> -> memref<8x128xf32, #tpu.memory_space<hbm>>
        %dma_start3A_113 = arith.constant 0 : i32
        %dma_start3A_114 = arith.constant 0 : i32
        %dma_start3A_115 = tpu.memref_slice %arg9[%run_scoped3A_99, %dma_start3A_113, %dma_start3A_114] : memref<4x128x128xf32, #tpu.memory_space<vmem>> -> memref<1x8x128xf32, #tpu.memory_space<vmem>>
        %dma_start3A_116 = tpu.memref_squeeze %dma_start3A_115 : memref<1x8x128xf32, #tpu.memory_space<vmem>> -> memref<8x128xf32, #tpu.memory_space<vmem>>
        tpu.enqueue_dma source(%dma_start3A_116 : memref<8x128xf32, #tpu.memory_space<vmem>>) target(%dma_start3A_112 : memref<8x128xf32, #tpu.memory_space<hbm>>) target_semaphore(%run_scoped3A_100 : memref<!tpu.dma_semaphore, #tpu.memory_space<semaphore_mem>>)
        %dma_wait3A = arith.constant 0 : i32
        %dma_wait3A_117 = arith.constant 0 : i32
        %dma_wait3A_118 = tpu.memref_slice %arg9[%run_scoped3A_99, %dma_wait3A, %dma_wait3A_117] : memref<4x128x128xf32, #tpu.memory_space<vmem>> -> memref<1x8x128xf32, #tpu.memory_space<vmem>>
        %dma_wait3A_119 = tpu.memref_squeeze %dma_wait3A_118 : memref<1x8x128xf32, #tpu.memory_space<vmem>> -> memref<8x128xf32, #tpu.memory_space<vmem>>
        %dma_wait3A_120 = arith.constant 4992 : i32
        %dma_wait3A_121 = arith.constant 0 : i32
        %dma_wait3A_122 = tpu.memref_slice %arg6[%arg0, %dma_wait3A_120, %dma_wait3A_121] : memref<2x5000x128xf32, #tpu.memory_space<hbm>> -> memref<1x8x128xf32, #tpu.memory_space<hbm>>
        %dma_wait3A_123 = tpu.memref_squeeze %dma_wait3A_122 : memref<1x8x128xf32, #tpu.memory_space<hbm>> -> memref<8x128xf32, #tpu.memory_space<hbm>>
        %dma_wait3A_124 = arith.constant 4992 : i32
        %dma_wait3A_125 = arith.constant 0 : i32
        %dma_wait3A_126 = tpu.memref_slice %arg6[%arg0, %dma_wait3A_124, %dma_wait3A_125] : memref<2x5000x128xf32, #tpu.memory_space<hbm>> -> memref<1x8x128xf32, #tpu.memory_space<hbm>>
        %dma_wait3A_127 = tpu.memref_squeeze %dma_wait3A_126 : memref<1x8x128xf32, #tpu.memory_space<hbm>> -> memref<8x128xf32, #tpu.memory_space<hbm>>
        %dma_wait3A_128 = arith.constant 0 : i32
        %dma_wait3A_129 = arith.constant 0 : i32
        %dma_wait3A_130 = tpu.memref_slice %arg9[%run_scoped3A_99, %dma_wait3A_128, %dma_wait3A_129] : memref<4x128x128xf32, #tpu.memory_space<vmem>> -> memref<1x8x128xf32, #tpu.memory_space<vmem>>
        %dma_wait3A_131 = tpu.memref_squeeze %dma_wait3A_130 : memref<1x8x128xf32, #tpu.memory_space<vmem>> -> memref<8x128xf32, #tpu.memory_space<vmem>>
        tpu.wait_dma2 semaphore(%run_scoped3A_100 : memref<!tpu.dma_semaphore, #tpu.memory_space<semaphore_mem>>) src(%dma_wait3A_131 : memref<8x128xf32, #tpu.memory_space<vmem>>) dst(%dma_wait3A_127 : memref<8x128xf32, #tpu.memory_space<hbm>>)
        tpu.yield
      }) : () -> ()
    } else {
    }
    return
  }
}

#map = affine_map<(d0, d1) -> (0, 0, 0, 0)>
#map1 = affine_map<(d0, d1) -> (0, 0)>
#map2 = affine_map<(d0, d1) -> (0, 0, 0)>
module attributes {stable_mosaic.version = 14 : i64} {
  func.func @_hist(%arg0: i32, %arg1: i32, %arg2: memref<2x16x80x128xi32, #tpu.memory_space<hbm>>, %arg3: memref<128x128xf32, #tpu.memory_space<hbm>>, %arg4: memref<128x128xf32, #tpu.memory_space<hbm>>, %arg5: memref<2x5000x128xf32, #tpu.memory_space<hbm>>, %arg6: memref<80x128xi32, #tpu.memory_space<vmem>>, %arg7: memref<128x128xf32, #tpu.memory_space<vmem>>, %arg8: memref<5120x128xf32, #tpu.memory_space<vmem_shared>>) attributes {dimension_semantics = [#tpu.dimension_semantics<core_parallel>, #tpu.dimension_semantics<subcore_parallel>], iteration_bounds = array<i64: 2, 16>, scalar_prefetch = 0 : i64, scratch_operands = 3 : i64, tpu.core_type = #tpu.core_type<sc_vector_subcore>, window_params = [{transform_indices = #map}, {transform_indices = #map1}, {transform_indices = #map1}, {transform_indices = #map2}]} {
    "tpu.region"() ({
      %run_scoped3A = tpu.sem_alloc : memref<!tpu.dma_semaphore, #tpu.memory_space<semaphore_mem>>
      %dma_start3A = arith.constant 0 : i32
      %dma_start3A_42 = arith.constant 0 : i32
      %dma_start3A_43 = tpu.memref_slice %arg2[%arg0, %arg1, %dma_start3A, %dma_start3A_42] : memref<2x16x80x128xi32, #tpu.memory_space<hbm>> -> memref<1x1x80x128xi32, #tpu.memory_space<hbm>>
      %dma_start3A_44 = tpu.memref_squeeze %dma_start3A_43 : memref<1x1x80x128xi32, #tpu.memory_space<hbm>> -> memref<80x128xi32, #tpu.memory_space<hbm>>
      %dma_start3A_45 = arith.constant 0 : i32
      %dma_start3A_46 = arith.constant 0 : i32
      %dma_start3A_47 = tpu.memref_slice %arg2[%arg0, %arg1, %dma_start3A_45, %dma_start3A_46] : memref<2x16x80x128xi32, #tpu.memory_space<hbm>> -> memref<1x1x80x128xi32, #tpu.memory_space<hbm>>
      %dma_start3A_48 = tpu.memref_squeeze %dma_start3A_47 : memref<1x1x80x128xi32, #tpu.memory_space<hbm>> -> memref<80x128xi32, #tpu.memory_space<hbm>>
      tpu.enqueue_dma source(%dma_start3A_48 : memref<80x128xi32, #tpu.memory_space<hbm>>) target(%arg6 : memref<80x128xi32, #tpu.memory_space<vmem>>) target_semaphore(%run_scoped3A : memref<!tpu.dma_semaphore, #tpu.memory_space<semaphore_mem>>)
      %dma_wait3A = arith.constant 0 : i32
      %dma_wait3A_49 = arith.constant 0 : i32
      %dma_wait3A_50 = tpu.memref_slice %arg2[%arg0, %arg1, %dma_wait3A, %dma_wait3A_49] : memref<2x16x80x128xi32, #tpu.memory_space<hbm>> -> memref<1x1x80x128xi32, #tpu.memory_space<hbm>>
      %dma_wait3A_51 = tpu.memref_squeeze %dma_wait3A_50 : memref<1x1x80x128xi32, #tpu.memory_space<hbm>> -> memref<80x128xi32, #tpu.memory_space<hbm>>
      %dma_wait3A_52 = arith.constant 0 : i32
      %dma_wait3A_53 = arith.constant 0 : i32
      %dma_wait3A_54 = tpu.memref_slice %arg2[%arg0, %arg1, %dma_wait3A_52, %dma_wait3A_53] : memref<2x16x80x128xi32, #tpu.memory_space<hbm>> -> memref<1x1x80x128xi32, #tpu.memory_space<hbm>>
      %dma_wait3A_55 = tpu.memref_squeeze %dma_wait3A_54 : memref<1x1x80x128xi32, #tpu.memory_space<hbm>> -> memref<80x128xi32, #tpu.memory_space<hbm>>
      tpu.wait_dma2 semaphore(%run_scoped3A : memref<!tpu.dma_semaphore, #tpu.memory_space<semaphore_mem>>) src(%dma_wait3A_55 : memref<80x128xi32, #tpu.memory_space<hbm>>) dst(%arg6 : memref<80x128xi32, #tpu.memory_space<vmem>>)
      tpu.yield
    }) : () -> ()
    "tpu.region"() ({
      %run_scoped3A = tpu.sem_alloc : memref<!tpu.dma_semaphore, #tpu.memory_space<semaphore_mem>>
      tpu.enqueue_dma source(%arg4 : memref<128x128xf32, #tpu.memory_space<hbm>>) target(%arg7 : memref<128x128xf32, #tpu.memory_space<vmem>>) target_semaphore(%run_scoped3A : memref<!tpu.dma_semaphore, #tpu.memory_space<semaphore_mem>>)
      tpu.wait_dma2 semaphore(%run_scoped3A : memref<!tpu.dma_semaphore, #tpu.memory_space<semaphore_mem>>) src(%arg4 : memref<128x128xf32, #tpu.memory_space<hbm>>) dst(%arg7 : memref<128x128xf32, #tpu.memory_space<vmem>>)
      tpu.yield
    }) : () -> ()
    %mul3A = arith.constant 320 : i32
    %mul3A_0 = arith.muli %arg1, %mul3A : i32
    %add3A = arith.constant 0 : i32
    %add3A_1 = arith.addi %mul3A_0, %add3A : i32
    "tpu.region"() ({
      %run_scoped3A = tpu.sem_alloc : memref<!tpu.dma_semaphore, #tpu.memory_space<semaphore_mem>>
      %dma_start3A = arith.constant 0 : i32
      %dma_start3A_42 = arith.constant 0 : i32
      %dma_start3A_43 = tpu.memref_slice %arg7[%dma_start3A, %dma_start3A_42] : memref<128x128xf32, #tpu.memory_space<vmem>> -> memref<128x128xf32, #tpu.memory_space<vmem>>
      %dma_start3A_44 = arith.constant 0 : i32
      %dma_start3A_45 = tpu.memref_slice %arg8[%add3A_1, %dma_start3A_44] : memref<5120x128xf32, #tpu.memory_space<vmem_shared>> -> memref<128x128xf32, #tpu.memory_space<vmem_shared>>
      %dma_start3A_46 = arith.constant 0 : i32
      %dma_start3A_47 = tpu.memref_slice %arg8[%add3A_1, %dma_start3A_46] : memref<5120x128xf32, #tpu.memory_space<vmem_shared>> -> memref<128x128xf32, #tpu.memory_space<vmem_shared>>
      %dma_start3A_48 = arith.constant 0 : i32
      %dma_start3A_49 = arith.constant 0 : i32
      %dma_start3A_50 = tpu.memref_slice %arg7[%dma_start3A_48, %dma_start3A_49] : memref<128x128xf32, #tpu.memory_space<vmem>> -> memref<128x128xf32, #tpu.memory_space<vmem>>
      tpu.enqueue_dma source(%dma_start3A_50 : memref<128x128xf32, #tpu.memory_space<vmem>>) target(%dma_start3A_47 : memref<128x128xf32, #tpu.memory_space<vmem_shared>>) target_semaphore(%run_scoped3A : memref<!tpu.dma_semaphore, #tpu.memory_space<semaphore_mem>>)
      %dma_wait3A = arith.constant 0 : i32
      %dma_wait3A_51 = arith.constant 0 : i32
      %dma_wait3A_52 = tpu.memref_slice %arg7[%dma_wait3A, %dma_wait3A_51] : memref<128x128xf32, #tpu.memory_space<vmem>> -> memref<128x128xf32, #tpu.memory_space<vmem>>
      %dma_wait3A_53 = arith.constant 0 : i32
      %dma_wait3A_54 = tpu.memref_slice %arg8[%add3A_1, %dma_wait3A_53] : memref<5120x128xf32, #tpu.memory_space<vmem_shared>> -> memref<128x128xf32, #tpu.memory_space<vmem_shared>>
      %dma_wait3A_55 = arith.constant 0 : i32
      %dma_wait3A_56 = tpu.memref_slice %arg8[%add3A_1, %dma_wait3A_55] : memref<5120x128xf32, #tpu.memory_space<vmem_shared>> -> memref<128x128xf32, #tpu.memory_space<vmem_shared>>
      %dma_wait3A_57 = arith.constant 0 : i32
      %dma_wait3A_58 = arith.constant 0 : i32
      %dma_wait3A_59 = tpu.memref_slice %arg7[%dma_wait3A_57, %dma_wait3A_58] : memref<128x128xf32, #tpu.memory_space<vmem>> -> memref<128x128xf32, #tpu.memory_space<vmem>>
      tpu.wait_dma2 semaphore(%run_scoped3A : memref<!tpu.dma_semaphore, #tpu.memory_space<semaphore_mem>>) src(%dma_wait3A_59 : memref<128x128xf32, #tpu.memory_space<vmem>>) dst(%dma_wait3A_56 : memref<128x128xf32, #tpu.memory_space<vmem_shared>>)
      tpu.yield
    }) : () -> ()
    %mul3A_2 = arith.constant 320 : i32
    %mul3A_3 = arith.muli %arg1, %mul3A_2 : i32
    %add3A_4 = arith.constant 128 : i32
    %add3A_5 = arith.addi %mul3A_3, %add3A_4 : i32
    "tpu.region"() ({
      %run_scoped3A = tpu.sem_alloc : memref<!tpu.dma_semaphore, #tpu.memory_space<semaphore_mem>>
      %dma_start3A = arith.constant 0 : i32
      %dma_start3A_42 = arith.constant 0 : i32
      %dma_start3A_43 = tpu.memref_slice %arg7[%dma_start3A, %dma_start3A_42] : memref<128x128xf32, #tpu.memory_space<vmem>> -> memref<128x128xf32, #tpu.memory_space<vmem>>
      %dma_start3A_44 = arith.constant 0 : i32
      %dma_start3A_45 = tpu.memref_slice %arg8[%add3A_5, %dma_start3A_44] : memref<5120x128xf32, #tpu.memory_space<vmem_shared>> -> memref<128x128xf32, #tpu.memory_space<vmem_shared>>
      %dma_start3A_46 = arith.constant 0 : i32
      %dma_start3A_47 = tpu.memref_slice %arg8[%add3A_5, %dma_start3A_46] : memref<5120x128xf32, #tpu.memory_space<vmem_shared>> -> memref<128x128xf32, #tpu.memory_space<vmem_shared>>
      %dma_start3A_48 = arith.constant 0 : i32
      %dma_start3A_49 = arith.constant 0 : i32
      %dma_start3A_50 = tpu.memref_slice %arg7[%dma_start3A_48, %dma_start3A_49] : memref<128x128xf32, #tpu.memory_space<vmem>> -> memref<128x128xf32, #tpu.memory_space<vmem>>
      tpu.enqueue_dma source(%dma_start3A_50 : memref<128x128xf32, #tpu.memory_space<vmem>>) target(%dma_start3A_47 : memref<128x128xf32, #tpu.memory_space<vmem_shared>>) target_semaphore(%run_scoped3A : memref<!tpu.dma_semaphore, #tpu.memory_space<semaphore_mem>>)
      %dma_wait3A = arith.constant 0 : i32
      %dma_wait3A_51 = arith.constant 0 : i32
      %dma_wait3A_52 = tpu.memref_slice %arg7[%dma_wait3A, %dma_wait3A_51] : memref<128x128xf32, #tpu.memory_space<vmem>> -> memref<128x128xf32, #tpu.memory_space<vmem>>
      %dma_wait3A_53 = arith.constant 0 : i32
      %dma_wait3A_54 = tpu.memref_slice %arg8[%add3A_5, %dma_wait3A_53] : memref<5120x128xf32, #tpu.memory_space<vmem_shared>> -> memref<128x128xf32, #tpu.memory_space<vmem_shared>>
      %dma_wait3A_55 = arith.constant 0 : i32
      %dma_wait3A_56 = tpu.memref_slice %arg8[%add3A_5, %dma_wait3A_55] : memref<5120x128xf32, #tpu.memory_space<vmem_shared>> -> memref<128x128xf32, #tpu.memory_space<vmem_shared>>
      %dma_wait3A_57 = arith.constant 0 : i32
      %dma_wait3A_58 = arith.constant 0 : i32
      %dma_wait3A_59 = tpu.memref_slice %arg7[%dma_wait3A_57, %dma_wait3A_58] : memref<128x128xf32, #tpu.memory_space<vmem>> -> memref<128x128xf32, #tpu.memory_space<vmem>>
      tpu.wait_dma2 semaphore(%run_scoped3A : memref<!tpu.dma_semaphore, #tpu.memory_space<semaphore_mem>>) src(%dma_wait3A_59 : memref<128x128xf32, #tpu.memory_space<vmem>>) dst(%dma_wait3A_56 : memref<128x128xf32, #tpu.memory_space<vmem_shared>>)
      tpu.yield
    }) : () -> ()
    %mul3A_6 = arith.constant 320 : i32
    %mul3A_7 = arith.muli %arg1, %mul3A_6 : i32
    %add3A_8 = arith.constant 256 : i32
    %add3A_9 = arith.addi %mul3A_7, %add3A_8 : i32
    "tpu.region"() ({
      %run_scoped3A = tpu.sem_alloc : memref<!tpu.dma_semaphore, #tpu.memory_space<semaphore_mem>>
      %dma_start3A = arith.constant 0 : i32
      %dma_start3A_42 = arith.constant 0 : i32
      %dma_start3A_43 = tpu.memref_slice %arg7[%dma_start3A, %dma_start3A_42] : memref<128x128xf32, #tpu.memory_space<vmem>> -> memref<64x128xf32, #tpu.memory_space<vmem>>
      %dma_start3A_44 = arith.constant 0 : i32
      %dma_start3A_45 = tpu.memref_slice %arg8[%add3A_9, %dma_start3A_44] : memref<5120x128xf32, #tpu.memory_space<vmem_shared>> -> memref<64x128xf32, #tpu.memory_space<vmem_shared>>
      %dma_start3A_46 = arith.constant 0 : i32
      %dma_start3A_47 = tpu.memref_slice %arg8[%add3A_9, %dma_start3A_46] : memref<5120x128xf32, #tpu.memory_space<vmem_shared>> -> memref<64x128xf32, #tpu.memory_space<vmem_shared>>
      %dma_start3A_48 = arith.constant 0 : i32
      %dma_start3A_49 = arith.constant 0 : i32
      %dma_start3A_50 = tpu.memref_slice %arg7[%dma_start3A_48, %dma_start3A_49] : memref<128x128xf32, #tpu.memory_space<vmem>> -> memref<64x128xf32, #tpu.memory_space<vmem>>
      tpu.enqueue_dma source(%dma_start3A_50 : memref<64x128xf32, #tpu.memory_space<vmem>>) target(%dma_start3A_47 : memref<64x128xf32, #tpu.memory_space<vmem_shared>>) target_semaphore(%run_scoped3A : memref<!tpu.dma_semaphore, #tpu.memory_space<semaphore_mem>>)
      %dma_wait3A = arith.constant 0 : i32
      %dma_wait3A_51 = arith.constant 0 : i32
      %dma_wait3A_52 = tpu.memref_slice %arg7[%dma_wait3A, %dma_wait3A_51] : memref<128x128xf32, #tpu.memory_space<vmem>> -> memref<64x128xf32, #tpu.memory_space<vmem>>
      %dma_wait3A_53 = arith.constant 0 : i32
      %dma_wait3A_54 = tpu.memref_slice %arg8[%add3A_9, %dma_wait3A_53] : memref<5120x128xf32, #tpu.memory_space<vmem_shared>> -> memref<64x128xf32, #tpu.memory_space<vmem_shared>>
      %dma_wait3A_55 = arith.constant 0 : i32
      %dma_wait3A_56 = tpu.memref_slice %arg8[%add3A_9, %dma_wait3A_55] : memref<5120x128xf32, #tpu.memory_space<vmem_shared>> -> memref<64x128xf32, #tpu.memory_space<vmem_shared>>
      %dma_wait3A_57 = arith.constant 0 : i32
      %dma_wait3A_58 = arith.constant 0 : i32
      %dma_wait3A_59 = tpu.memref_slice %arg7[%dma_wait3A_57, %dma_wait3A_58] : memref<128x128xf32, #tpu.memory_space<vmem>> -> memref<64x128xf32, #tpu.memory_space<vmem>>
      tpu.wait_dma2 semaphore(%run_scoped3A : memref<!tpu.dma_semaphore, #tpu.memory_space<semaphore_mem>>) src(%dma_wait3A_59 : memref<64x128xf32, #tpu.memory_space<vmem>>) dst(%dma_wait3A_56 : memref<64x128xf32, #tpu.memory_space<vmem_shared>>)
      tpu.yield
    }) : () -> ()
    "tpu.region"() ({
      %run_scoped3A = tpu.sem_alloc : memref<!tpu.dma_semaphore, #tpu.memory_space<semaphore_mem>>
      tpu.enqueue_dma source(%arg3 : memref<128x128xf32, #tpu.memory_space<hbm>>) target(%arg7 : memref<128x128xf32, #tpu.memory_space<vmem>>) target_semaphore(%run_scoped3A : memref<!tpu.dma_semaphore, #tpu.memory_space<semaphore_mem>>)
      tpu.wait_dma2 semaphore(%run_scoped3A : memref<!tpu.dma_semaphore, #tpu.memory_space<semaphore_mem>>) src(%arg3 : memref<128x128xf32, #tpu.memory_space<hbm>>) dst(%arg7 : memref<128x128xf32, #tpu.memory_space<vmem>>)
      tpu.yield
    }) : () -> ()
    %barrier3A = arith.constant 0 : index
    tpu.barrier barrier_id(%barrier3A)
    %scan3A = arith.constant 0 : i32
    %scan3A_10 = arith.constant 0 : i32
    %scan3A_11 = arith.constant 80 : i32
    %scan3A_12 = arith.addi %scan3A_10, %scan3A_11 : i32
    %scan3A_13 = arith.constant 1 : i32
    scf.for %scan3A_42 = %scan3A_10 to %scan3A_12 step %scan3A_13  : i32 {
      "tpu.region"() ({
        %run_scoped3A = tpu.sem_alloc : memref<!tpu.dma_semaphore, #tpu.memory_space<semaphore_mem>>
        %dma_start3A = arith.constant 0 : i32
        %dma_start3A_43 = tpu.memref_slice %arg6[%scan3A_42, %dma_start3A] : memref<80x128xi32, #tpu.memory_space<vmem>> -> memref<1x128xi32, #tpu.memory_space<vmem>>
        %dma_start3A_44 = tpu.memref_squeeze %dma_start3A_43 : memref<1x128xi32, #tpu.memory_space<vmem>> -> memref<128xi32, #tpu.memory_space<vmem>>
        %dma_start3A_45 = arith.constant 0 : i32
        %dma_start3A_46 = arith.constant 0 : i32
        %dma_start3A_47 = tpu.memref_slice %arg8[%dma_start3A_45, %dma_start3A_46] : memref<5120x128xf32, #tpu.memory_space<vmem_shared>> -> memref<5120x128xf32, #tpu.memory_space<vmem_shared>>
        tpu.enqueue_indirect_dma source(%arg7 : memref<128x128xf32, #tpu.memory_space<vmem>>) target(%dma_start3A_47 : memref<5120x128xf32, #tpu.memory_space<vmem_shared>>) offsets(%dma_start3A_44 : memref<128xi32, #tpu.memory_space<vmem>>) semaphore(%run_scoped3A : memref<!tpu.dma_semaphore, #tpu.memory_space<semaphore_mem>>) {add = true}
        %dma_wait3A = arith.constant 0 : i32
        %dma_wait3A_48 = tpu.memref_slice %arg6[%scan3A_42, %dma_wait3A] : memref<80x128xi32, #tpu.memory_space<vmem>> -> memref<1x128xi32, #tpu.memory_space<vmem>>
        %dma_wait3A_49 = tpu.memref_squeeze %dma_wait3A_48 : memref<1x128xi32, #tpu.memory_space<vmem>> -> memref<128xi32, #tpu.memory_space<vmem>>
        %dma_wait3A_50 = arith.constant 0 : i32
        %dma_wait3A_51 = arith.constant 0 : i32
        %dma_wait3A_52 = tpu.memref_slice %arg8[%dma_wait3A_50, %dma_wait3A_51] : memref<5120x128xf32, #tpu.memory_space<vmem_shared>> -> memref<5120x128xf32, #tpu.memory_space<vmem_shared>>
        tpu.wait_indirect_dma semaphore(%run_scoped3A : memref<!tpu.dma_semaphore, #tpu.memory_space<semaphore_mem>>) src(%arg7 : memref<128x128xf32, #tpu.memory_space<vmem>>) dst(%dma_wait3A_52 : memref<5120x128xf32, #tpu.memory_space<vmem_shared>>)
        tpu.yield
      }) : () -> ()
    }
    %scan3A_14 = arith.constant 80 : i32
    %barrier3A_15 = arith.constant 0 : index
    tpu.barrier barrier_id(%barrier3A_15)
    %mul3A_16 = arith.constant 312 : i32
    %mul3A_17 = arith.muli %arg1, %mul3A_16 : i32
    %add3A_18 = arith.constant 0 : i32
    %add3A_19 = arith.addi %mul3A_17, %add3A_18 : i32
    "tpu.region"() ({
      %run_scoped3A = tpu.sem_alloc : memref<!tpu.dma_semaphore, #tpu.memory_space<semaphore_mem>>
      %dma_start3A = arith.constant 0 : i32
      %dma_start3A_42 = arith.constant 0 : i32
      %dma_start3A_43 = tpu.memref_slice %arg7[%dma_start3A, %dma_start3A_42] : memref<128x128xf32, #tpu.memory_space<vmem>> -> memref<128x128xf32, #tpu.memory_space<vmem>>
      %dma_start3A_44 = arith.constant 0 : i32
      %dma_start3A_45 = tpu.memref_slice %arg8[%add3A_19, %dma_start3A_44] : memref<5120x128xf32, #tpu.memory_space<vmem_shared>> -> memref<128x128xf32, #tpu.memory_space<vmem_shared>>
      %dma_start3A_46 = arith.constant 0 : i32
      %dma_start3A_47 = arith.constant 0 : i32
      %dma_start3A_48 = tpu.memref_slice %arg7[%dma_start3A_46, %dma_start3A_47] : memref<128x128xf32, #tpu.memory_space<vmem>> -> memref<128x128xf32, #tpu.memory_space<vmem>>
      %dma_start3A_49 = arith.constant 0 : i32
      %dma_start3A_50 = tpu.memref_slice %arg8[%add3A_19, %dma_start3A_49] : memref<5120x128xf32, #tpu.memory_space<vmem_shared>> -> memref<128x128xf32, #tpu.memory_space<vmem_shared>>
      tpu.enqueue_dma source(%dma_start3A_50 : memref<128x128xf32, #tpu.memory_space<vmem_shared>>) target(%dma_start3A_48 : memref<128x128xf32, #tpu.memory_space<vmem>>) target_semaphore(%run_scoped3A : memref<!tpu.dma_semaphore, #tpu.memory_space<semaphore_mem>>)
      %dma_wait3A = arith.constant 0 : i32
      %dma_wait3A_51 = arith.constant 0 : i32
      %dma_wait3A_52 = tpu.memref_slice %arg7[%dma_wait3A, %dma_wait3A_51] : memref<128x128xf32, #tpu.memory_space<vmem>> -> memref<128x128xf32, #tpu.memory_space<vmem>>
      %dma_wait3A_53 = arith.constant 0 : i32
      %dma_wait3A_54 = tpu.memref_slice %arg8[%add3A_19, %dma_wait3A_53] : memref<5120x128xf32, #tpu.memory_space<vmem_shared>> -> memref<128x128xf32, #tpu.memory_space<vmem_shared>>
      %dma_wait3A_55 = arith.constant 0 : i32
      %dma_wait3A_56 = arith.constant 0 : i32
      %dma_wait3A_57 = tpu.memref_slice %arg7[%dma_wait3A_55, %dma_wait3A_56] : memref<128x128xf32, #tpu.memory_space<vmem>> -> memref<128x128xf32, #tpu.memory_space<vmem>>
      %dma_wait3A_58 = arith.constant 0 : i32
      %dma_wait3A_59 = tpu.memref_slice %arg8[%add3A_19, %dma_wait3A_58] : memref<5120x128xf32, #tpu.memory_space<vmem_shared>> -> memref<128x128xf32, #tpu.memory_space<vmem_shared>>
      tpu.wait_dma2 semaphore(%run_scoped3A : memref<!tpu.dma_semaphore, #tpu.memory_space<semaphore_mem>>) src(%dma_wait3A_59 : memref<128x128xf32, #tpu.memory_space<vmem_shared>>) dst(%dma_wait3A_57 : memref<128x128xf32, #tpu.memory_space<vmem>>)
      tpu.yield
    }) : () -> ()
    %mul3A_20 = arith.constant 312 : i32
    %mul3A_21 = arith.muli %arg1, %mul3A_20 : i32
    %add3A_22 = arith.constant 0 : i32
    %add3A_23 = arith.addi %mul3A_21, %add3A_22 : i32
    "tpu.region"() ({
      %run_scoped3A = tpu.sem_alloc : memref<!tpu.dma_semaphore, #tpu.memory_space<semaphore_mem>>
      %dma_start3A = arith.constant 0 : i32
      %dma_start3A_42 = arith.constant 0 : i32
      %dma_start3A_43 = tpu.memref_slice %arg7[%dma_start3A, %dma_start3A_42] : memref<128x128xf32, #tpu.memory_space<vmem>> -> memref<128x128xf32, #tpu.memory_space<vmem>>
      %dma_start3A_44 = arith.constant 0 : i32
      %dma_start3A_45 = tpu.memref_slice %arg5[%arg0, %add3A_23, %dma_start3A_44] : memref<2x5000x128xf32, #tpu.memory_space<hbm>> -> memref<1x128x128xf32, #tpu.memory_space<hbm>>
      %dma_start3A_46 = tpu.memref_squeeze %dma_start3A_45 : memref<1x128x128xf32, #tpu.memory_space<hbm>> -> memref<128x128xf32, #tpu.memory_space<hbm>>
      %dma_start3A_47 = arith.constant 0 : i32
      %dma_start3A_48 = tpu.memref_slice %arg5[%arg0, %add3A_23, %dma_start3A_47] : memref<2x5000x128xf32, #tpu.memory_space<hbm>> -> memref<1x128x128xf32, #tpu.memory_space<hbm>>
      %dma_start3A_49 = tpu.memref_squeeze %dma_start3A_48 : memref<1x128x128xf32, #tpu.memory_space<hbm>> -> memref<128x128xf32, #tpu.memory_space<hbm>>
      %dma_start3A_50 = arith.constant 0 : i32
      %dma_start3A_51 = arith.constant 0 : i32
      %dma_start3A_52 = tpu.memref_slice %arg7[%dma_start3A_50, %dma_start3A_51] : memref<128x128xf32, #tpu.memory_space<vmem>> -> memref<128x128xf32, #tpu.memory_space<vmem>>
      tpu.enqueue_dma source(%dma_start3A_52 : memref<128x128xf32, #tpu.memory_space<vmem>>) target(%dma_start3A_49 : memref<128x128xf32, #tpu.memory_space<hbm>>) target_semaphore(%run_scoped3A : memref<!tpu.dma_semaphore, #tpu.memory_space<semaphore_mem>>)
      %dma_wait3A = arith.constant 0 : i32
      %dma_wait3A_53 = arith.constant 0 : i32
      %dma_wait3A_54 = tpu.memref_slice %arg7[%dma_wait3A, %dma_wait3A_53] : memref<128x128xf32, #tpu.memory_space<vmem>> -> memref<128x128xf32, #tpu.memory_space<vmem>>
      %dma_wait3A_55 = arith.constant 0 : i32
      %dma_wait3A_56 = tpu.memref_slice %arg5[%arg0, %add3A_23, %dma_wait3A_55] : memref<2x5000x128xf32, #tpu.memory_space<hbm>> -> memref<1x128x128xf32, #tpu.memory_space<hbm>>
      %dma_wait3A_57 = tpu.memref_squeeze %dma_wait3A_56 : memref<1x128x128xf32, #tpu.memory_space<hbm>> -> memref<128x128xf32, #tpu.memory_space<hbm>>
      %dma_wait3A_58 = arith.constant 0 : i32
      %dma_wait3A_59 = tpu.memref_slice %arg5[%arg0, %add3A_23, %dma_wait3A_58] : memref<2x5000x128xf32, #tpu.memory_space<hbm>> -> memref<1x128x128xf32, #tpu.memory_space<hbm>>
      %dma_wait3A_60 = tpu.memref_squeeze %dma_wait3A_59 : memref<1x128x128xf32, #tpu.memory_space<hbm>> -> memref<128x128xf32, #tpu.memory_space<hbm>>
      %dma_wait3A_61 = arith.constant 0 : i32
      %dma_wait3A_62 = arith.constant 0 : i32
      %dma_wait3A_63 = tpu.memref_slice %arg7[%dma_wait3A_61, %dma_wait3A_62] : memref<128x128xf32, #tpu.memory_space<vmem>> -> memref<128x128xf32, #tpu.memory_space<vmem>>
      tpu.wait_dma2 semaphore(%run_scoped3A : memref<!tpu.dma_semaphore, #tpu.memory_space<semaphore_mem>>) src(%dma_wait3A_63 : memref<128x128xf32, #tpu.memory_space<vmem>>) dst(%dma_wait3A_60 : memref<128x128xf32, #tpu.memory_space<hbm>>)
      tpu.yield
    }) : () -> ()
    %mul3A_24 = arith.constant 312 : i32
    %mul3A_25 = arith.muli %arg1, %mul3A_24 : i32
    %add3A_26 = arith.constant 128 : i32
    %add3A_27 = arith.addi %mul3A_25, %add3A_26 : i32
    "tpu.region"() ({
      %run_scoped3A = tpu.sem_alloc : memref<!tpu.dma_semaphore, #tpu.memory_space<semaphore_mem>>
      %dma_start3A = arith.constant 0 : i32
      %dma_start3A_42 = arith.constant 0 : i32
      %dma_start3A_43 = tpu.memref_slice %arg7[%dma_start3A, %dma_start3A_42] : memref<128x128xf32, #tpu.memory_space<vmem>> -> memref<128x128xf32, #tpu.memory_space<vmem>>
      %dma_start3A_44 = arith.constant 0 : i32
      %dma_start3A_45 = tpu.memref_slice %arg8[%add3A_27, %dma_start3A_44] : memref<5120x128xf32, #tpu.memory_space<vmem_shared>> -> memref<128x128xf32, #tpu.memory_space<vmem_shared>>
      %dma_start3A_46 = arith.constant 0 : i32
      %dma_start3A_47 = arith.constant 0 : i32
      %dma_start3A_48 = tpu.memref_slice %arg7[%dma_start3A_46, %dma_start3A_47] : memref<128x128xf32, #tpu.memory_space<vmem>> -> memref<128x128xf32, #tpu.memory_space<vmem>>
      %dma_start3A_49 = arith.constant 0 : i32
      %dma_start3A_50 = tpu.memref_slice %arg8[%add3A_27, %dma_start3A_49] : memref<5120x128xf32, #tpu.memory_space<vmem_shared>> -> memref<128x128xf32, #tpu.memory_space<vmem_shared>>
      tpu.enqueue_dma source(%dma_start3A_50 : memref<128x128xf32, #tpu.memory_space<vmem_shared>>) target(%dma_start3A_48 : memref<128x128xf32, #tpu.memory_space<vmem>>) target_semaphore(%run_scoped3A : memref<!tpu.dma_semaphore, #tpu.memory_space<semaphore_mem>>)
      %dma_wait3A = arith.constant 0 : i32
      %dma_wait3A_51 = arith.constant 0 : i32
      %dma_wait3A_52 = tpu.memref_slice %arg7[%dma_wait3A, %dma_wait3A_51] : memref<128x128xf32, #tpu.memory_space<vmem>> -> memref<128x128xf32, #tpu.memory_space<vmem>>
      %dma_wait3A_53 = arith.constant 0 : i32
      %dma_wait3A_54 = tpu.memref_slice %arg8[%add3A_27, %dma_wait3A_53] : memref<5120x128xf32, #tpu.memory_space<vmem_shared>> -> memref<128x128xf32, #tpu.memory_space<vmem_shared>>
      %dma_wait3A_55 = arith.constant 0 : i32
      %dma_wait3A_56 = arith.constant 0 : i32
      %dma_wait3A_57 = tpu.memref_slice %arg7[%dma_wait3A_55, %dma_wait3A_56] : memref<128x128xf32, #tpu.memory_space<vmem>> -> memref<128x128xf32, #tpu.memory_space<vmem>>
      %dma_wait3A_58 = arith.constant 0 : i32
      %dma_wait3A_59 = tpu.memref_slice %arg8[%add3A_27, %dma_wait3A_58] : memref<5120x128xf32, #tpu.memory_space<vmem_shared>> -> memref<128x128xf32, #tpu.memory_space<vmem_shared>>
      tpu.wait_dma2 semaphore(%run_scoped3A : memref<!tpu.dma_semaphore, #tpu.memory_space<semaphore_mem>>) src(%dma_wait3A_59 : memref<128x128xf32, #tpu.memory_space<vmem_shared>>) dst(%dma_wait3A_57 : memref<128x128xf32, #tpu.memory_space<vmem>>)
      tpu.yield
    }) : () -> ()
    %mul3A_28 = arith.constant 312 : i32
    %mul3A_29 = arith.muli %arg1, %mul3A_28 : i32
    %add3A_30 = arith.constant 128 : i32
    %add3A_31 = arith.addi %mul3A_29, %add3A_30 : i32
    "tpu.region"() ({
      %run_scoped3A = tpu.sem_alloc : memref<!tpu.dma_semaphore, #tpu.memory_space<semaphore_mem>>
      %dma_start3A = arith.constant 0 : i32
      %dma_start3A_42 = arith.constant 0 : i32
      %dma_start3A_43 = tpu.memref_slice %arg7[%dma_start3A, %dma_start3A_42] : memref<128x128xf32, #tpu.memory_space<vmem>> -> memref<128x128xf32, #tpu.memory_space<vmem>>
      %dma_start3A_44 = arith.constant 0 : i32
      %dma_start3A_45 = tpu.memref_slice %arg5[%arg0, %add3A_31, %dma_start3A_44] : memref<2x5000x128xf32, #tpu.memory_space<hbm>> -> memref<1x128x128xf32, #tpu.memory_space<hbm>>
      %dma_start3A_46 = tpu.memref_squeeze %dma_start3A_45 : memref<1x128x128xf32, #tpu.memory_space<hbm>> -> memref<128x128xf32, #tpu.memory_space<hbm>>
      %dma_start3A_47 = arith.constant 0 : i32
      %dma_start3A_48 = tpu.memref_slice %arg5[%arg0, %add3A_31, %dma_start3A_47] : memref<2x5000x128xf32, #tpu.memory_space<hbm>> -> memref<1x128x128xf32, #tpu.memory_space<hbm>>
      %dma_start3A_49 = tpu.memref_squeeze %dma_start3A_48 : memref<1x128x128xf32, #tpu.memory_space<hbm>> -> memref<128x128xf32, #tpu.memory_space<hbm>>
      %dma_start3A_50 = arith.constant 0 : i32
      %dma_start3A_51 = arith.constant 0 : i32
      %dma_start3A_52 = tpu.memref_slice %arg7[%dma_start3A_50, %dma_start3A_51] : memref<128x128xf32, #tpu.memory_space<vmem>> -> memref<128x128xf32, #tpu.memory_space<vmem>>
      tpu.enqueue_dma source(%dma_start3A_52 : memref<128x128xf32, #tpu.memory_space<vmem>>) target(%dma_start3A_49 : memref<128x128xf32, #tpu.memory_space<hbm>>) target_semaphore(%run_scoped3A : memref<!tpu.dma_semaphore, #tpu.memory_space<semaphore_mem>>)
      %dma_wait3A = arith.constant 0 : i32
      %dma_wait3A_53 = arith.constant 0 : i32
      %dma_wait3A_54 = tpu.memref_slice %arg7[%dma_wait3A, %dma_wait3A_53] : memref<128x128xf32, #tpu.memory_space<vmem>> -> memref<128x128xf32, #tpu.memory_space<vmem>>
      %dma_wait3A_55 = arith.constant 0 : i32
      %dma_wait3A_56 = tpu.memref_slice %arg5[%arg0, %add3A_31, %dma_wait3A_55] : memref<2x5000x128xf32, #tpu.memory_space<hbm>> -> memref<1x128x128xf32, #tpu.memory_space<hbm>>
      %dma_wait3A_57 = tpu.memref_squeeze %dma_wait3A_56 : memref<1x128x128xf32, #tpu.memory_space<hbm>> -> memref<128x128xf32, #tpu.memory_space<hbm>>
      %dma_wait3A_58 = arith.constant 0 : i32
      %dma_wait3A_59 = tpu.memref_slice %arg5[%arg0, %add3A_31, %dma_wait3A_58] : memref<2x5000x128xf32, #tpu.memory_space<hbm>> -> memref<1x128x128xf32, #tpu.memory_space<hbm>>
      %dma_wait3A_60 = tpu.memref_squeeze %dma_wait3A_59 : memref<1x128x128xf32, #tpu.memory_space<hbm>> -> memref<128x128xf32, #tpu.memory_space<hbm>>
      %dma_wait3A_61 = arith.constant 0 : i32
      %dma_wait3A_62 = arith.constant 0 : i32
      %dma_wait3A_63 = tpu.memref_slice %arg7[%dma_wait3A_61, %dma_wait3A_62] : memref<128x128xf32, #tpu.memory_space<vmem>> -> memref<128x128xf32, #tpu.memory_space<vmem>>
      tpu.wait_dma2 semaphore(%run_scoped3A : memref<!tpu.dma_semaphore, #tpu.memory_space<semaphore_mem>>) src(%dma_wait3A_63 : memref<128x128xf32, #tpu.memory_space<vmem>>) dst(%dma_wait3A_60 : memref<128x128xf32, #tpu.memory_space<hbm>>)
      tpu.yield
    }) : () -> ()
    %mul3A_32 = arith.constant 312 : i32
    %mul3A_33 = arith.muli %arg1, %mul3A_32 : i32
    %add3A_34 = arith.constant 256 : i32
    %add3A_35 = arith.addi %mul3A_33, %add3A_34 : i32
    "tpu.region"() ({
      %run_scoped3A = tpu.sem_alloc : memref<!tpu.dma_semaphore, #tpu.memory_space<semaphore_mem>>
      %dma_start3A = arith.constant 0 : i32
      %dma_start3A_42 = arith.constant 0 : i32
      %dma_start3A_43 = tpu.memref_slice %arg7[%dma_start3A, %dma_start3A_42] : memref<128x128xf32, #tpu.memory_space<vmem>> -> memref<56x128xf32, #tpu.memory_space<vmem>>
      %dma_start3A_44 = arith.constant 0 : i32
      %dma_start3A_45 = tpu.memref_slice %arg8[%add3A_35, %dma_start3A_44] : memref<5120x128xf32, #tpu.memory_space<vmem_shared>> -> memref<56x128xf32, #tpu.memory_space<vmem_shared>>
      %dma_start3A_46 = arith.constant 0 : i32
      %dma_start3A_47 = arith.constant 0 : i32
      %dma_start3A_48 = tpu.memref_slice %arg7[%dma_start3A_46, %dma_start3A_47] : memref<128x128xf32, #tpu.memory_space<vmem>> -> memref<56x128xf32, #tpu.memory_space<vmem>>
      %dma_start3A_49 = arith.constant 0 : i32
      %dma_start3A_50 = tpu.memref_slice %arg8[%add3A_35, %dma_start3A_49] : memref<5120x128xf32, #tpu.memory_space<vmem_shared>> -> memref<56x128xf32, #tpu.memory_space<vmem_shared>>
      tpu.enqueue_dma source(%dma_start3A_50 : memref<56x128xf32, #tpu.memory_space<vmem_shared>>) target(%dma_start3A_48 : memref<56x128xf32, #tpu.memory_space<vmem>>) target_semaphore(%run_scoped3A : memref<!tpu.dma_semaphore, #tpu.memory_space<semaphore_mem>>)
      %dma_wait3A = arith.constant 0 : i32
      %dma_wait3A_51 = arith.constant 0 : i32
      %dma_wait3A_52 = tpu.memref_slice %arg7[%dma_wait3A, %dma_wait3A_51] : memref<128x128xf32, #tpu.memory_space<vmem>> -> memref<56x128xf32, #tpu.memory_space<vmem>>
      %dma_wait3A_53 = arith.constant 0 : i32
      %dma_wait3A_54 = tpu.memref_slice %arg8[%add3A_35, %dma_wait3A_53] : memref<5120x128xf32, #tpu.memory_space<vmem_shared>> -> memref<56x128xf32, #tpu.memory_space<vmem_shared>>
      %dma_wait3A_55 = arith.constant 0 : i32
      %dma_wait3A_56 = arith.constant 0 : i32
      %dma_wait3A_57 = tpu.memref_slice %arg7[%dma_wait3A_55, %dma_wait3A_56] : memref<128x128xf32, #tpu.memory_space<vmem>> -> memref<56x128xf32, #tpu.memory_space<vmem>>
      %dma_wait3A_58 = arith.constant 0 : i32
      %dma_wait3A_59 = tpu.memref_slice %arg8[%add3A_35, %dma_wait3A_58] : memref<5120x128xf32, #tpu.memory_space<vmem_shared>> -> memref<56x128xf32, #tpu.memory_space<vmem_shared>>
      tpu.wait_dma2 semaphore(%run_scoped3A : memref<!tpu.dma_semaphore, #tpu.memory_space<semaphore_mem>>) src(%dma_wait3A_59 : memref<56x128xf32, #tpu.memory_space<vmem_shared>>) dst(%dma_wait3A_57 : memref<56x128xf32, #tpu.memory_space<vmem>>)
      tpu.yield
    }) : () -> ()
    %mul3A_36 = arith.constant 312 : i32
    %mul3A_37 = arith.muli %arg1, %mul3A_36 : i32
    %add3A_38 = arith.constant 256 : i32
    %add3A_39 = arith.addi %mul3A_37, %add3A_38 : i32
    "tpu.region"() ({
      %run_scoped3A = tpu.sem_alloc : memref<!tpu.dma_semaphore, #tpu.memory_space<semaphore_mem>>
      %dma_start3A = arith.constant 0 : i32
      %dma_start3A_42 = arith.constant 0 : i32
      %dma_start3A_43 = tpu.memref_slice %arg7[%dma_start3A, %dma_start3A_42] : memref<128x128xf32, #tpu.memory_space<vmem>> -> memref<56x128xf32, #tpu.memory_space<vmem>>
      %dma_start3A_44 = arith.constant 0 : i32
      %dma_start3A_45 = tpu.memref_slice %arg5[%arg0, %add3A_39, %dma_start3A_44] : memref<2x5000x128xf32, #tpu.memory_space<hbm>> -> memref<1x56x128xf32, #tpu.memory_space<hbm>>
      %dma_start3A_46 = tpu.memref_squeeze %dma_start3A_45 : memref<1x56x128xf32, #tpu.memory_space<hbm>> -> memref<56x128xf32, #tpu.memory_space<hbm>>
      %dma_start3A_47 = arith.constant 0 : i32
      %dma_start3A_48 = tpu.memref_slice %arg5[%arg0, %add3A_39, %dma_start3A_47] : memref<2x5000x128xf32, #tpu.memory_space<hbm>> -> memref<1x56x128xf32, #tpu.memory_space<hbm>>
      %dma_start3A_49 = tpu.memref_squeeze %dma_start3A_48 : memref<1x56x128xf32, #tpu.memory_space<hbm>> -> memref<56x128xf32, #tpu.memory_space<hbm>>
      %dma_start3A_50 = arith.constant 0 : i32
      %dma_start3A_51 = arith.constant 0 : i32
      %dma_start3A_52 = tpu.memref_slice %arg7[%dma_start3A_50, %dma_start3A_51] : memref<128x128xf32, #tpu.memory_space<vmem>> -> memref<56x128xf32, #tpu.memory_space<vmem>>
      tpu.enqueue_dma source(%dma_start3A_52 : memref<56x128xf32, #tpu.memory_space<vmem>>) target(%dma_start3A_49 : memref<56x128xf32, #tpu.memory_space<hbm>>) target_semaphore(%run_scoped3A : memref<!tpu.dma_semaphore, #tpu.memory_space<semaphore_mem>>)
      %dma_wait3A = arith.constant 0 : i32
      %dma_wait3A_53 = arith.constant 0 : i32
      %dma_wait3A_54 = tpu.memref_slice %arg7[%dma_wait3A, %dma_wait3A_53] : memref<128x128xf32, #tpu.memory_space<vmem>> -> memref<56x128xf32, #tpu.memory_space<vmem>>
      %dma_wait3A_55 = arith.constant 0 : i32
      %dma_wait3A_56 = tpu.memref_slice %arg5[%arg0, %add3A_39, %dma_wait3A_55] : memref<2x5000x128xf32, #tpu.memory_space<hbm>> -> memref<1x56x128xf32, #tpu.memory_space<hbm>>
      %dma_wait3A_57 = tpu.memref_squeeze %dma_wait3A_56 : memref<1x56x128xf32, #tpu.memory_space<hbm>> -> memref<56x128xf32, #tpu.memory_space<hbm>>
      %dma_wait3A_58 = arith.constant 0 : i32
      %dma_wait3A_59 = tpu.memref_slice %arg5[%arg0, %add3A_39, %dma_wait3A_58] : memref<2x5000x128xf32, #tpu.memory_space<hbm>> -> memref<1x56x128xf32, #tpu.memory_space<hbm>>
      %dma_wait3A_60 = tpu.memref_squeeze %dma_wait3A_59 : memref<1x56x128xf32, #tpu.memory_space<hbm>> -> memref<56x128xf32, #tpu.memory_space<hbm>>
      %dma_wait3A_61 = arith.constant 0 : i32
      %dma_wait3A_62 = arith.constant 0 : i32
      %dma_wait3A_63 = tpu.memref_slice %arg7[%dma_wait3A_61, %dma_wait3A_62] : memref<128x128xf32, #tpu.memory_space<vmem>> -> memref<56x128xf32, #tpu.memory_space<vmem>>
      tpu.wait_dma2 semaphore(%run_scoped3A : memref<!tpu.dma_semaphore, #tpu.memory_space<semaphore_mem>>) src(%dma_wait3A_63 : memref<56x128xf32, #tpu.memory_space<vmem>>) dst(%dma_wait3A_60 : memref<56x128xf32, #tpu.memory_space<hbm>>)
      tpu.yield
    }) : () -> ()
    %eq3A = arith.constant 0 : i32
    %eq3A_40 = arith.cmpi eq, %arg1, %eq3A : i32
    %convert_element_type3A = arith.extui %eq3A_40 : i1 to i32
    %cond3A = arith.constant 0 : i32
    %cond3A_41 = arith.cmpi ne, %convert_element_type3A, %cond3A : i32
    scf.if %cond3A_41 {
      "tpu.region"() ({
        %run_scoped3A = tpu.sem_alloc : memref<!tpu.dma_semaphore, #tpu.memory_space<semaphore_mem>>
        %dma_start3A = arith.constant 0 : i32
        %dma_start3A_42 = arith.constant 0 : i32
        %dma_start3A_43 = tpu.memref_slice %arg7[%dma_start3A, %dma_start3A_42] : memref<128x128xf32, #tpu.memory_space<vmem>> -> memref<8x128xf32, #tpu.memory_space<vmem>>
        %dma_start3A_44 = arith.constant 4992 : i32
        %dma_start3A_45 = arith.constant 0 : i32
        %dma_start3A_46 = tpu.memref_slice %arg8[%dma_start3A_44, %dma_start3A_45] : memref<5120x128xf32, #tpu.memory_space<vmem_shared>> -> memref<8x128xf32, #tpu.memory_space<vmem_shared>>
        %dma_start3A_47 = arith.constant 0 : i32
        %dma_start3A_48 = arith.constant 0 : i32
        %dma_start3A_49 = tpu.memref_slice %arg7[%dma_start3A_47, %dma_start3A_48] : memref<128x128xf32, #tpu.memory_space<vmem>> -> memref<8x128xf32, #tpu.memory_space<vmem>>
        %dma_start3A_50 = arith.constant 4992 : i32
        %dma_start3A_51 = arith.constant 0 : i32
        %dma_start3A_52 = tpu.memref_slice %arg8[%dma_start3A_50, %dma_start3A_51] : memref<5120x128xf32, #tpu.memory_space<vmem_shared>> -> memref<8x128xf32, #tpu.memory_space<vmem_shared>>
        tpu.enqueue_dma source(%dma_start3A_52 : memref<8x128xf32, #tpu.memory_space<vmem_shared>>) target(%dma_start3A_49 : memref<8x128xf32, #tpu.memory_space<vmem>>) target_semaphore(%run_scoped3A : memref<!tpu.dma_semaphore, #tpu.memory_space<semaphore_mem>>)
        %dma_wait3A = arith.constant 0 : i32
        %dma_wait3A_53 = arith.constant 0 : i32
        %dma_wait3A_54 = tpu.memref_slice %arg7[%dma_wait3A, %dma_wait3A_53] : memref<128x128xf32, #tpu.memory_space<vmem>> -> memref<8x128xf32, #tpu.memory_space<vmem>>
        %dma_wait3A_55 = arith.constant 4992 : i32
        %dma_wait3A_56 = arith.constant 0 : i32
        %dma_wait3A_57 = tpu.memref_slice %arg8[%dma_wait3A_55, %dma_wait3A_56] : memref<5120x128xf32, #tpu.memory_space<vmem_shared>> -> memref<8x128xf32, #tpu.memory_space<vmem_shared>>
        %dma_wait3A_58 = arith.constant 0 : i32
        %dma_wait3A_59 = arith.constant 0 : i32
        %dma_wait3A_60 = tpu.memref_slice %arg7[%dma_wait3A_58, %dma_wait3A_59] : memref<128x128xf32, #tpu.memory_space<vmem>> -> memref<8x128xf32, #tpu.memory_space<vmem>>
        %dma_wait3A_61 = arith.constant 4992 : i32
        %dma_wait3A_62 = arith.constant 0 : i32
        %dma_wait3A_63 = tpu.memref_slice %arg8[%dma_wait3A_61, %dma_wait3A_62] : memref<5120x128xf32, #tpu.memory_space<vmem_shared>> -> memref<8x128xf32, #tpu.memory_space<vmem_shared>>
        tpu.wait_dma2 semaphore(%run_scoped3A : memref<!tpu.dma_semaphore, #tpu.memory_space<semaphore_mem>>) src(%dma_wait3A_63 : memref<8x128xf32, #tpu.memory_space<vmem_shared>>) dst(%dma_wait3A_60 : memref<8x128xf32, #tpu.memory_space<vmem>>)
        tpu.yield
      }) : () -> ()
      "tpu.region"() ({
        %run_scoped3A = tpu.sem_alloc : memref<!tpu.dma_semaphore, #tpu.memory_space<semaphore_mem>>
        %dma_start3A = arith.constant 0 : i32
        %dma_start3A_42 = arith.constant 0 : i32
        %dma_start3A_43 = tpu.memref_slice %arg7[%dma_start3A, %dma_start3A_42] : memref<128x128xf32, #tpu.memory_space<vmem>> -> memref<8x128xf32, #tpu.memory_space<vmem>>
        %dma_start3A_44 = arith.constant 4992 : i32
        %dma_start3A_45 = arith.constant 0 : i32
        %dma_start3A_46 = tpu.memref_slice %arg5[%arg0, %dma_start3A_44, %dma_start3A_45] : memref<2x5000x128xf32, #tpu.memory_space<hbm>> -> memref<1x8x128xf32, #tpu.memory_space<hbm>>
        %dma_start3A_47 = tpu.memref_squeeze %dma_start3A_46 : memref<1x8x128xf32, #tpu.memory_space<hbm>> -> memref<8x128xf32, #tpu.memory_space<hbm>>
        %dma_start3A_48 = arith.constant 4992 : i32
        %dma_start3A_49 = arith.constant 0 : i32
        %dma_start3A_50 = tpu.memref_slice %arg5[%arg0, %dma_start3A_48, %dma_start3A_49] : memref<2x5000x128xf32, #tpu.memory_space<hbm>> -> memref<1x8x128xf32, #tpu.memory_space<hbm>>
        %dma_start3A_51 = tpu.memref_squeeze %dma_start3A_50 : memref<1x8x128xf32, #tpu.memory_space<hbm>> -> memref<8x128xf32, #tpu.memory_space<hbm>>
        %dma_start3A_52 = arith.constant 0 : i32
        %dma_start3A_53 = arith.constant 0 : i32
        %dma_start3A_54 = tpu.memref_slice %arg7[%dma_start3A_52, %dma_start3A_53] : memref<128x128xf32, #tpu.memory_space<vmem>> -> memref<8x128xf32, #tpu.memory_space<vmem>>
        tpu.enqueue_dma source(%dma_start3A_54 : memref<8x128xf32, #tpu.memory_space<vmem>>) target(%dma_start3A_51 : memref<8x128xf32, #tpu.memory_space<hbm>>) target_semaphore(%run_scoped3A : memref<!tpu.dma_semaphore, #tpu.memory_space<semaphore_mem>>)
        %dma_wait3A = arith.constant 0 : i32
        %dma_wait3A_55 = arith.constant 0 : i32
        %dma_wait3A_56 = tpu.memref_slice %arg7[%dma_wait3A, %dma_wait3A_55] : memref<128x128xf32, #tpu.memory_space<vmem>> -> memref<8x128xf32, #tpu.memory_space<vmem>>
        %dma_wait3A_57 = arith.constant 4992 : i32
        %dma_wait3A_58 = arith.constant 0 : i32
        %dma_wait3A_59 = tpu.memref_slice %arg5[%arg0, %dma_wait3A_57, %dma_wait3A_58] : memref<2x5000x128xf32, #tpu.memory_space<hbm>> -> memref<1x8x128xf32, #tpu.memory_space<hbm>>
        %dma_wait3A_60 = tpu.memref_squeeze %dma_wait3A_59 : memref<1x8x128xf32, #tpu.memory_space<hbm>> -> memref<8x128xf32, #tpu.memory_space<hbm>>
        %dma_wait3A_61 = arith.constant 4992 : i32
        %dma_wait3A_62 = arith.constant 0 : i32
        %dma_wait3A_63 = tpu.memref_slice %arg5[%arg0, %dma_wait3A_61, %dma_wait3A_62] : memref<2x5000x128xf32, #tpu.memory_space<hbm>> -> memref<1x8x128xf32, #tpu.memory_space<hbm>>
        %dma_wait3A_64 = tpu.memref_squeeze %dma_wait3A_63 : memref<1x8x128xf32, #tpu.memory_space<hbm>> -> memref<8x128xf32, #tpu.memory_space<hbm>>
        %dma_wait3A_65 = arith.constant 0 : i32
        %dma_wait3A_66 = arith.constant 0 : i32
        %dma_wait3A_67 = tpu.memref_slice %arg7[%dma_wait3A_65, %dma_wait3A_66] : memref<128x128xf32, #tpu.memory_space<vmem>> -> memref<8x128xf32, #tpu.memory_space<vmem>>
        tpu.wait_dma2 semaphore(%run_scoped3A : memref<!tpu.dma_semaphore, #tpu.memory_space<semaphore_mem>>) src(%dma_wait3A_67 : memref<8x128xf32, #tpu.memory_space<vmem>>) dst(%dma_wait3A_64 : memref<8x128xf32, #tpu.memory_space<hbm>>)
        tpu.yield
      }) : () -> ()
    } else {
    }
    return
  }
}

#map = affine_map<(d0, d1) -> (0, 0, 0)>
#map1 = affine_map<(d0, d1) -> (0, 0, 0, 0)>
#map2 = affine_map<(d0, d1) -> (0, 0)>
module attributes {stable_mosaic.version = 14 : i64} {
  func.func @_scatter(%arg0: i32, %arg1: i32, %arg2: memref<16x80x128xi32, #tpu.memory_space<hbm>>, %arg3: memref<2x16x80x128xi32, #tpu.memory_space<hbm>>, %arg4: memref<20000x128xf32, #tpu.memory_space<hbm>>, %arg5: memref<128x128xf32, #tpu.memory_space<hbm>>, %arg6: memref<2x5000x128xf32, #tpu.memory_space<hbm>>, %arg7: memref<80x128xi32, #tpu.memory_space<vmem>>, %arg8: memref<80x128xi32, #tpu.memory_space<vmem>>, %arg9: memref<4x128x128xf32, #tpu.memory_space<vmem>>, %arg10: memref<5120x128xf32, #tpu.memory_space<vmem_shared>>, %arg11: memref<!tpu.dma_semaphore, #tpu.memory_space<semaphore_mem>>, %arg12: memref<!tpu.dma_semaphore, #tpu.memory_space<semaphore_mem>>, %arg13: memref<!tpu.dma_semaphore, #tpu.memory_space<semaphore_mem>>, %arg14: memref<!tpu.dma_semaphore, #tpu.memory_space<semaphore_mem>>) attributes {dimension_semantics = [#tpu.dimension_semantics<core_parallel>, #tpu.dimension_semantics<subcore_parallel>], iteration_bounds = array<i64: 2, 16>, scalar_prefetch = 0 : i64, scratch_operands = 8 : i64, tpu.core_type = #tpu.core_type<sc_vector_subcore>, window_params = [{transform_indices = #map}, {transform_indices = #map1}, {transform_indices = #map2}, {transform_indices = #map2}, {transform_indices = #map}]} {
    "tpu.region"() ({
      %run_scoped3A_98 = tpu.sem_alloc : memref<!tpu.dma_semaphore, #tpu.memory_space<semaphore_mem>>
      %dma_start3A_99 = arith.constant 0 : i32
      %dma_start3A_100 = arith.constant 0 : i32
      %dma_start3A_101 = tpu.memref_slice %arg2[%arg1, %dma_start3A_99, %dma_start3A_100] : memref<16x80x128xi32, #tpu.memory_space<hbm>> -> memref<1x80x128xi32, #tpu.memory_space<hbm>>
      %dma_start3A_102 = tpu.memref_squeeze %dma_start3A_101 : memref<1x80x128xi32, #tpu.memory_space<hbm>> -> memref<80x128xi32, #tpu.memory_space<hbm>>
      %dma_start3A_103 = arith.constant 0 : i32
      %dma_start3A_104 = arith.constant 0 : i32
      %dma_start3A_105 = tpu.memref_slice %arg2[%arg1, %dma_start3A_103, %dma_start3A_104] : memref<16x80x128xi32, #tpu.memory_space<hbm>> -> memref<1x80x128xi32, #tpu.memory_space<hbm>>
      %dma_start3A_106 = tpu.memref_squeeze %dma_start3A_105 : memref<1x80x128xi32, #tpu.memory_space<hbm>> -> memref<80x128xi32, #tpu.memory_space<hbm>>
      tpu.enqueue_dma source(%dma_start3A_106 : memref<80x128xi32, #tpu.memory_space<hbm>>) target(%arg7 : memref<80x128xi32, #tpu.memory_space<vmem>>) target_semaphore(%run_scoped3A_98 : memref<!tpu.dma_semaphore, #tpu.memory_space<semaphore_mem>>)
      %dma_wait3A = arith.constant 0 : i32
      %dma_wait3A_107 = arith.constant 0 : i32
      %dma_wait3A_108 = tpu.memref_slice %arg2[%arg1, %dma_wait3A, %dma_wait3A_107] : memref<16x80x128xi32, #tpu.memory_space<hbm>> -> memref<1x80x128xi32, #tpu.memory_space<hbm>>
      %dma_wait3A_109 = tpu.memref_squeeze %dma_wait3A_108 : memref<1x80x128xi32, #tpu.memory_space<hbm>> -> memref<80x128xi32, #tpu.memory_space<hbm>>
      %dma_wait3A_110 = arith.constant 0 : i32
      %dma_wait3A_111 = arith.constant 0 : i32
      %dma_wait3A_112 = tpu.memref_slice %arg2[%arg1, %dma_wait3A_110, %dma_wait3A_111] : memref<16x80x128xi32, #tpu.memory_space<hbm>> -> memref<1x80x128xi32, #tpu.memory_space<hbm>>
      %dma_wait3A_113 = tpu.memref_squeeze %dma_wait3A_112 : memref<1x80x128xi32, #tpu.memory_space<hbm>> -> memref<80x128xi32, #tpu.memory_space<hbm>>
      tpu.wait_dma2 semaphore(%run_scoped3A_98 : memref<!tpu.dma_semaphore, #tpu.memory_space<semaphore_mem>>) src(%dma_wait3A_113 : memref<80x128xi32, #tpu.memory_space<hbm>>) dst(%arg7 : memref<80x128xi32, #tpu.memory_space<vmem>>)
      tpu.yield
    }) : () -> ()
    "tpu.region"() ({
      %run_scoped3A_98 = tpu.sem_alloc : memref<!tpu.dma_semaphore, #tpu.memory_space<semaphore_mem>>
      %dma_start3A_99 = arith.constant 0 : i32
      %dma_start3A_100 = arith.constant 0 : i32
      %dma_start3A_101 = tpu.memref_slice %arg3[%arg0, %arg1, %dma_start3A_99, %dma_start3A_100] : memref<2x16x80x128xi32, #tpu.memory_space<hbm>> -> memref<1x1x80x128xi32, #tpu.memory_space<hbm>>
      %dma_start3A_102 = tpu.memref_squeeze %dma_start3A_101 : memref<1x1x80x128xi32, #tpu.memory_space<hbm>> -> memref<80x128xi32, #tpu.memory_space<hbm>>
      %dma_start3A_103 = arith.constant 0 : i32
      %dma_start3A_104 = arith.constant 0 : i32
      %dma_start3A_105 = tpu.memref_slice %arg3[%arg0, %arg1, %dma_start3A_103, %dma_start3A_104] : memref<2x16x80x128xi32, #tpu.memory_space<hbm>> -> memref<1x1x80x128xi32, #tpu.memory_space<hbm>>
      %dma_start3A_106 = tpu.memref_squeeze %dma_start3A_105 : memref<1x1x80x128xi32, #tpu.memory_space<hbm>> -> memref<80x128xi32, #tpu.memory_space<hbm>>
      tpu.enqueue_dma source(%dma_start3A_106 : memref<80x128xi32, #tpu.memory_space<hbm>>) target(%arg8 : memref<80x128xi32, #tpu.memory_space<vmem>>) target_semaphore(%run_scoped3A_98 : memref<!tpu.dma_semaphore, #tpu.memory_space<semaphore_mem>>)
      %dma_wait3A = arith.constant 0 : i32
      %dma_wait3A_107 = arith.constant 0 : i32
      %dma_wait3A_108 = tpu.memref_slice %arg3[%arg0, %arg1, %dma_wait3A, %dma_wait3A_107] : memref<2x16x80x128xi32, #tpu.memory_space<hbm>> -> memref<1x1x80x128xi32, #tpu.memory_space<hbm>>
      %dma_wait3A_109 = tpu.memref_squeeze %dma_wait3A_108 : memref<1x1x80x128xi32, #tpu.memory_space<hbm>> -> memref<80x128xi32, #tpu.memory_space<hbm>>
      %dma_wait3A_110 = arith.constant 0 : i32
      %dma_wait3A_111 = arith.constant 0 : i32
      %dma_wait3A_112 = tpu.memref_slice %arg3[%arg0, %arg1, %dma_wait3A_110, %dma_wait3A_111] : memref<2x16x80x128xi32, #tpu.memory_space<hbm>> -> memref<1x1x80x128xi32, #tpu.memory_space<hbm>>
      %dma_wait3A_113 = tpu.memref_squeeze %dma_wait3A_112 : memref<1x1x80x128xi32, #tpu.memory_space<hbm>> -> memref<80x128xi32, #tpu.memory_space<hbm>>
      tpu.wait_dma2 semaphore(%run_scoped3A_98 : memref<!tpu.dma_semaphore, #tpu.memory_space<semaphore_mem>>) src(%dma_wait3A_113 : memref<80x128xi32, #tpu.memory_space<hbm>>) dst(%arg8 : memref<80x128xi32, #tpu.memory_space<vmem>>)
      tpu.yield
    }) : () -> ()
    %run_scoped3A = arith.constant 0 : i32
    "tpu.region"() ({
      %run_scoped3A_98 = tpu.sem_alloc : memref<!tpu.dma_semaphore, #tpu.memory_space<semaphore_mem>>
      %dma_start3A_99 = arith.constant 0 : i32
      %dma_start3A_100 = arith.constant 0 : i32
      %dma_start3A_101 = tpu.memref_slice %arg9[%run_scoped3A, %dma_start3A_99, %dma_start3A_100] : memref<4x128x128xf32, #tpu.memory_space<vmem>> -> memref<1x128x128xf32, #tpu.memory_space<vmem>>
      %dma_start3A_102 = tpu.memref_squeeze %dma_start3A_101 : memref<1x128x128xf32, #tpu.memory_space<vmem>> -> memref<128x128xf32, #tpu.memory_space<vmem>>
      %dma_start3A_103 = arith.constant 0 : i32
      %dma_start3A_104 = arith.constant 0 : i32
      %dma_start3A_105 = tpu.memref_slice %arg9[%run_scoped3A, %dma_start3A_103, %dma_start3A_104] : memref<4x128x128xf32, #tpu.memory_space<vmem>> -> memref<1x128x128xf32, #tpu.memory_space<vmem>>
      %dma_start3A_106 = tpu.memref_squeeze %dma_start3A_105 : memref<1x128x128xf32, #tpu.memory_space<vmem>> -> memref<128x128xf32, #tpu.memory_space<vmem>>
      tpu.enqueue_dma source(%arg5 : memref<128x128xf32, #tpu.memory_space<hbm>>) target(%dma_start3A_106 : memref<128x128xf32, #tpu.memory_space<vmem>>) target_semaphore(%run_scoped3A_98 : memref<!tpu.dma_semaphore, #tpu.memory_space<semaphore_mem>>)
      %dma_wait3A = arith.constant 0 : i32
      %dma_wait3A_107 = arith.constant 0 : i32
      %dma_wait3A_108 = tpu.memref_slice %arg9[%run_scoped3A, %dma_wait3A, %dma_wait3A_107] : memref<4x128x128xf32, #tpu.memory_space<vmem>> -> memref<1x128x128xf32, #tpu.memory_space<vmem>>
      %dma_wait3A_109 = tpu.memref_squeeze %dma_wait3A_108 : memref<1x128x128xf32, #tpu.memory_space<vmem>> -> memref<128x128xf32, #tpu.memory_space<vmem>>
      %dma_wait3A_110 = arith.constant 0 : i32
      %dma_wait3A_111 = arith.constant 0 : i32
      %dma_wait3A_112 = tpu.memref_slice %arg9[%run_scoped3A, %dma_wait3A_110, %dma_wait3A_111] : memref<4x128x128xf32, #tpu.memory_space<vmem>> -> memref<1x128x128xf32, #tpu.memory_space<vmem>>
      %dma_wait3A_113 = tpu.memref_squeeze %dma_wait3A_112 : memref<1x128x128xf32, #tpu.memory_space<vmem>> -> memref<128x128xf32, #tpu.memory_space<vmem>>
      tpu.wait_dma2 semaphore(%run_scoped3A_98 : memref<!tpu.dma_semaphore, #tpu.memory_space<semaphore_mem>>) src(%arg5 : memref<128x128xf32, #tpu.memory_space<hbm>>) dst(%dma_wait3A_113 : memref<128x128xf32, #tpu.memory_space<vmem>>)
      tpu.yield
    }) : () -> ()
    %mul3A = arith.constant 320 : i32
    %mul3A_0 = arith.muli %arg1, %mul3A : i32
    %add3A = arith.constant 0 : i32
    %add3A_1 = arith.addi %mul3A_0, %add3A : i32
    %run_scoped3A_2 = arith.constant 0 : i32
    "tpu.region"() ({
      %run_scoped3A_98 = tpu.sem_alloc : memref<!tpu.dma_semaphore, #tpu.memory_space<semaphore_mem>>
      %dma_start3A_99 = arith.constant 0 : i32
      %dma_start3A_100 = arith.constant 0 : i32
      %dma_start3A_101 = tpu.memref_slice %arg9[%run_scoped3A_2, %dma_start3A_99, %dma_start3A_100] : memref<4x128x128xf32, #tpu.memory_space<vmem>> -> memref<1x128x128xf32, #tpu.memory_space<vmem>>
      %dma_start3A_102 = tpu.memref_squeeze %dma_start3A_101 : memref<1x128x128xf32, #tpu.memory_space<vmem>> -> memref<128x128xf32, #tpu.memory_space<vmem>>
      %dma_start3A_103 = arith.constant 0 : i32
      %dma_start3A_104 = tpu.memref_slice %arg10[%add3A_1, %dma_start3A_103] : memref<5120x128xf32, #tpu.memory_space<vmem_shared>> -> memref<128x128xf32, #tpu.memory_space<vmem_shared>>
      %dma_start3A_105 = arith.constant 0 : i32
      %dma_start3A_106 = tpu.memref_slice %arg10[%add3A_1, %dma_start3A_105] : memref<5120x128xf32, #tpu.memory_space<vmem_shared>> -> memref<128x128xf32, #tpu.memory_space<vmem_shared>>
      %dma_start3A_107 = arith.constant 0 : i32
      %dma_start3A_108 = arith.constant 0 : i32
      %dma_start3A_109 = tpu.memref_slice %arg9[%run_scoped3A_2, %dma_start3A_107, %dma_start3A_108] : memref<4x128x128xf32, #tpu.memory_space<vmem>> -> memref<1x128x128xf32, #tpu.memory_space<vmem>>
      %dma_start3A_110 = tpu.memref_squeeze %dma_start3A_109 : memref<1x128x128xf32, #tpu.memory_space<vmem>> -> memref<128x128xf32, #tpu.memory_space<vmem>>
      tpu.enqueue_dma source(%dma_start3A_110 : memref<128x128xf32, #tpu.memory_space<vmem>>) target(%dma_start3A_106 : memref<128x128xf32, #tpu.memory_space<vmem_shared>>) target_semaphore(%run_scoped3A_98 : memref<!tpu.dma_semaphore, #tpu.memory_space<semaphore_mem>>)
      %dma_wait3A = arith.constant 0 : i32
      %dma_wait3A_111 = arith.constant 0 : i32
      %dma_wait3A_112 = tpu.memref_slice %arg9[%run_scoped3A_2, %dma_wait3A, %dma_wait3A_111] : memref<4x128x128xf32, #tpu.memory_space<vmem>> -> memref<1x128x128xf32, #tpu.memory_space<vmem>>
      %dma_wait3A_113 = tpu.memref_squeeze %dma_wait3A_112 : memref<1x128x128xf32, #tpu.memory_space<vmem>> -> memref<128x128xf32, #tpu.memory_space<vmem>>
      %dma_wait3A_114 = arith.constant 0 : i32
      %dma_wait3A_115 = tpu.memref_slice %arg10[%add3A_1, %dma_wait3A_114] : memref<5120x128xf32, #tpu.memory_space<vmem_shared>> -> memref<128x128xf32, #tpu.memory_space<vmem_shared>>
      %dma_wait3A_116 = arith.constant 0 : i32
      %dma_wait3A_117 = tpu.memref_slice %arg10[%add3A_1, %dma_wait3A_116] : memref<5120x128xf32, #tpu.memory_space<vmem_shared>> -> memref<128x128xf32, #tpu.memory_space<vmem_shared>>
      %dma_wait3A_118 = arith.constant 0 : i32
      %dma_wait3A_119 = arith.constant 0 : i32
      %dma_wait3A_120 = tpu.memref_slice %arg9[%run_scoped3A_2, %dma_wait3A_118, %dma_wait3A_119] : memref<4x128x128xf32, #tpu.memory_space<vmem>> -> memref<1x128x128xf32, #tpu.memory_space<vmem>>
      %dma_wait3A_121 = tpu.memref_squeeze %dma_wait3A_120 : memref<1x128x128xf32, #tpu.memory_space<vmem>> -> memref<128x128xf32, #tpu.memory_space<vmem>>
      tpu.wait_dma2 semaphore(%run_scoped3A_98 : memref<!tpu.dma_semaphore, #tpu.memory_space<semaphore_mem>>) src(%dma_wait3A_121 : memref<128x128xf32, #tpu.memory_space<vmem>>) dst(%dma_wait3A_117 : memref<128x128xf32, #tpu.memory_space<vmem_shared>>)
      tpu.yield
    }) : () -> ()
    %mul3A_3 = arith.constant 320 : i32
    %mul3A_4 = arith.muli %arg1, %mul3A_3 : i32
    %add3A_5 = arith.constant 128 : i32
    %add3A_6 = arith.addi %mul3A_4, %add3A_5 : i32
    %run_scoped3A_7 = arith.constant 0 : i32
    "tpu.region"() ({
      %run_scoped3A_98 = tpu.sem_alloc : memref<!tpu.dma_semaphore, #tpu.memory_space<semaphore_mem>>
      %dma_start3A_99 = arith.constant 0 : i32
      %dma_start3A_100 = arith.constant 0 : i32
      %dma_start3A_101 = tpu.memref_slice %arg9[%run_scoped3A_7, %dma_start3A_99, %dma_start3A_100] : memref<4x128x128xf32, #tpu.memory_space<vmem>> -> memref<1x128x128xf32, #tpu.memory_space<vmem>>
      %dma_start3A_102 = tpu.memref_squeeze %dma_start3A_101 : memref<1x128x128xf32, #tpu.memory_space<vmem>> -> memref<128x128xf32, #tpu.memory_space<vmem>>
      %dma_start3A_103 = arith.constant 0 : i32
      %dma_start3A_104 = tpu.memref_slice %arg10[%add3A_6, %dma_start3A_103] : memref<5120x128xf32, #tpu.memory_space<vmem_shared>> -> memref<128x128xf32, #tpu.memory_space<vmem_shared>>
      %dma_start3A_105 = arith.constant 0 : i32
      %dma_start3A_106 = tpu.memref_slice %arg10[%add3A_6, %dma_start3A_105] : memref<5120x128xf32, #tpu.memory_space<vmem_shared>> -> memref<128x128xf32, #tpu.memory_space<vmem_shared>>
      %dma_start3A_107 = arith.constant 0 : i32
      %dma_start3A_108 = arith.constant 0 : i32
      %dma_start3A_109 = tpu.memref_slice %arg9[%run_scoped3A_7, %dma_start3A_107, %dma_start3A_108] : memref<4x128x128xf32, #tpu.memory_space<vmem>> -> memref<1x128x128xf32, #tpu.memory_space<vmem>>
      %dma_start3A_110 = tpu.memref_squeeze %dma_start3A_109 : memref<1x128x128xf32, #tpu.memory_space<vmem>> -> memref<128x128xf32, #tpu.memory_space<vmem>>
      tpu.enqueue_dma source(%dma_start3A_110 : memref<128x128xf32, #tpu.memory_space<vmem>>) target(%dma_start3A_106 : memref<128x128xf32, #tpu.memory_space<vmem_shared>>) target_semaphore(%run_scoped3A_98 : memref<!tpu.dma_semaphore, #tpu.memory_space<semaphore_mem>>)
      %dma_wait3A = arith.constant 0 : i32
      %dma_wait3A_111 = arith.constant 0 : i32
      %dma_wait3A_112 = tpu.memref_slice %arg9[%run_scoped3A_7, %dma_wait3A, %dma_wait3A_111] : memref<4x128x128xf32, #tpu.memory_space<vmem>> -> memref<1x128x128xf32, #tpu.memory_space<vmem>>
      %dma_wait3A_113 = tpu.memref_squeeze %dma_wait3A_112 : memref<1x128x128xf32, #tpu.memory_space<vmem>> -> memref<128x128xf32, #tpu.memory_space<vmem>>
      %dma_wait3A_114 = arith.constant 0 : i32
      %dma_wait3A_115 = tpu.memref_slice %arg10[%add3A_6, %dma_wait3A_114] : memref<5120x128xf32, #tpu.memory_space<vmem_shared>> -> memref<128x128xf32, #tpu.memory_space<vmem_shared>>
      %dma_wait3A_116 = arith.constant 0 : i32
      %dma_wait3A_117 = tpu.memref_slice %arg10[%add3A_6, %dma_wait3A_116] : memref<5120x128xf32, #tpu.memory_space<vmem_shared>> -> memref<128x128xf32, #tpu.memory_space<vmem_shared>>
      %dma_wait3A_118 = arith.constant 0 : i32
      %dma_wait3A_119 = arith.constant 0 : i32
      %dma_wait3A_120 = tpu.memref_slice %arg9[%run_scoped3A_7, %dma_wait3A_118, %dma_wait3A_119] : memref<4x128x128xf32, #tpu.memory_space<vmem>> -> memref<1x128x128xf32, #tpu.memory_space<vmem>>
      %dma_wait3A_121 = tpu.memref_squeeze %dma_wait3A_120 : memref<1x128x128xf32, #tpu.memory_space<vmem>> -> memref<128x128xf32, #tpu.memory_space<vmem>>
      tpu.wait_dma2 semaphore(%run_scoped3A_98 : memref<!tpu.dma_semaphore, #tpu.memory_space<semaphore_mem>>) src(%dma_wait3A_121 : memref<128x128xf32, #tpu.memory_space<vmem>>) dst(%dma_wait3A_117 : memref<128x128xf32, #tpu.memory_space<vmem_shared>>)
      tpu.yield
    }) : () -> ()
    %mul3A_8 = arith.constant 320 : i32
    %mul3A_9 = arith.muli %arg1, %mul3A_8 : i32
    %add3A_10 = arith.constant 256 : i32
    %add3A_11 = arith.addi %mul3A_9, %add3A_10 : i32
    %run_scoped3A_12 = arith.constant 0 : i32
    "tpu.region"() ({
      %run_scoped3A_98 = tpu.sem_alloc : memref<!tpu.dma_semaphore, #tpu.memory_space<semaphore_mem>>
      %dma_start3A_99 = arith.constant 0 : i32
      %dma_start3A_100 = arith.constant 0 : i32
      %dma_start3A_101 = tpu.memref_slice %arg9[%run_scoped3A_12, %dma_start3A_99, %dma_start3A_100] : memref<4x128x128xf32, #tpu.memory_space<vmem>> -> memref<1x64x128xf32, #tpu.memory_space<vmem>>
      %dma_start3A_102 = tpu.memref_squeeze %dma_start3A_101 : memref<1x64x128xf32, #tpu.memory_space<vmem>> -> memref<64x128xf32, #tpu.memory_space<vmem>>
      %dma_start3A_103 = arith.constant 0 : i32
      %dma_start3A_104 = tpu.memref_slice %arg10[%add3A_11, %dma_start3A_103] : memref<5120x128xf32, #tpu.memory_space<vmem_shared>> -> memref<64x128xf32, #tpu.memory_space<vmem_shared>>
      %dma_start3A_105 = arith.constant 0 : i32
      %dma_start3A_106 = tpu.memref_slice %arg10[%add3A_11, %dma_start3A_105] : memref<5120x128xf32, #tpu.memory_space<vmem_shared>> -> memref<64x128xf32, #tpu.memory_space<vmem_shared>>
      %dma_start3A_107 = arith.constant 0 : i32
      %dma_start3A_108 = arith.constant 0 : i32
      %dma_start3A_109 = tpu.memref_slice %arg9[%run_scoped3A_12, %dma_start3A_107, %dma_start3A_108] : memref<4x128x128xf32, #tpu.memory_space<vmem>> -> memref<1x64x128xf32, #tpu.memory_space<vmem>>
      %dma_start3A_110 = tpu.memref_squeeze %dma_start3A_109 : memref<1x64x128xf32, #tpu.memory_space<vmem>> -> memref<64x128xf32, #tpu.memory_space<vmem>>
      tpu.enqueue_dma source(%dma_start3A_110 : memref<64x128xf32, #tpu.memory_space<vmem>>) target(%dma_start3A_106 : memref<64x128xf32, #tpu.memory_space<vmem_shared>>) target_semaphore(%run_scoped3A_98 : memref<!tpu.dma_semaphore, #tpu.memory_space<semaphore_mem>>)
      %dma_wait3A = arith.constant 0 : i32
      %dma_wait3A_111 = arith.constant 0 : i32
      %dma_wait3A_112 = tpu.memref_slice %arg9[%run_scoped3A_12, %dma_wait3A, %dma_wait3A_111] : memref<4x128x128xf32, #tpu.memory_space<vmem>> -> memref<1x64x128xf32, #tpu.memory_space<vmem>>
      %dma_wait3A_113 = tpu.memref_squeeze %dma_wait3A_112 : memref<1x64x128xf32, #tpu.memory_space<vmem>> -> memref<64x128xf32, #tpu.memory_space<vmem>>
      %dma_wait3A_114 = arith.constant 0 : i32
      %dma_wait3A_115 = tpu.memref_slice %arg10[%add3A_11, %dma_wait3A_114] : memref<5120x128xf32, #tpu.memory_space<vmem_shared>> -> memref<64x128xf32, #tpu.memory_space<vmem_shared>>
      %dma_wait3A_116 = arith.constant 0 : i32
      %dma_wait3A_117 = tpu.memref_slice %arg10[%add3A_11, %dma_wait3A_116] : memref<5120x128xf32, #tpu.memory_space<vmem_shared>> -> memref<64x128xf32, #tpu.memory_space<vmem_shared>>
      %dma_wait3A_118 = arith.constant 0 : i32
      %dma_wait3A_119 = arith.constant 0 : i32
      %dma_wait3A_120 = tpu.memref_slice %arg9[%run_scoped3A_12, %dma_wait3A_118, %dma_wait3A_119] : memref<4x128x128xf32, #tpu.memory_space<vmem>> -> memref<1x64x128xf32, #tpu.memory_space<vmem>>
      %dma_wait3A_121 = tpu.memref_squeeze %dma_wait3A_120 : memref<1x64x128xf32, #tpu.memory_space<vmem>> -> memref<64x128xf32, #tpu.memory_space<vmem>>
      tpu.wait_dma2 semaphore(%run_scoped3A_98 : memref<!tpu.dma_semaphore, #tpu.memory_space<semaphore_mem>>) src(%dma_wait3A_121 : memref<64x128xf32, #tpu.memory_space<vmem>>) dst(%dma_wait3A_117 : memref<64x128xf32, #tpu.memory_space<vmem_shared>>)
      tpu.yield
    }) : () -> ()
    %barrier3A = arith.constant 0 : index
    tpu.barrier barrier_id(%barrier3A)
    %dma_start3A = arith.constant 0 : i32
    %dma_start3A_13 = arith.constant 0 : i32
    %dma_start3A_14 = arith.constant 0 : i32
    %dma_start3A_15 = arith.constant 0 : i32
    %dma_start3A_16 = tpu.memref_slice %arg9[%dma_start3A_13, %dma_start3A_14, %dma_start3A_15] : memref<4x128x128xf32, #tpu.memory_space<vmem>> -> memref<1x128x128xf32, #tpu.memory_space<vmem>>
    %dma_start3A_17 = tpu.memref_squeeze %dma_start3A_16 : memref<1x128x128xf32, #tpu.memory_space<vmem>> -> memref<128x128xf32, #tpu.memory_space<vmem>>
    %dma_start3A_18 = arith.constant 0 : i32
    %dma_start3A_19 = tpu.memref_slice %arg7[%dma_start3A, %dma_start3A_18] : memref<80x128xi32, #tpu.memory_space<vmem>> -> memref<1x128xi32, #tpu.memory_space<vmem>>
    %dma_start3A_20 = tpu.memref_squeeze %dma_start3A_19 : memref<1x128xi32, #tpu.memory_space<vmem>> -> memref<128xi32, #tpu.memory_space<vmem>>
    %dma_start3A_21 = arith.constant 0 : i32
    %dma_start3A_22 = arith.constant 0 : i32
    %dma_start3A_23 = tpu.memref_slice %arg4[%dma_start3A_21, %dma_start3A_22] : memref<20000x128xf32, #tpu.memory_space<hbm>> -> memref<20000x128xf32, #tpu.memory_space<hbm>>
    tpu.enqueue_indirect_dma source(%dma_start3A_23 : memref<20000x128xf32, #tpu.memory_space<hbm>>) target(%dma_start3A_17 : memref<128x128xf32, #tpu.memory_space<vmem>>) offsets(%dma_start3A_20 : memref<128xi32, #tpu.memory_space<vmem>>) semaphore(%arg11 : memref<!tpu.dma_semaphore, #tpu.memory_space<semaphore_mem>>)
    %dma_start3A_24 = arith.constant 1 : i32
    %dma_start3A_25 = arith.constant 1 : i32
    %dma_start3A_26 = arith.constant 0 : i32
    %dma_start3A_27 = arith.constant 0 : i32
    %dma_start3A_28 = tpu.memref_slice %arg9[%dma_start3A_25, %dma_start3A_26, %dma_start3A_27] : memref<4x128x128xf32, #tpu.memory_space<vmem>> -> memref<1x128x128xf32, #tpu.memory_space<vmem>>
    %dma_start3A_29 = tpu.memref_squeeze %dma_start3A_28 : memref<1x128x128xf32, #tpu.memory_space<vmem>> -> memref<128x128xf32, #tpu.memory_space<vmem>>
    %dma_start3A_30 = arith.constant 0 : i32
    %dma_start3A_31 = tpu.memref_slice %arg7[%dma_start3A_24, %dma_start3A_30] : memref<80x128xi32, #tpu.memory_space<vmem>> -> memref<1x128xi32, #tpu.memory_space<vmem>>
    %dma_start3A_32 = tpu.memref_squeeze %dma_start3A_31 : memref<1x128xi32, #tpu.memory_space<vmem>> -> memref<128xi32, #tpu.memory_space<vmem>>
    %dma_start3A_33 = arith.constant 0 : i32
    %dma_start3A_34 = arith.constant 0 : i32
    %dma_start3A_35 = tpu.memref_slice %arg4[%dma_start3A_33, %dma_start3A_34] : memref<20000x128xf32, #tpu.memory_space<hbm>> -> memref<20000x128xf32, #tpu.memory_space<hbm>>
    tpu.enqueue_indirect_dma source(%dma_start3A_35 : memref<20000x128xf32, #tpu.memory_space<hbm>>) target(%dma_start3A_29 : memref<128x128xf32, #tpu.memory_space<vmem>>) offsets(%dma_start3A_32 : memref<128xi32, #tpu.memory_space<vmem>>) semaphore(%arg12 : memref<!tpu.dma_semaphore, #tpu.memory_space<semaphore_mem>>)
    %dma_start3A_36 = arith.constant 2 : i32
    %dma_start3A_37 = arith.constant 2 : i32
    %dma_start3A_38 = arith.constant 0 : i32
    %dma_start3A_39 = arith.constant 0 : i32
    %dma_start3A_40 = tpu.memref_slice %arg9[%dma_start3A_37, %dma_start3A_38, %dma_start3A_39] : memref<4x128x128xf32, #tpu.memory_space<vmem>> -> memref<1x128x128xf32, #tpu.memory_space<vmem>>
    %dma_start3A_41 = tpu.memref_squeeze %dma_start3A_40 : memref<1x128x128xf32, #tpu.memory_space<vmem>> -> memref<128x128xf32, #tpu.memory_space<vmem>>
    %dma_start3A_42 = arith.constant 0 : i32
    %dma_start3A_43 = tpu.memref_slice %arg7[%dma_start3A_36, %dma_start3A_42] : memref<80x128xi32, #tpu.memory_space<vmem>> -> memref<1x128xi32, #tpu.memory_space<vmem>>
    %dma_start3A_44 = tpu.memref_squeeze %dma_start3A_43 : memref<1x128xi32, #tpu.memory_space<vmem>> -> memref<128xi32, #tpu.memory_space<vmem>>
    %dma_start3A_45 = arith.constant 0 : i32
    %dma_start3A_46 = arith.constant 0 : i32
    %dma_start3A_47 = tpu.memref_slice %arg4[%dma_start3A_45, %dma_start3A_46] : memref<20000x128xf32, #tpu.memory_space<hbm>> -> memref<20000x128xf32, #tpu.memory_space<hbm>>
    tpu.enqueue_indirect_dma source(%dma_start3A_47 : memref<20000x128xf32, #tpu.memory_space<hbm>>) target(%dma_start3A_41 : memref<128x128xf32, #tpu.memory_space<vmem>>) offsets(%dma_start3A_44 : memref<128xi32, #tpu.memory_space<vmem>>) semaphore(%arg13 : memref<!tpu.dma_semaphore, #tpu.memory_space<semaphore_mem>>)
    %dma_start3A_48 = arith.constant 3 : i32
    %dma_start3A_49 = arith.constant 3 : i32
    %dma_start3A_50 = arith.constant 0 : i32
    %dma_start3A_51 = arith.constant 0 : i32
    %dma_start3A_52 = tpu.memref_slice %arg9[%dma_start3A_49, %dma_start3A_50, %dma_start3A_51] : memref<4x128x128xf32, #tpu.memory_space<vmem>> -> memref<1x128x128xf32, #tpu.memory_space<vmem>>
    %dma_start3A_53 = tpu.memref_squeeze %dma_start3A_52 : memref<1x128x128xf32, #tpu.memory_space<vmem>> -> memref<128x128xf32, #tpu.memory_space<vmem>>
    %dma_start3A_54 = arith.constant 0 : i32
    %dma_start3A_55 = tpu.memref_slice %arg7[%dma_start3A_48, %dma_start3A_54] : memref<80x128xi32, #tpu.memory_space<vmem>> -> memref<1x128xi32, #tpu.memory_space<vmem>>
    %dma_start3A_56 = tpu.memref_squeeze %dma_start3A_55 : memref<1x128xi32, #tpu.memory_space<vmem>> -> memref<128xi32, #tpu.memory_space<vmem>>
    %dma_start3A_57 = arith.constant 0 : i32
    %dma_start3A_58 = arith.constant 0 : i32
    %dma_start3A_59 = tpu.memref_slice %arg4[%dma_start3A_57, %dma_start3A_58] : memref<20000x128xf32, #tpu.memory_space<hbm>> -> memref<20000x128xf32, #tpu.memory_space<hbm>>
    tpu.enqueue_indirect_dma source(%dma_start3A_59 : memref<20000x128xf32, #tpu.memory_space<hbm>>) target(%dma_start3A_53 : memref<128x128xf32, #tpu.memory_space<vmem>>) offsets(%dma_start3A_56 : memref<128xi32, #tpu.memory_space<vmem>>) semaphore(%arg14 : memref<!tpu.dma_semaphore, #tpu.memory_space<semaphore_mem>>)
    %scan3A = arith.constant 0 : i32
    %scan3A_60 = arith.constant 0 : i32
    %scan3A_61 = arith.constant 20 : i32
    %scan3A_62 = arith.addi %scan3A_60, %scan3A_61 : i32
    %scan3A_63 = arith.constant 1 : i32
    scf.for %scan3A_98 = %scan3A_60 to %scan3A_62 step %scan3A_63  : i32 {
      %mul3A_99 = arith.constant 4 : i32
      %mul3A_100 = arith.muli %scan3A_98, %mul3A_99 : i32
      %add3A_101 = arith.constant 0 : i32
      %add3A_102 = arith.addi %mul3A_100, %add3A_101 : i32
      %dma_wait3A = arith.constant 0 : i32
      %dma_wait3A_103 = arith.constant 0 : i32
      %dma_wait3A_104 = arith.constant 0 : i32
      %dma_wait3A_105 = tpu.memref_slice %arg9[%dma_wait3A, %dma_wait3A_103, %dma_wait3A_104] : memref<4x128x128xf32, #tpu.memory_space<vmem>> -> memref<1x128x128xf32, #tpu.memory_space<vmem>>
      %dma_wait3A_106 = tpu.memref_squeeze %dma_wait3A_105 : memref<1x128x128xf32, #tpu.memory_space<vmem>> -> memref<128x128xf32, #tpu.memory_space<vmem>>
      %dma_wait3A_107 = arith.constant 0 : i32
      %dma_wait3A_108 = tpu.memref_slice %arg7[%add3A_102, %dma_wait3A_107] : memref<80x128xi32, #tpu.memory_space<vmem>> -> memref<1x128xi32, #tpu.memory_space<vmem>>
      %dma_wait3A_109 = tpu.memref_squeeze %dma_wait3A_108 : memref<1x128xi32, #tpu.memory_space<vmem>> -> memref<128xi32, #tpu.memory_space<vmem>>
      %dma_wait3A_110 = arith.constant 0 : i32
      %dma_wait3A_111 = arith.constant 0 : i32
      %dma_wait3A_112 = tpu.memref_slice %arg4[%dma_wait3A_110, %dma_wait3A_111] : memref<20000x128xf32, #tpu.memory_space<hbm>> -> memref<20000x128xf32, #tpu.memory_space<hbm>>
      tpu.wait_indirect_dma semaphore(%arg11 : memref<!tpu.dma_semaphore, #tpu.memory_space<semaphore_mem>>) src(%dma_wait3A_112 : memref<20000x128xf32, #tpu.memory_space<hbm>>) dst(%dma_wait3A_106 : memref<128x128xf32, #tpu.memory_space<vmem>>)
      %run_scoped3A_113 = arith.constant 0 : i32
      "tpu.region"() ({
        %run_scoped3A_189 = tpu.sem_alloc : memref<!tpu.dma_semaphore, #tpu.memory_space<semaphore_mem>>
        %dma_start3A_190 = arith.constant 0 : i32
        %dma_start3A_191 = arith.constant 0 : i32
        %dma_start3A_192 = tpu.memref_slice %arg9[%run_scoped3A_113, %dma_start3A_190, %dma_start3A_191] : memref<4x128x128xf32, #tpu.memory_space<vmem>> -> memref<1x128x128xf32, #tpu.memory_space<vmem>>
        %dma_start3A_193 = tpu.memref_squeeze %dma_start3A_192 : memref<1x128x128xf32, #tpu.memory_space<vmem>> -> memref<128x128xf32, #tpu.memory_space<vmem>>
        %dma_start3A_194 = arith.constant 0 : i32
        %dma_start3A_195 = tpu.memref_slice %arg8[%add3A_102, %dma_start3A_194] : memref<80x128xi32, #tpu.memory_space<vmem>> -> memref<1x128xi32, #tpu.memory_space<vmem>>
        %dma_start3A_196 = tpu.memref_squeeze %dma_start3A_195 : memref<1x128xi32, #tpu.memory_space<vmem>> -> memref<128xi32, #tpu.memory_space<vmem>>
        %dma_start3A_197 = arith.constant 0 : i32
        %dma_start3A_198 = arith.constant 0 : i32
        %dma_start3A_199 = tpu.memref_slice %arg10[%dma_start3A_197, %dma_start3A_198] : memref<5120x128xf32, #tpu.memory_space<vmem_shared>> -> memref<5120x128xf32, #tpu.memory_space<vmem_shared>>
        tpu.enqueue_indirect_dma source(%dma_start3A_193 : memref<128x128xf32, #tpu.memory_space<vmem>>) target(%dma_start3A_199 : memref<5120x128xf32, #tpu.memory_space<vmem_shared>>) offsets(%dma_start3A_196 : memref<128xi32, #tpu.memory_space<vmem>>) semaphore(%run_scoped3A_189 : memref<!tpu.dma_semaphore, #tpu.memory_space<semaphore_mem>>) {add = true}
        %dma_wait3A_200 = arith.constant 0 : i32
        %dma_wait3A_201 = arith.constant 0 : i32
        %dma_wait3A_202 = tpu.memref_slice %arg9[%run_scoped3A_113, %dma_wait3A_200, %dma_wait3A_201] : memref<4x128x128xf32, #tpu.memory_space<vmem>> -> memref<1x128x128xf32, #tpu.memory_space<vmem>>
        %dma_wait3A_203 = tpu.memref_squeeze %dma_wait3A_202 : memref<1x128x128xf32, #tpu.memory_space<vmem>> -> memref<128x128xf32, #tpu.memory_space<vmem>>
        %dma_wait3A_204 = arith.constant 0 : i32
        %dma_wait3A_205 = tpu.memref_slice %arg8[%add3A_102, %dma_wait3A_204] : memref<80x128xi32, #tpu.memory_space<vmem>> -> memref<1x128xi32, #tpu.memory_space<vmem>>
        %dma_wait3A_206 = tpu.memref_squeeze %dma_wait3A_205 : memref<1x128xi32, #tpu.memory_space<vmem>> -> memref<128xi32, #tpu.memory_space<vmem>>
        %dma_wait3A_207 = arith.constant 0 : i32
        %dma_wait3A_208 = arith.constant 0 : i32
        %dma_wait3A_209 = tpu.memref_slice %arg10[%dma_wait3A_207, %dma_wait3A_208] : memref<5120x128xf32, #tpu.memory_space<vmem_shared>> -> memref<5120x128xf32, #tpu.memory_space<vmem_shared>>
        tpu.wait_indirect_dma semaphore(%run_scoped3A_189 : memref<!tpu.dma_semaphore, #tpu.memory_space<semaphore_mem>>) src(%dma_wait3A_203 : memref<128x128xf32, #tpu.memory_space<vmem>>) dst(%dma_wait3A_209 : memref<5120x128xf32, #tpu.memory_space<vmem_shared>>)
        tpu.yield
      }) : () -> ()
      %add3A_114 = arith.constant 4 : i32
      %add3A_115 = arith.addi %add3A_102, %add3A_114 : i32
      %lt3A = arith.constant 80 : i32
      %lt3A_116 = arith.cmpi slt, %add3A_115, %lt3A : i32
      %convert_element_type3A_117 = arith.extui %lt3A_116 : i1 to i32
      %cond3A_118 = arith.constant 0 : i32
      %cond3A_119 = arith.cmpi ne, %convert_element_type3A_117, %cond3A_118 : i32
      scf.if %cond3A_119 {
        %add3A_189 = arith.constant 4 : i32
        %add3A_190 = arith.addi %add3A_102, %add3A_189 : i32
        %dma_start3A_191 = arith.constant 0 : i32
        %dma_start3A_192 = arith.constant 0 : i32
        %dma_start3A_193 = arith.constant 0 : i32
        %dma_start3A_194 = tpu.memref_slice %arg9[%dma_start3A_191, %dma_start3A_192, %dma_start3A_193] : memref<4x128x128xf32, #tpu.memory_space<vmem>> -> memref<1x128x128xf32, #tpu.memory_space<vmem>>
        %dma_start3A_195 = tpu.memref_squeeze %dma_start3A_194 : memref<1x128x128xf32, #tpu.memory_space<vmem>> -> memref<128x128xf32, #tpu.memory_space<vmem>>
        %dma_start3A_196 = arith.constant 0 : i32
        %dma_start3A_197 = tpu.memref_slice %arg7[%add3A_190, %dma_start3A_196] : memref<80x128xi32, #tpu.memory_space<vmem>> -> memref<1x128xi32, #tpu.memory_space<vmem>>
        %dma_start3A_198 = tpu.memref_squeeze %dma_start3A_197 : memref<1x128xi32, #tpu.memory_space<vmem>> -> memref<128xi32, #tpu.memory_space<vmem>>
        %dma_start3A_199 = arith.constant 0 : i32
        %dma_start3A_200 = arith.constant 0 : i32
        %dma_start3A_201 = tpu.memref_slice %arg4[%dma_start3A_199, %dma_start3A_200] : memref<20000x128xf32, #tpu.memory_space<hbm>> -> memref<20000x128xf32, #tpu.memory_space<hbm>>
        tpu.enqueue_indirect_dma source(%dma_start3A_201 : memref<20000x128xf32, #tpu.memory_space<hbm>>) target(%dma_start3A_195 : memref<128x128xf32, #tpu.memory_space<vmem>>) offsets(%dma_start3A_198 : memref<128xi32, #tpu.memory_space<vmem>>) semaphore(%arg11 : memref<!tpu.dma_semaphore, #tpu.memory_space<semaphore_mem>>)
      } else {
      }
      %mul3A_120 = arith.constant 4 : i32
      %mul3A_121 = arith.muli %scan3A_98, %mul3A_120 : i32
      %add3A_122 = arith.constant 1 : i32
      %add3A_123 = arith.addi %mul3A_121, %add3A_122 : i32
      %dma_wait3A_124 = arith.constant 1 : i32
      %dma_wait3A_125 = arith.constant 0 : i32
      %dma_wait3A_126 = arith.constant 0 : i32
      %dma_wait3A_127 = tpu.memref_slice %arg9[%dma_wait3A_124, %dma_wait3A_125, %dma_wait3A_126] : memref<4x128x128xf32, #tpu.memory_space<vmem>> -> memref<1x128x128xf32, #tpu.memory_space<vmem>>
      %dma_wait3A_128 = tpu.memref_squeeze %dma_wait3A_127 : memref<1x128x128xf32, #tpu.memory_space<vmem>> -> memref<128x128xf32, #tpu.memory_space<vmem>>
      %dma_wait3A_129 = arith.constant 0 : i32
      %dma_wait3A_130 = tpu.memref_slice %arg7[%add3A_123, %dma_wait3A_129] : memref<80x128xi32, #tpu.memory_space<vmem>> -> memref<1x128xi32, #tpu.memory_space<vmem>>
      %dma_wait3A_131 = tpu.memref_squeeze %dma_wait3A_130 : memref<1x128xi32, #tpu.memory_space<vmem>> -> memref<128xi32, #tpu.memory_space<vmem>>
      %dma_wait3A_132 = arith.constant 0 : i32
      %dma_wait3A_133 = arith.constant 0 : i32
      %dma_wait3A_134 = tpu.memref_slice %arg4[%dma_wait3A_132, %dma_wait3A_133] : memref<20000x128xf32, #tpu.memory_space<hbm>> -> memref<20000x128xf32, #tpu.memory_space<hbm>>
      tpu.wait_indirect_dma semaphore(%arg12 : memref<!tpu.dma_semaphore, #tpu.memory_space<semaphore_mem>>) src(%dma_wait3A_134 : memref<20000x128xf32, #tpu.memory_space<hbm>>) dst(%dma_wait3A_128 : memref<128x128xf32, #tpu.memory_space<vmem>>)
      %run_scoped3A_135 = arith.constant 1 : i32
      "tpu.region"() ({
        %run_scoped3A_189 = tpu.sem_alloc : memref<!tpu.dma_semaphore, #tpu.memory_space<semaphore_mem>>
        %dma_start3A_190 = arith.constant 0 : i32
        %dma_start3A_191 = arith.constant 0 : i32
        %dma_start3A_192 = tpu.memref_slice %arg9[%run_scoped3A_135, %dma_start3A_190, %dma_start3A_191] : memref<4x128x128xf32, #tpu.memory_space<vmem>> -> memref<1x128x128xf32, #tpu.memory_space<vmem>>
        %dma_start3A_193 = tpu.memref_squeeze %dma_start3A_192 : memref<1x128x128xf32, #tpu.memory_space<vmem>> -> memref<128x128xf32, #tpu.memory_space<vmem>>
        %dma_start3A_194 = arith.constant 0 : i32
        %dma_start3A_195 = tpu.memref_slice %arg8[%add3A_123, %dma_start3A_194] : memref<80x128xi32, #tpu.memory_space<vmem>> -> memref<1x128xi32, #tpu.memory_space<vmem>>
        %dma_start3A_196 = tpu.memref_squeeze %dma_start3A_195 : memref<1x128xi32, #tpu.memory_space<vmem>> -> memref<128xi32, #tpu.memory_space<vmem>>
        %dma_start3A_197 = arith.constant 0 : i32
        %dma_start3A_198 = arith.constant 0 : i32
        %dma_start3A_199 = tpu.memref_slice %arg10[%dma_start3A_197, %dma_start3A_198] : memref<5120x128xf32, #tpu.memory_space<vmem_shared>> -> memref<5120x128xf32, #tpu.memory_space<vmem_shared>>
        tpu.enqueue_indirect_dma source(%dma_start3A_193 : memref<128x128xf32, #tpu.memory_space<vmem>>) target(%dma_start3A_199 : memref<5120x128xf32, #tpu.memory_space<vmem_shared>>) offsets(%dma_start3A_196 : memref<128xi32, #tpu.memory_space<vmem>>) semaphore(%run_scoped3A_189 : memref<!tpu.dma_semaphore, #tpu.memory_space<semaphore_mem>>) {add = true}
        %dma_wait3A_200 = arith.constant 0 : i32
        %dma_wait3A_201 = arith.constant 0 : i32
        %dma_wait3A_202 = tpu.memref_slice %arg9[%run_scoped3A_135, %dma_wait3A_200, %dma_wait3A_201] : memref<4x128x128xf32, #tpu.memory_space<vmem>> -> memref<1x128x128xf32, #tpu.memory_space<vmem>>
        %dma_wait3A_203 = tpu.memref_squeeze %dma_wait3A_202 : memref<1x128x128xf32, #tpu.memory_space<vmem>> -> memref<128x128xf32, #tpu.memory_space<vmem>>
        %dma_wait3A_204 = arith.constant 0 : i32
        %dma_wait3A_205 = tpu.memref_slice %arg8[%add3A_123, %dma_wait3A_204] : memref<80x128xi32, #tpu.memory_space<vmem>> -> memref<1x128xi32, #tpu.memory_space<vmem>>
        %dma_wait3A_206 = tpu.memref_squeeze %dma_wait3A_205 : memref<1x128xi32, #tpu.memory_space<vmem>> -> memref<128xi32, #tpu.memory_space<vmem>>
        %dma_wait3A_207 = arith.constant 0 : i32
        %dma_wait3A_208 = arith.constant 0 : i32
        %dma_wait3A_209 = tpu.memref_slice %arg10[%dma_wait3A_207, %dma_wait3A_208] : memref<5120x128xf32, #tpu.memory_space<vmem_shared>> -> memref<5120x128xf32, #tpu.memory_space<vmem_shared>>
        tpu.wait_indirect_dma semaphore(%run_scoped3A_189 : memref<!tpu.dma_semaphore, #tpu.memory_space<semaphore_mem>>) src(%dma_wait3A_203 : memref<128x128xf32, #tpu.memory_space<vmem>>) dst(%dma_wait3A_209 : memref<5120x128xf32, #tpu.memory_space<vmem_shared>>)
        tpu.yield
      }) : () -> ()
      %add3A_136 = arith.constant 4 : i32
      %add3A_137 = arith.addi %add3A_123, %add3A_136 : i32
      %lt3A_138 = arith.constant 80 : i32
      %lt3A_139 = arith.cmpi slt, %add3A_137, %lt3A_138 : i32
      %convert_element_type3A_140 = arith.extui %lt3A_139 : i1 to i32
      %cond3A_141 = arith.constant 0 : i32
      %cond3A_142 = arith.cmpi ne, %convert_element_type3A_140, %cond3A_141 : i32
      scf.if %cond3A_142 {
        %add3A_189 = arith.constant 4 : i32
        %add3A_190 = arith.addi %add3A_123, %add3A_189 : i32
        %dma_start3A_191 = arith.constant 1 : i32
        %dma_start3A_192 = arith.constant 0 : i32
        %dma_start3A_193 = arith.constant 0 : i32
        %dma_start3A_194 = tpu.memref_slice %arg9[%dma_start3A_191, %dma_start3A_192, %dma_start3A_193] : memref<4x128x128xf32, #tpu.memory_space<vmem>> -> memref<1x128x128xf32, #tpu.memory_space<vmem>>
        %dma_start3A_195 = tpu.memref_squeeze %dma_start3A_194 : memref<1x128x128xf32, #tpu.memory_space<vmem>> -> memref<128x128xf32, #tpu.memory_space<vmem>>
        %dma_start3A_196 = arith.constant 0 : i32
        %dma_start3A_197 = tpu.memref_slice %arg7[%add3A_190, %dma_start3A_196] : memref<80x128xi32, #tpu.memory_space<vmem>> -> memref<1x128xi32, #tpu.memory_space<vmem>>
        %dma_start3A_198 = tpu.memref_squeeze %dma_start3A_197 : memref<1x128xi32, #tpu.memory_space<vmem>> -> memref<128xi32, #tpu.memory_space<vmem>>
        %dma_start3A_199 = arith.constant 0 : i32
        %dma_start3A_200 = arith.constant 0 : i32
        %dma_start3A_201 = tpu.memref_slice %arg4[%dma_start3A_199, %dma_start3A_200] : memref<20000x128xf32, #tpu.memory_space<hbm>> -> memref<20000x128xf32, #tpu.memory_space<hbm>>
        tpu.enqueue_indirect_dma source(%dma_start3A_201 : memref<20000x128xf32, #tpu.memory_space<hbm>>) target(%dma_start3A_195 : memref<128x128xf32, #tpu.memory_space<vmem>>) offsets(%dma_start3A_198 : memref<128xi32, #tpu.memory_space<vmem>>) semaphore(%arg12 : memref<!tpu.dma_semaphore, #tpu.memory_space<semaphore_mem>>)
      } else {
      }
      %mul3A_143 = arith.constant 4 : i32
      %mul3A_144 = arith.muli %scan3A_98, %mul3A_143 : i32
      %add3A_145 = arith.constant 2 : i32
      %add3A_146 = arith.addi %mul3A_144, %add3A_145 : i32
      %dma_wait3A_147 = arith.constant 2 : i32
      %dma_wait3A_148 = arith.constant 0 : i32
      %dma_wait3A_149 = arith.constant 0 : i32
      %dma_wait3A_150 = tpu.memref_slice %arg9[%dma_wait3A_147, %dma_wait3A_148, %dma_wait3A_149] : memref<4x128x128xf32, #tpu.memory_space<vmem>> -> memref<1x128x128xf32, #tpu.memory_space<vmem>>
      %dma_wait3A_151 = tpu.memref_squeeze %dma_wait3A_150 : memref<1x128x128xf32, #tpu.memory_space<vmem>> -> memref<128x128xf32, #tpu.memory_space<vmem>>
      %dma_wait3A_152 = arith.constant 0 : i32
      %dma_wait3A_153 = tpu.memref_slice %arg7[%add3A_146, %dma_wait3A_152] : memref<80x128xi32, #tpu.memory_space<vmem>> -> memref<1x128xi32, #tpu.memory_space<vmem>>
      %dma_wait3A_154 = tpu.memref_squeeze %dma_wait3A_153 : memref<1x128xi32, #tpu.memory_space<vmem>> -> memref<128xi32, #tpu.memory_space<vmem>>
      %dma_wait3A_155 = arith.constant 0 : i32
      %dma_wait3A_156 = arith.constant 0 : i32
      %dma_wait3A_157 = tpu.memref_slice %arg4[%dma_wait3A_155, %dma_wait3A_156] : memref<20000x128xf32, #tpu.memory_space<hbm>> -> memref<20000x128xf32, #tpu.memory_space<hbm>>
      tpu.wait_indirect_dma semaphore(%arg13 : memref<!tpu.dma_semaphore, #tpu.memory_space<semaphore_mem>>) src(%dma_wait3A_157 : memref<20000x128xf32, #tpu.memory_space<hbm>>) dst(%dma_wait3A_151 : memref<128x128xf32, #tpu.memory_space<vmem>>)
      %run_scoped3A_158 = arith.constant 2 : i32
      "tpu.region"() ({
        %run_scoped3A_189 = tpu.sem_alloc : memref<!tpu.dma_semaphore, #tpu.memory_space<semaphore_mem>>
        %dma_start3A_190 = arith.constant 0 : i32
        %dma_start3A_191 = arith.constant 0 : i32
        %dma_start3A_192 = tpu.memref_slice %arg9[%run_scoped3A_158, %dma_start3A_190, %dma_start3A_191] : memref<4x128x128xf32, #tpu.memory_space<vmem>> -> memref<1x128x128xf32, #tpu.memory_space<vmem>>
        %dma_start3A_193 = tpu.memref_squeeze %dma_start3A_192 : memref<1x128x128xf32, #tpu.memory_space<vmem>> -> memref<128x128xf32, #tpu.memory_space<vmem>>
        %dma_start3A_194 = arith.constant 0 : i32
        %dma_start3A_195 = tpu.memref_slice %arg8[%add3A_146, %dma_start3A_194] : memref<80x128xi32, #tpu.memory_space<vmem>> -> memref<1x128xi32, #tpu.memory_space<vmem>>
        %dma_start3A_196 = tpu.memref_squeeze %dma_start3A_195 : memref<1x128xi32, #tpu.memory_space<vmem>> -> memref<128xi32, #tpu.memory_space<vmem>>
        %dma_start3A_197 = arith.constant 0 : i32
        %dma_start3A_198 = arith.constant 0 : i32
        %dma_start3A_199 = tpu.memref_slice %arg10[%dma_start3A_197, %dma_start3A_198] : memref<5120x128xf32, #tpu.memory_space<vmem_shared>> -> memref<5120x128xf32, #tpu.memory_space<vmem_shared>>
        tpu.enqueue_indirect_dma source(%dma_start3A_193 : memref<128x128xf32, #tpu.memory_space<vmem>>) target(%dma_start3A_199 : memref<5120x128xf32, #tpu.memory_space<vmem_shared>>) offsets(%dma_start3A_196 : memref<128xi32, #tpu.memory_space<vmem>>) semaphore(%run_scoped3A_189 : memref<!tpu.dma_semaphore, #tpu.memory_space<semaphore_mem>>) {add = true}
        %dma_wait3A_200 = arith.constant 0 : i32
        %dma_wait3A_201 = arith.constant 0 : i32
        %dma_wait3A_202 = tpu.memref_slice %arg9[%run_scoped3A_158, %dma_wait3A_200, %dma_wait3A_201] : memref<4x128x128xf32, #tpu.memory_space<vmem>> -> memref<1x128x128xf32, #tpu.memory_space<vmem>>
        %dma_wait3A_203 = tpu.memref_squeeze %dma_wait3A_202 : memref<1x128x128xf32, #tpu.memory_space<vmem>> -> memref<128x128xf32, #tpu.memory_space<vmem>>
        %dma_wait3A_204 = arith.constant 0 : i32
        %dma_wait3A_205 = tpu.memref_slice %arg8[%add3A_146, %dma_wait3A_204] : memref<80x128xi32, #tpu.memory_space<vmem>> -> memref<1x128xi32, #tpu.memory_space<vmem>>
        %dma_wait3A_206 = tpu.memref_squeeze %dma_wait3A_205 : memref<1x128xi32, #tpu.memory_space<vmem>> -> memref<128xi32, #tpu.memory_space<vmem>>
        %dma_wait3A_207 = arith.constant 0 : i32
        %dma_wait3A_208 = arith.constant 0 : i32
        %dma_wait3A_209 = tpu.memref_slice %arg10[%dma_wait3A_207, %dma_wait3A_208] : memref<5120x128xf32, #tpu.memory_space<vmem_shared>> -> memref<5120x128xf32, #tpu.memory_space<vmem_shared>>
        tpu.wait_indirect_dma semaphore(%run_scoped3A_189 : memref<!tpu.dma_semaphore, #tpu.memory_space<semaphore_mem>>) src(%dma_wait3A_203 : memref<128x128xf32, #tpu.memory_space<vmem>>) dst(%dma_wait3A_209 : memref<5120x128xf32, #tpu.memory_space<vmem_shared>>)
        tpu.yield
      }) : () -> ()
      %add3A_159 = arith.constant 4 : i32
      %add3A_160 = arith.addi %add3A_146, %add3A_159 : i32
      %lt3A_161 = arith.constant 80 : i32
      %lt3A_162 = arith.cmpi slt, %add3A_160, %lt3A_161 : i32
      %convert_element_type3A_163 = arith.extui %lt3A_162 : i1 to i32
      %cond3A_164 = arith.constant 0 : i32
      %cond3A_165 = arith.cmpi ne, %convert_element_type3A_163, %cond3A_164 : i32
      scf.if %cond3A_165 {
        %add3A_189 = arith.constant 4 : i32
        %add3A_190 = arith.addi %add3A_146, %add3A_189 : i32
        %dma_start3A_191 = arith.constant 2 : i32
        %dma_start3A_192 = arith.constant 0 : i32
        %dma_start3A_193 = arith.constant 0 : i32
        %dma_start3A_194 = tpu.memref_slice %arg9[%dma_start3A_191, %dma_start3A_192, %dma_start3A_193] : memref<4x128x128xf32, #tpu.memory_space<vmem>> -> memref<1x128x128xf32, #tpu.memory_space<vmem>>
        %dma_start3A_195 = tpu.memref_squeeze %dma_start3A_194 : memref<1x128x128xf32, #tpu.memory_space<vmem>> -> memref<128x128xf32, #tpu.memory_space<vmem>>
        %dma_start3A_196 = arith.constant 0 : i32
        %dma_start3A_197 = tpu.memref_slice %arg7[%add3A_190, %dma_start3A_196] : memref<80x128xi32, #tpu.memory_space<vmem>> -> memref<1x128xi32, #tpu.memory_space<vmem>>
        %dma_start3A_198 = tpu.memref_squeeze %dma_start3A_197 : memref<1x128xi32, #tpu.memory_space<vmem>> -> memref<128xi32, #tpu.memory_space<vmem>>
        %dma_start3A_199 = arith.constant 0 : i32
        %dma_start3A_200 = arith.constant 0 : i32
        %dma_start3A_201 = tpu.memref_slice %arg4[%dma_start3A_199, %dma_start3A_200] : memref<20000x128xf32, #tpu.memory_space<hbm>> -> memref<20000x128xf32, #tpu.memory_space<hbm>>
        tpu.enqueue_indirect_dma source(%dma_start3A_201 : memref<20000x128xf32, #tpu.memory_space<hbm>>) target(%dma_start3A_195 : memref<128x128xf32, #tpu.memory_space<vmem>>) offsets(%dma_start3A_198 : memref<128xi32, #tpu.memory_space<vmem>>) semaphore(%arg13 : memref<!tpu.dma_semaphore, #tpu.memory_space<semaphore_mem>>)
      } else {
      }
      %mul3A_166 = arith.constant 4 : i32
      %mul3A_167 = arith.muli %scan3A_98, %mul3A_166 : i32
      %add3A_168 = arith.constant 3 : i32
      %add3A_169 = arith.addi %mul3A_167, %add3A_168 : i32
      %dma_wait3A_170 = arith.constant 3 : i32
      %dma_wait3A_171 = arith.constant 0 : i32
      %dma_wait3A_172 = arith.constant 0 : i32
      %dma_wait3A_173 = tpu.memref_slice %arg9[%dma_wait3A_170, %dma_wait3A_171, %dma_wait3A_172] : memref<4x128x128xf32, #tpu.memory_space<vmem>> -> memref<1x128x128xf32, #tpu.memory_space<vmem>>
      %dma_wait3A_174 = tpu.memref_squeeze %dma_wait3A_173 : memref<1x128x128xf32, #tpu.memory_space<vmem>> -> memref<128x128xf32, #tpu.memory_space<vmem>>
      %dma_wait3A_175 = arith.constant 0 : i32
      %dma_wait3A_176 = tpu.memref_slice %arg7[%add3A_169, %dma_wait3A_175] : memref<80x128xi32, #tpu.memory_space<vmem>> -> memref<1x128xi32, #tpu.memory_space<vmem>>
      %dma_wait3A_177 = tpu.memref_squeeze %dma_wait3A_176 : memref<1x128xi32, #tpu.memory_space<vmem>> -> memref<128xi32, #tpu.memory_space<vmem>>
      %dma_wait3A_178 = arith.constant 0 : i32
      %dma_wait3A_179 = arith.constant 0 : i32
      %dma_wait3A_180 = tpu.memref_slice %arg4[%dma_wait3A_178, %dma_wait3A_179] : memref<20000x128xf32, #tpu.memory_space<hbm>> -> memref<20000x128xf32, #tpu.memory_space<hbm>>
      tpu.wait_indirect_dma semaphore(%arg14 : memref<!tpu.dma_semaphore, #tpu.memory_space<semaphore_mem>>) src(%dma_wait3A_180 : memref<20000x128xf32, #tpu.memory_space<hbm>>) dst(%dma_wait3A_174 : memref<128x128xf32, #tpu.memory_space<vmem>>)
      %run_scoped3A_181 = arith.constant 3 : i32
      "tpu.region"() ({
        %run_scoped3A_189 = tpu.sem_alloc : memref<!tpu.dma_semaphore, #tpu.memory_space<semaphore_mem>>
        %dma_start3A_190 = arith.constant 0 : i32
        %dma_start3A_191 = arith.constant 0 : i32
        %dma_start3A_192 = tpu.memref_slice %arg9[%run_scoped3A_181, %dma_start3A_190, %dma_start3A_191] : memref<4x128x128xf32, #tpu.memory_space<vmem>> -> memref<1x128x128xf32, #tpu.memory_space<vmem>>
        %dma_start3A_193 = tpu.memref_squeeze %dma_start3A_192 : memref<1x128x128xf32, #tpu.memory_space<vmem>> -> memref<128x128xf32, #tpu.memory_space<vmem>>
        %dma_start3A_194 = arith.constant 0 : i32
        %dma_start3A_195 = tpu.memref_slice %arg8[%add3A_169, %dma_start3A_194] : memref<80x128xi32, #tpu.memory_space<vmem>> -> memref<1x128xi32, #tpu.memory_space<vmem>>
        %dma_start3A_196 = tpu.memref_squeeze %dma_start3A_195 : memref<1x128xi32, #tpu.memory_space<vmem>> -> memref<128xi32, #tpu.memory_space<vmem>>
        %dma_start3A_197 = arith.constant 0 : i32
        %dma_start3A_198 = arith.constant 0 : i32
        %dma_start3A_199 = tpu.memref_slice %arg10[%dma_start3A_197, %dma_start3A_198] : memref<5120x128xf32, #tpu.memory_space<vmem_shared>> -> memref<5120x128xf32, #tpu.memory_space<vmem_shared>>
        tpu.enqueue_indirect_dma source(%dma_start3A_193 : memref<128x128xf32, #tpu.memory_space<vmem>>) target(%dma_start3A_199 : memref<5120x128xf32, #tpu.memory_space<vmem_shared>>) offsets(%dma_start3A_196 : memref<128xi32, #tpu.memory_space<vmem>>) semaphore(%run_scoped3A_189 : memref<!tpu.dma_semaphore, #tpu.memory_space<semaphore_mem>>) {add = true}
        %dma_wait3A_200 = arith.constant 0 : i32
        %dma_wait3A_201 = arith.constant 0 : i32
        %dma_wait3A_202 = tpu.memref_slice %arg9[%run_scoped3A_181, %dma_wait3A_200, %dma_wait3A_201] : memref<4x128x128xf32, #tpu.memory_space<vmem>> -> memref<1x128x128xf32, #tpu.memory_space<vmem>>
        %dma_wait3A_203 = tpu.memref_squeeze %dma_wait3A_202 : memref<1x128x128xf32, #tpu.memory_space<vmem>> -> memref<128x128xf32, #tpu.memory_space<vmem>>
        %dma_wait3A_204 = arith.constant 0 : i32
        %dma_wait3A_205 = tpu.memref_slice %arg8[%add3A_169, %dma_wait3A_204] : memref<80x128xi32, #tpu.memory_space<vmem>> -> memref<1x128xi32, #tpu.memory_space<vmem>>
        %dma_wait3A_206 = tpu.memref_squeeze %dma_wait3A_205 : memref<1x128xi32, #tpu.memory_space<vmem>> -> memref<128xi32, #tpu.memory_space<vmem>>
        %dma_wait3A_207 = arith.constant 0 : i32
        %dma_wait3A_208 = arith.constant 0 : i32
        %dma_wait3A_209 = tpu.memref_slice %arg10[%dma_wait3A_207, %dma_wait3A_208] : memref<5120x128xf32, #tpu.memory_space<vmem_shared>> -> memref<5120x128xf32, #tpu.memory_space<vmem_shared>>
        tpu.wait_indirect_dma semaphore(%run_scoped3A_189 : memref<!tpu.dma_semaphore, #tpu.memory_space<semaphore_mem>>) src(%dma_wait3A_203 : memref<128x128xf32, #tpu.memory_space<vmem>>) dst(%dma_wait3A_209 : memref<5120x128xf32, #tpu.memory_space<vmem_shared>>)
        tpu.yield
      }) : () -> ()
      %add3A_182 = arith.constant 4 : i32
      %add3A_183 = arith.addi %add3A_169, %add3A_182 : i32
      %lt3A_184 = arith.constant 80 : i32
      %lt3A_185 = arith.cmpi slt, %add3A_183, %lt3A_184 : i32
      %convert_element_type3A_186 = arith.extui %lt3A_185 : i1 to i32
      %cond3A_187 = arith.constant 0 : i32
      %cond3A_188 = arith.cmpi ne, %convert_element_type3A_186, %cond3A_187 : i32
      scf.if %cond3A_188 {
        %add3A_189 = arith.constant 4 : i32
        %add3A_190 = arith.addi %add3A_169, %add3A_189 : i32
        %dma_start3A_191 = arith.constant 3 : i32
        %dma_start3A_192 = arith.constant 0 : i32
        %dma_start3A_193 = arith.constant 0 : i32
        %dma_start3A_194 = tpu.memref_slice %arg9[%dma_start3A_191, %dma_start3A_192, %dma_start3A_193] : memref<4x128x128xf32, #tpu.memory_space<vmem>> -> memref<1x128x128xf32, #tpu.memory_space<vmem>>
        %dma_start3A_195 = tpu.memref_squeeze %dma_start3A_194 : memref<1x128x128xf32, #tpu.memory_space<vmem>> -> memref<128x128xf32, #tpu.memory_space<vmem>>
        %dma_start3A_196 = arith.constant 0 : i32
        %dma_start3A_197 = tpu.memref_slice %arg7[%add3A_190, %dma_start3A_196] : memref<80x128xi32, #tpu.memory_space<vmem>> -> memref<1x128xi32, #tpu.memory_space<vmem>>
        %dma_start3A_198 = tpu.memref_squeeze %dma_start3A_197 : memref<1x128xi32, #tpu.memory_space<vmem>> -> memref<128xi32, #tpu.memory_space<vmem>>
        %dma_start3A_199 = arith.constant 0 : i32
        %dma_start3A_200 = arith.constant 0 : i32
        %dma_start3A_201 = tpu.memref_slice %arg4[%dma_start3A_199, %dma_start3A_200] : memref<20000x128xf32, #tpu.memory_space<hbm>> -> memref<20000x128xf32, #tpu.memory_space<hbm>>
        tpu.enqueue_indirect_dma source(%dma_start3A_201 : memref<20000x128xf32, #tpu.memory_space<hbm>>) target(%dma_start3A_195 : memref<128x128xf32, #tpu.memory_space<vmem>>) offsets(%dma_start3A_198 : memref<128xi32, #tpu.memory_space<vmem>>) semaphore(%arg14 : memref<!tpu.dma_semaphore, #tpu.memory_space<semaphore_mem>>)
      } else {
      }
    }
    %scan3A_64 = arith.constant 20 : i32
    %barrier3A_65 = arith.constant 0 : index
    tpu.barrier barrier_id(%barrier3A_65)
    %mul3A_66 = arith.constant 312 : i32
    %mul3A_67 = arith.muli %arg1, %mul3A_66 : i32
    %add3A_68 = arith.constant 0 : i32
    %add3A_69 = arith.addi %mul3A_67, %add3A_68 : i32
    %run_scoped3A_70 = arith.constant 0 : i32
    "tpu.region"() ({
      %run_scoped3A_98 = tpu.sem_alloc : memref<!tpu.dma_semaphore, #tpu.memory_space<semaphore_mem>>
      %dma_start3A_99 = arith.constant 0 : i32
      %dma_start3A_100 = arith.constant 0 : i32
      %dma_start3A_101 = tpu.memref_slice %arg9[%run_scoped3A_70, %dma_start3A_99, %dma_start3A_100] : memref<4x128x128xf32, #tpu.memory_space<vmem>> -> memref<1x128x128xf32, #tpu.memory_space<vmem>>
      %dma_start3A_102 = tpu.memref_squeeze %dma_start3A_101 : memref<1x128x128xf32, #tpu.memory_space<vmem>> -> memref<128x128xf32, #tpu.memory_space<vmem>>
      %dma_start3A_103 = arith.constant 0 : i32
      %dma_start3A_104 = tpu.memref_slice %arg10[%add3A_69, %dma_start3A_103] : memref<5120x128xf32, #tpu.memory_space<vmem_shared>> -> memref<128x128xf32, #tpu.memory_space<vmem_shared>>
      %dma_start3A_105 = arith.constant 0 : i32
      %dma_start3A_106 = arith.constant 0 : i32
      %dma_start3A_107 = tpu.memref_slice %arg9[%run_scoped3A_70, %dma_start3A_105, %dma_start3A_106] : memref<4x128x128xf32, #tpu.memory_space<vmem>> -> memref<1x128x128xf32, #tpu.memory_space<vmem>>
      %dma_start3A_108 = tpu.memref_squeeze %dma_start3A_107 : memref<1x128x128xf32, #tpu.memory_space<vmem>> -> memref<128x128xf32, #tpu.memory_space<vmem>>
      %dma_start3A_109 = arith.constant 0 : i32
      %dma_start3A_110 = tpu.memref_slice %arg10[%add3A_69, %dma_start3A_109] : memref<5120x128xf32, #tpu.memory_space<vmem_shared>> -> memref<128x128xf32, #tpu.memory_space<vmem_shared>>
      tpu.enqueue_dma source(%dma_start3A_110 : memref<128x128xf32, #tpu.memory_space<vmem_shared>>) target(%dma_start3A_108 : memref<128x128xf32, #tpu.memory_space<vmem>>) target_semaphore(%run_scoped3A_98 : memref<!tpu.dma_semaphore, #tpu.memory_space<semaphore_mem>>)
      %dma_wait3A = arith.constant 0 : i32
      %dma_wait3A_111 = arith.constant 0 : i32
      %dma_wait3A_112 = tpu.memref_slice %arg9[%run_scoped3A_70, %dma_wait3A, %dma_wait3A_111] : memref<4x128x128xf32, #tpu.memory_space<vmem>> -> memref<1x128x128xf32, #tpu.memory_space<vmem>>
      %dma_wait3A_113 = tpu.memref_squeeze %dma_wait3A_112 : memref<1x128x128xf32, #tpu.memory_space<vmem>> -> memref<128x128xf32, #tpu.memory_space<vmem>>
      %dma_wait3A_114 = arith.constant 0 : i32
      %dma_wait3A_115 = tpu.memref_slice %arg10[%add3A_69, %dma_wait3A_114] : memref<5120x128xf32, #tpu.memory_space<vmem_shared>> -> memref<128x128xf32, #tpu.memory_space<vmem_shared>>
      %dma_wait3A_116 = arith.constant 0 : i32
      %dma_wait3A_117 = arith.constant 0 : i32
      %dma_wait3A_118 = tpu.memref_slice %arg9[%run_scoped3A_70, %dma_wait3A_116, %dma_wait3A_117] : memref<4x128x128xf32, #tpu.memory_space<vmem>> -> memref<1x128x128xf32, #tpu.memory_space<vmem>>
      %dma_wait3A_119 = tpu.memref_squeeze %dma_wait3A_118 : memref<1x128x128xf32, #tpu.memory_space<vmem>> -> memref<128x128xf32, #tpu.memory_space<vmem>>
      %dma_wait3A_120 = arith.constant 0 : i32
      %dma_wait3A_121 = tpu.memref_slice %arg10[%add3A_69, %dma_wait3A_120] : memref<5120x128xf32, #tpu.memory_space<vmem_shared>> -> memref<128x128xf32, #tpu.memory_space<vmem_shared>>
      tpu.wait_dma2 semaphore(%run_scoped3A_98 : memref<!tpu.dma_semaphore, #tpu.memory_space<semaphore_mem>>) src(%dma_wait3A_121 : memref<128x128xf32, #tpu.memory_space<vmem_shared>>) dst(%dma_wait3A_119 : memref<128x128xf32, #tpu.memory_space<vmem>>)
      tpu.yield
    }) : () -> ()
    %mul3A_71 = arith.constant 312 : i32
    %mul3A_72 = arith.muli %arg1, %mul3A_71 : i32
    %add3A_73 = arith.constant 0 : i32
    %add3A_74 = arith.addi %mul3A_72, %add3A_73 : i32
    %run_scoped3A_75 = arith.constant 0 : i32
    "tpu.region"() ({
      %run_scoped3A_98 = tpu.sem_alloc : memref<!tpu.dma_semaphore, #tpu.memory_space<semaphore_mem>>
      %dma_start3A_99 = arith.constant 0 : i32
      %dma_start3A_100 = arith.constant 0 : i32
      %dma_start3A_101 = tpu.memref_slice %arg9[%run_scoped3A_75, %dma_start3A_99, %dma_start3A_100] : memref<4x128x128xf32, #tpu.memory_space<vmem>> -> memref<1x128x128xf32, #tpu.memory_space<vmem>>
      %dma_start3A_102 = tpu.memref_squeeze %dma_start3A_101 : memref<1x128x128xf32, #tpu.memory_space<vmem>> -> memref<128x128xf32, #tpu.memory_space<vmem>>
      %dma_start3A_103 = arith.constant 0 : i32
      %dma_start3A_104 = tpu.memref_slice %arg6[%arg0, %add3A_74, %dma_start3A_103] : memref<2x5000x128xf32, #tpu.memory_space<hbm>> -> memref<1x128x128xf32, #tpu.memory_space<hbm>>
      %dma_start3A_105 = tpu.memref_squeeze %dma_start3A_104 : memref<1x128x128xf32, #tpu.memory_space<hbm>> -> memref<128x128xf32, #tpu.memory_space<hbm>>
      %dma_start3A_106 = arith.constant 0 : i32
      %dma_start3A_107 = tpu.memref_slice %arg6[%arg0, %add3A_74, %dma_start3A_106] : memref<2x5000x128xf32, #tpu.memory_space<hbm>> -> memref<1x128x128xf32, #tpu.memory_space<hbm>>
      %dma_start3A_108 = tpu.memref_squeeze %dma_start3A_107 : memref<1x128x128xf32, #tpu.memory_space<hbm>> -> memref<128x128xf32, #tpu.memory_space<hbm>>
      %dma_start3A_109 = arith.constant 0 : i32
      %dma_start3A_110 = arith.constant 0 : i32
      %dma_start3A_111 = tpu.memref_slice %arg9[%run_scoped3A_75, %dma_start3A_109, %dma_start3A_110] : memref<4x128x128xf32, #tpu.memory_space<vmem>> -> memref<1x128x128xf32, #tpu.memory_space<vmem>>
      %dma_start3A_112 = tpu.memref_squeeze %dma_start3A_111 : memref<1x128x128xf32, #tpu.memory_space<vmem>> -> memref<128x128xf32, #tpu.memory_space<vmem>>
      tpu.enqueue_dma source(%dma_start3A_112 : memref<128x128xf32, #tpu.memory_space<vmem>>) target(%dma_start3A_108 : memref<128x128xf32, #tpu.memory_space<hbm>>) target_semaphore(%run_scoped3A_98 : memref<!tpu.dma_semaphore, #tpu.memory_space<semaphore_mem>>)
      %dma_wait3A = arith.constant 0 : i32
      %dma_wait3A_113 = arith.constant 0 : i32
      %dma_wait3A_114 = tpu.memref_slice %arg9[%run_scoped3A_75, %dma_wait3A, %dma_wait3A_113] : memref<4x128x128xf32, #tpu.memory_space<vmem>> -> memref<1x128x128xf32, #tpu.memory_space<vmem>>
      %dma_wait3A_115 = tpu.memref_squeeze %dma_wait3A_114 : memref<1x128x128xf32, #tpu.memory_space<vmem>> -> memref<128x128xf32, #tpu.memory_space<vmem>>
      %dma_wait3A_116 = arith.constant 0 : i32
      %dma_wait3A_117 = tpu.memref_slice %arg6[%arg0, %add3A_74, %dma_wait3A_116] : memref<2x5000x128xf32, #tpu.memory_space<hbm>> -> memref<1x128x128xf32, #tpu.memory_space<hbm>>
      %dma_wait3A_118 = tpu.memref_squeeze %dma_wait3A_117 : memref<1x128x128xf32, #tpu.memory_space<hbm>> -> memref<128x128xf32, #tpu.memory_space<hbm>>
      %dma_wait3A_119 = arith.constant 0 : i32
      %dma_wait3A_120 = tpu.memref_slice %arg6[%arg0, %add3A_74, %dma_wait3A_119] : memref<2x5000x128xf32, #tpu.memory_space<hbm>> -> memref<1x128x128xf32, #tpu.memory_space<hbm>>
      %dma_wait3A_121 = tpu.memref_squeeze %dma_wait3A_120 : memref<1x128x128xf32, #tpu.memory_space<hbm>> -> memref<128x128xf32, #tpu.memory_space<hbm>>
      %dma_wait3A_122 = arith.constant 0 : i32
      %dma_wait3A_123 = arith.constant 0 : i32
      %dma_wait3A_124 = tpu.memref_slice %arg9[%run_scoped3A_75, %dma_wait3A_122, %dma_wait3A_123] : memref<4x128x128xf32, #tpu.memory_space<vmem>> -> memref<1x128x128xf32, #tpu.memory_space<vmem>>
      %dma_wait3A_125 = tpu.memref_squeeze %dma_wait3A_124 : memref<1x128x128xf32, #tpu.memory_space<vmem>> -> memref<128x128xf32, #tpu.memory_space<vmem>>
      tpu.wait_dma2 semaphore(%run_scoped3A_98 : memref<!tpu.dma_semaphore, #tpu.memory_space<semaphore_mem>>) src(%dma_wait3A_125 : memref<128x128xf32, #tpu.memory_space<vmem>>) dst(%dma_wait3A_121 : memref<128x128xf32, #tpu.memory_space<hbm>>)
      tpu.yield
    }) : () -> ()
    %mul3A_76 = arith.constant 312 : i32
    %mul3A_77 = arith.muli %arg1, %mul3A_76 : i32
    %add3A_78 = arith.constant 128 : i32
    %add3A_79 = arith.addi %mul3A_77, %add3A_78 : i32
    %run_scoped3A_80 = arith.constant 0 : i32
    "tpu.region"() ({
      %run_scoped3A_98 = tpu.sem_alloc : memref<!tpu.dma_semaphore, #tpu.memory_space<semaphore_mem>>
      %dma_start3A_99 = arith.constant 0 : i32
      %dma_start3A_100 = arith.constant 0 : i32
      %dma_start3A_101 = tpu.memref_slice %arg9[%run_scoped3A_80, %dma_start3A_99, %dma_start3A_100] : memref<4x128x128xf32, #tpu.memory_space<vmem>> -> memref<1x128x128xf32, #tpu.memory_space<vmem>>
      %dma_start3A_102 = tpu.memref_squeeze %dma_start3A_101 : memref<1x128x128xf32, #tpu.memory_space<vmem>> -> memref<128x128xf32, #tpu.memory_space<vmem>>
      %dma_start3A_103 = arith.constant 0 : i32
      %dma_start3A_104 = tpu.memref_slice %arg10[%add3A_79, %dma_start3A_103] : memref<5120x128xf32, #tpu.memory_space<vmem_shared>> -> memref<128x128xf32, #tpu.memory_space<vmem_shared>>
      %dma_start3A_105 = arith.constant 0 : i32
      %dma_start3A_106 = arith.constant 0 : i32
      %dma_start3A_107 = tpu.memref_slice %arg9[%run_scoped3A_80, %dma_start3A_105, %dma_start3A_106] : memref<4x128x128xf32, #tpu.memory_space<vmem>> -> memref<1x128x128xf32, #tpu.memory_space<vmem>>
      %dma_start3A_108 = tpu.memref_squeeze %dma_start3A_107 : memref<1x128x128xf32, #tpu.memory_space<vmem>> -> memref<128x128xf32, #tpu.memory_space<vmem>>
      %dma_start3A_109 = arith.constant 0 : i32
      %dma_start3A_110 = tpu.memref_slice %arg10[%add3A_79, %dma_start3A_109] : memref<5120x128xf32, #tpu.memory_space<vmem_shared>> -> memref<128x128xf32, #tpu.memory_space<vmem_shared>>
      tpu.enqueue_dma source(%dma_start3A_110 : memref<128x128xf32, #tpu.memory_space<vmem_shared>>) target(%dma_start3A_108 : memref<128x128xf32, #tpu.memory_space<vmem>>) target_semaphore(%run_scoped3A_98 : memref<!tpu.dma_semaphore, #tpu.memory_space<semaphore_mem>>)
      %dma_wait3A = arith.constant 0 : i32
      %dma_wait3A_111 = arith.constant 0 : i32
      %dma_wait3A_112 = tpu.memref_slice %arg9[%run_scoped3A_80, %dma_wait3A, %dma_wait3A_111] : memref<4x128x128xf32, #tpu.memory_space<vmem>> -> memref<1x128x128xf32, #tpu.memory_space<vmem>>
      %dma_wait3A_113 = tpu.memref_squeeze %dma_wait3A_112 : memref<1x128x128xf32, #tpu.memory_space<vmem>> -> memref<128x128xf32, #tpu.memory_space<vmem>>
      %dma_wait3A_114 = arith.constant 0 : i32
      %dma_wait3A_115 = tpu.memref_slice %arg10[%add3A_79, %dma_wait3A_114] : memref<5120x128xf32, #tpu.memory_space<vmem_shared>> -> memref<128x128xf32, #tpu.memory_space<vmem_shared>>
      %dma_wait3A_116 = arith.constant 0 : i32
      %dma_wait3A_117 = arith.constant 0 : i32
      %dma_wait3A_118 = tpu.memref_slice %arg9[%run_scoped3A_80, %dma_wait3A_116, %dma_wait3A_117] : memref<4x128x128xf32, #tpu.memory_space<vmem>> -> memref<1x128x128xf32, #tpu.memory_space<vmem>>
      %dma_wait3A_119 = tpu.memref_squeeze %dma_wait3A_118 : memref<1x128x128xf32, #tpu.memory_space<vmem>> -> memref<128x128xf32, #tpu.memory_space<vmem>>
      %dma_wait3A_120 = arith.constant 0 : i32
      %dma_wait3A_121 = tpu.memref_slice %arg10[%add3A_79, %dma_wait3A_120] : memref<5120x128xf32, #tpu.memory_space<vmem_shared>> -> memref<128x128xf32, #tpu.memory_space<vmem_shared>>
      tpu.wait_dma2 semaphore(%run_scoped3A_98 : memref<!tpu.dma_semaphore, #tpu.memory_space<semaphore_mem>>) src(%dma_wait3A_121 : memref<128x128xf32, #tpu.memory_space<vmem_shared>>) dst(%dma_wait3A_119 : memref<128x128xf32, #tpu.memory_space<vmem>>)
      tpu.yield
    }) : () -> ()
    %mul3A_81 = arith.constant 312 : i32
    %mul3A_82 = arith.muli %arg1, %mul3A_81 : i32
    %add3A_83 = arith.constant 128 : i32
    %add3A_84 = arith.addi %mul3A_82, %add3A_83 : i32
    %run_scoped3A_85 = arith.constant 0 : i32
    "tpu.region"() ({
      %run_scoped3A_98 = tpu.sem_alloc : memref<!tpu.dma_semaphore, #tpu.memory_space<semaphore_mem>>
      %dma_start3A_99 = arith.constant 0 : i32
      %dma_start3A_100 = arith.constant 0 : i32
      %dma_start3A_101 = tpu.memref_slice %arg9[%run_scoped3A_85, %dma_start3A_99, %dma_start3A_100] : memref<4x128x128xf32, #tpu.memory_space<vmem>> -> memref<1x128x128xf32, #tpu.memory_space<vmem>>
      %dma_start3A_102 = tpu.memref_squeeze %dma_start3A_101 : memref<1x128x128xf32, #tpu.memory_space<vmem>> -> memref<128x128xf32, #tpu.memory_space<vmem>>
      %dma_start3A_103 = arith.constant 0 : i32
      %dma_start3A_104 = tpu.memref_slice %arg6[%arg0, %add3A_84, %dma_start3A_103] : memref<2x5000x128xf32, #tpu.memory_space<hbm>> -> memref<1x128x128xf32, #tpu.memory_space<hbm>>
      %dma_start3A_105 = tpu.memref_squeeze %dma_start3A_104 : memref<1x128x128xf32, #tpu.memory_space<hbm>> -> memref<128x128xf32, #tpu.memory_space<hbm>>
      %dma_start3A_106 = arith.constant 0 : i32
      %dma_start3A_107 = tpu.memref_slice %arg6[%arg0, %add3A_84, %dma_start3A_106] : memref<2x5000x128xf32, #tpu.memory_space<hbm>> -> memref<1x128x128xf32, #tpu.memory_space<hbm>>
      %dma_start3A_108 = tpu.memref_squeeze %dma_start3A_107 : memref<1x128x128xf32, #tpu.memory_space<hbm>> -> memref<128x128xf32, #tpu.memory_space<hbm>>
      %dma_start3A_109 = arith.constant 0 : i32
      %dma_start3A_110 = arith.constant 0 : i32
      %dma_start3A_111 = tpu.memref_slice %arg9[%run_scoped3A_85, %dma_start3A_109, %dma_start3A_110] : memref<4x128x128xf32, #tpu.memory_space<vmem>> -> memref<1x128x128xf32, #tpu.memory_space<vmem>>
      %dma_start3A_112 = tpu.memref_squeeze %dma_start3A_111 : memref<1x128x128xf32, #tpu.memory_space<vmem>> -> memref<128x128xf32, #tpu.memory_space<vmem>>
      tpu.enqueue_dma source(%dma_start3A_112 : memref<128x128xf32, #tpu.memory_space<vmem>>) target(%dma_start3A_108 : memref<128x128xf32, #tpu.memory_space<hbm>>) target_semaphore(%run_scoped3A_98 : memref<!tpu.dma_semaphore, #tpu.memory_space<semaphore_mem>>)
      %dma_wait3A = arith.constant 0 : i32
      %dma_wait3A_113 = arith.constant 0 : i32
      %dma_wait3A_114 = tpu.memref_slice %arg9[%run_scoped3A_85, %dma_wait3A, %dma_wait3A_113] : memref<4x128x128xf32, #tpu.memory_space<vmem>> -> memref<1x128x128xf32, #tpu.memory_space<vmem>>
      %dma_wait3A_115 = tpu.memref_squeeze %dma_wait3A_114 : memref<1x128x128xf32, #tpu.memory_space<vmem>> -> memref<128x128xf32, #tpu.memory_space<vmem>>
      %dma_wait3A_116 = arith.constant 0 : i32
      %dma_wait3A_117 = tpu.memref_slice %arg6[%arg0, %add3A_84, %dma_wait3A_116] : memref<2x5000x128xf32, #tpu.memory_space<hbm>> -> memref<1x128x128xf32, #tpu.memory_space<hbm>>
      %dma_wait3A_118 = tpu.memref_squeeze %dma_wait3A_117 : memref<1x128x128xf32, #tpu.memory_space<hbm>> -> memref<128x128xf32, #tpu.memory_space<hbm>>
      %dma_wait3A_119 = arith.constant 0 : i32
      %dma_wait3A_120 = tpu.memref_slice %arg6[%arg0, %add3A_84, %dma_wait3A_119] : memref<2x5000x128xf32, #tpu.memory_space<hbm>> -> memref<1x128x128xf32, #tpu.memory_space<hbm>>
      %dma_wait3A_121 = tpu.memref_squeeze %dma_wait3A_120 : memref<1x128x128xf32, #tpu.memory_space<hbm>> -> memref<128x128xf32, #tpu.memory_space<hbm>>
      %dma_wait3A_122 = arith.constant 0 : i32
      %dma_wait3A_123 = arith.constant 0 : i32
      %dma_wait3A_124 = tpu.memref_slice %arg9[%run_scoped3A_85, %dma_wait3A_122, %dma_wait3A_123] : memref<4x128x128xf32, #tpu.memory_space<vmem>> -> memref<1x128x128xf32, #tpu.memory_space<vmem>>
      %dma_wait3A_125 = tpu.memref_squeeze %dma_wait3A_124 : memref<1x128x128xf32, #tpu.memory_space<vmem>> -> memref<128x128xf32, #tpu.memory_space<vmem>>
      tpu.wait_dma2 semaphore(%run_scoped3A_98 : memref<!tpu.dma_semaphore, #tpu.memory_space<semaphore_mem>>) src(%dma_wait3A_125 : memref<128x128xf32, #tpu.memory_space<vmem>>) dst(%dma_wait3A_121 : memref<128x128xf32, #tpu.memory_space<hbm>>)
      tpu.yield
    }) : () -> ()
    %mul3A_86 = arith.constant 312 : i32
    %mul3A_87 = arith.muli %arg1, %mul3A_86 : i32
    %add3A_88 = arith.constant 256 : i32
    %add3A_89 = arith.addi %mul3A_87, %add3A_88 : i32
    %run_scoped3A_90 = arith.constant 0 : i32
    "tpu.region"() ({
      %run_scoped3A_98 = tpu.sem_alloc : memref<!tpu.dma_semaphore, #tpu.memory_space<semaphore_mem>>
      %dma_start3A_99 = arith.constant 0 : i32
      %dma_start3A_100 = arith.constant 0 : i32
      %dma_start3A_101 = tpu.memref_slice %arg9[%run_scoped3A_90, %dma_start3A_99, %dma_start3A_100] : memref<4x128x128xf32, #tpu.memory_space<vmem>> -> memref<1x56x128xf32, #tpu.memory_space<vmem>>
      %dma_start3A_102 = tpu.memref_squeeze %dma_start3A_101 : memref<1x56x128xf32, #tpu.memory_space<vmem>> -> memref<56x128xf32, #tpu.memory_space<vmem>>
      %dma_start3A_103 = arith.constant 0 : i32
      %dma_start3A_104 = tpu.memref_slice %arg10[%add3A_89, %dma_start3A_103] : memref<5120x128xf32, #tpu.memory_space<vmem_shared>> -> memref<56x128xf32, #tpu.memory_space<vmem_shared>>
      %dma_start3A_105 = arith.constant 0 : i32
      %dma_start3A_106 = arith.constant 0 : i32
      %dma_start3A_107 = tpu.memref_slice %arg9[%run_scoped3A_90, %dma_start3A_105, %dma_start3A_106] : memref<4x128x128xf32, #tpu.memory_space<vmem>> -> memref<1x56x128xf32, #tpu.memory_space<vmem>>
      %dma_start3A_108 = tpu.memref_squeeze %dma_start3A_107 : memref<1x56x128xf32, #tpu.memory_space<vmem>> -> memref<56x128xf32, #tpu.memory_space<vmem>>
      %dma_start3A_109 = arith.constant 0 : i32
      %dma_start3A_110 = tpu.memref_slice %arg10[%add3A_89, %dma_start3A_109] : memref<5120x128xf32, #tpu.memory_space<vmem_shared>> -> memref<56x128xf32, #tpu.memory_space<vmem_shared>>
      tpu.enqueue_dma source(%dma_start3A_110 : memref<56x128xf32, #tpu.memory_space<vmem_shared>>) target(%dma_start3A_108 : memref<56x128xf32, #tpu.memory_space<vmem>>) target_semaphore(%run_scoped3A_98 : memref<!tpu.dma_semaphore, #tpu.memory_space<semaphore_mem>>)
      %dma_wait3A = arith.constant 0 : i32
      %dma_wait3A_111 = arith.constant 0 : i32
      %dma_wait3A_112 = tpu.memref_slice %arg9[%run_scoped3A_90, %dma_wait3A, %dma_wait3A_111] : memref<4x128x128xf32, #tpu.memory_space<vmem>> -> memref<1x56x128xf32, #tpu.memory_space<vmem>>
      %dma_wait3A_113 = tpu.memref_squeeze %dma_wait3A_112 : memref<1x56x128xf32, #tpu.memory_space<vmem>> -> memref<56x128xf32, #tpu.memory_space<vmem>>
      %dma_wait3A_114 = arith.constant 0 : i32
      %dma_wait3A_115 = tpu.memref_slice %arg10[%add3A_89, %dma_wait3A_114] : memref<5120x128xf32, #tpu.memory_space<vmem_shared>> -> memref<56x128xf32, #tpu.memory_space<vmem_shared>>
      %dma_wait3A_116 = arith.constant 0 : i32
      %dma_wait3A_117 = arith.constant 0 : i32
      %dma_wait3A_118 = tpu.memref_slice %arg9[%run_scoped3A_90, %dma_wait3A_116, %dma_wait3A_117] : memref<4x128x128xf32, #tpu.memory_space<vmem>> -> memref<1x56x128xf32, #tpu.memory_space<vmem>>
      %dma_wait3A_119 = tpu.memref_squeeze %dma_wait3A_118 : memref<1x56x128xf32, #tpu.memory_space<vmem>> -> memref<56x128xf32, #tpu.memory_space<vmem>>
      %dma_wait3A_120 = arith.constant 0 : i32
      %dma_wait3A_121 = tpu.memref_slice %arg10[%add3A_89, %dma_wait3A_120] : memref<5120x128xf32, #tpu.memory_space<vmem_shared>> -> memref<56x128xf32, #tpu.memory_space<vmem_shared>>
      tpu.wait_dma2 semaphore(%run_scoped3A_98 : memref<!tpu.dma_semaphore, #tpu.memory_space<semaphore_mem>>) src(%dma_wait3A_121 : memref<56x128xf32, #tpu.memory_space<vmem_shared>>) dst(%dma_wait3A_119 : memref<56x128xf32, #tpu.memory_space<vmem>>)
      tpu.yield
    }) : () -> ()
    %mul3A_91 = arith.constant 312 : i32
    %mul3A_92 = arith.muli %arg1, %mul3A_91 : i32
    %add3A_93 = arith.constant 256 : i32
    %add3A_94 = arith.addi %mul3A_92, %add3A_93 : i32
    %run_scoped3A_95 = arith.constant 0 : i32
    "tpu.region"() ({
      %run_scoped3A_98 = tpu.sem_alloc : memref<!tpu.dma_semaphore, #tpu.memory_space<semaphore_mem>>
      %dma_start3A_99 = arith.constant 0 : i32
      %dma_start3A_100 = arith.constant 0 : i32
      %dma_start3A_101 = tpu.memref_slice %arg9[%run_scoped3A_95, %dma_start3A_99, %dma_start3A_100] : memref<4x128x128xf32, #tpu.memory_space<vmem>> -> memref<1x56x128xf32, #tpu.memory_space<vmem>>
      %dma_start3A_102 = tpu.memref_squeeze %dma_start3A_101 : memref<1x56x128xf32, #tpu.memory_space<vmem>> -> memref<56x128xf32, #tpu.memory_space<vmem>>
      %dma_start3A_103 = arith.constant 0 : i32
      %dma_start3A_104 = tpu.memref_slice %arg6[%arg0, %add3A_94, %dma_start3A_103] : memref<2x5000x128xf32, #tpu.memory_space<hbm>> -> memref<1x56x128xf32, #tpu.memory_space<hbm>>
      %dma_start3A_105 = tpu.memref_squeeze %dma_start3A_104 : memref<1x56x128xf32, #tpu.memory_space<hbm>> -> memref<56x128xf32, #tpu.memory_space<hbm>>
      %dma_start3A_106 = arith.constant 0 : i32
      %dma_start3A_107 = tpu.memref_slice %arg6[%arg0, %add3A_94, %dma_start3A_106] : memref<2x5000x128xf32, #tpu.memory_space<hbm>> -> memref<1x56x128xf32, #tpu.memory_space<hbm>>
      %dma_start3A_108 = tpu.memref_squeeze %dma_start3A_107 : memref<1x56x128xf32, #tpu.memory_space<hbm>> -> memref<56x128xf32, #tpu.memory_space<hbm>>
      %dma_start3A_109 = arith.constant 0 : i32
      %dma_start3A_110 = arith.constant 0 : i32
      %dma_start3A_111 = tpu.memref_slice %arg9[%run_scoped3A_95, %dma_start3A_109, %dma_start3A_110] : memref<4x128x128xf32, #tpu.memory_space<vmem>> -> memref<1x56x128xf32, #tpu.memory_space<vmem>>
      %dma_start3A_112 = tpu.memref_squeeze %dma_start3A_111 : memref<1x56x128xf32, #tpu.memory_space<vmem>> -> memref<56x128xf32, #tpu.memory_space<vmem>>
      tpu.enqueue_dma source(%dma_start3A_112 : memref<56x128xf32, #tpu.memory_space<vmem>>) target(%dma_start3A_108 : memref<56x128xf32, #tpu.memory_space<hbm>>) target_semaphore(%run_scoped3A_98 : memref<!tpu.dma_semaphore, #tpu.memory_space<semaphore_mem>>)
      %dma_wait3A = arith.constant 0 : i32
      %dma_wait3A_113 = arith.constant 0 : i32
      %dma_wait3A_114 = tpu.memref_slice %arg9[%run_scoped3A_95, %dma_wait3A, %dma_wait3A_113] : memref<4x128x128xf32, #tpu.memory_space<vmem>> -> memref<1x56x128xf32, #tpu.memory_space<vmem>>
      %dma_wait3A_115 = tpu.memref_squeeze %dma_wait3A_114 : memref<1x56x128xf32, #tpu.memory_space<vmem>> -> memref<56x128xf32, #tpu.memory_space<vmem>>
      %dma_wait3A_116 = arith.constant 0 : i32
      %dma_wait3A_117 = tpu.memref_slice %arg6[%arg0, %add3A_94, %dma_wait3A_116] : memref<2x5000x128xf32, #tpu.memory_space<hbm>> -> memref<1x56x128xf32, #tpu.memory_space<hbm>>
      %dma_wait3A_118 = tpu.memref_squeeze %dma_wait3A_117 : memref<1x56x128xf32, #tpu.memory_space<hbm>> -> memref<56x128xf32, #tpu.memory_space<hbm>>
      %dma_wait3A_119 = arith.constant 0 : i32
      %dma_wait3A_120 = tpu.memref_slice %arg6[%arg0, %add3A_94, %dma_wait3A_119] : memref<2x5000x128xf32, #tpu.memory_space<hbm>> -> memref<1x56x128xf32, #tpu.memory_space<hbm>>
      %dma_wait3A_121 = tpu.memref_squeeze %dma_wait3A_120 : memref<1x56x128xf32, #tpu.memory_space<hbm>> -> memref<56x128xf32, #tpu.memory_space<hbm>>
      %dma_wait3A_122 = arith.constant 0 : i32
      %dma_wait3A_123 = arith.constant 0 : i32
      %dma_wait3A_124 = tpu.memref_slice %arg9[%run_scoped3A_95, %dma_wait3A_122, %dma_wait3A_123] : memref<4x128x128xf32, #tpu.memory_space<vmem>> -> memref<1x56x128xf32, #tpu.memory_space<vmem>>
      %dma_wait3A_125 = tpu.memref_squeeze %dma_wait3A_124 : memref<1x56x128xf32, #tpu.memory_space<vmem>> -> memref<56x128xf32, #tpu.memory_space<vmem>>
      tpu.wait_dma2 semaphore(%run_scoped3A_98 : memref<!tpu.dma_semaphore, #tpu.memory_space<semaphore_mem>>) src(%dma_wait3A_125 : memref<56x128xf32, #tpu.memory_space<vmem>>) dst(%dma_wait3A_121 : memref<56x128xf32, #tpu.memory_space<hbm>>)
      tpu.yield
    }) : () -> ()
    %eq3A = arith.constant 0 : i32
    %eq3A_96 = arith.cmpi eq, %arg1, %eq3A : i32
    %convert_element_type3A = arith.extui %eq3A_96 : i1 to i32
    %cond3A = arith.constant 0 : i32
    %cond3A_97 = arith.cmpi ne, %convert_element_type3A, %cond3A : i32
    scf.if %cond3A_97 {
      %run_scoped3A_98 = arith.constant 0 : i32
      "tpu.region"() ({
        %run_scoped3A_100 = tpu.sem_alloc : memref<!tpu.dma_semaphore, #tpu.memory_space<semaphore_mem>>
        %dma_start3A_101 = arith.constant 0 : i32
        %dma_start3A_102 = arith.constant 0 : i32
        %dma_start3A_103 = tpu.memref_slice %arg9[%run_scoped3A_98, %dma_start3A_101, %dma_start3A_102] : memref<4x128x128xf32, #tpu.memory_space<vmem>> -> memref<1x8x128xf32, #tpu.memory_space<vmem>>
        %dma_start3A_104 = tpu.memref_squeeze %dma_start3A_103 : memref<1x8x128xf32, #tpu.memory_space<vmem>> -> memref<8x128xf32, #tpu.memory_space<vmem>>
        %dma_start3A_105 = arith.constant 4992 : i32
        %dma_start3A_106 = arith.constant 0 : i32
        %dma_start3A_107 = tpu.memref_slice %arg10[%dma_start3A_105, %dma_start3A_106] : memref<5120x128xf32, #tpu.memory_space<vmem_shared>> -> memref<8x128xf32, #tpu.memory_space<vmem_shared>>
        %dma_start3A_108 = arith.constant 0 : i32
        %dma_start3A_109 = arith.constant 0 : i32
        %dma_start3A_110 = tpu.memref_slice %arg9[%run_scoped3A_98, %dma_start3A_108, %dma_start3A_109] : memref<4x128x128xf32, #tpu.memory_space<vmem>> -> memref<1x8x128xf32, #tpu.memory_space<vmem>>
        %dma_start3A_111 = tpu.memref_squeeze %dma_start3A_110 : memref<1x8x128xf32, #tpu.memory_space<vmem>> -> memref<8x128xf32, #tpu.memory_space<vmem>>
        %dma_start3A_112 = arith.constant 4992 : i32
        %dma_start3A_113 = arith.constant 0 : i32
        %dma_start3A_114 = tpu.memref_slice %arg10[%dma_start3A_112, %dma_start3A_113] : memref<5120x128xf32, #tpu.memory_space<vmem_shared>> -> memref<8x128xf32, #tpu.memory_space<vmem_shared>>
        tpu.enqueue_dma source(%dma_start3A_114 : memref<8x128xf32, #tpu.memory_space<vmem_shared>>) target(%dma_start3A_111 : memref<8x128xf32, #tpu.memory_space<vmem>>) target_semaphore(%run_scoped3A_100 : memref<!tpu.dma_semaphore, #tpu.memory_space<semaphore_mem>>)
        %dma_wait3A = arith.constant 0 : i32
        %dma_wait3A_115 = arith.constant 0 : i32
        %dma_wait3A_116 = tpu.memref_slice %arg9[%run_scoped3A_98, %dma_wait3A, %dma_wait3A_115] : memref<4x128x128xf32, #tpu.memory_space<vmem>> -> memref<1x8x128xf32, #tpu.memory_space<vmem>>
        %dma_wait3A_117 = tpu.memref_squeeze %dma_wait3A_116 : memref<1x8x128xf32, #tpu.memory_space<vmem>> -> memref<8x128xf32, #tpu.memory_space<vmem>>
        %dma_wait3A_118 = arith.constant 4992 : i32
        %dma_wait3A_119 = arith.constant 0 : i32
        %dma_wait3A_120 = tpu.memref_slice %arg10[%dma_wait3A_118, %dma_wait3A_119] : memref<5120x128xf32, #tpu.memory_space<vmem_shared>> -> memref<8x128xf32, #tpu.memory_space<vmem_shared>>
        %dma_wait3A_121 = arith.constant 0 : i32
        %dma_wait3A_122 = arith.constant 0 : i32
        %dma_wait3A_123 = tpu.memref_slice %arg9[%run_scoped3A_98, %dma_wait3A_121, %dma_wait3A_122] : memref<4x128x128xf32, #tpu.memory_space<vmem>> -> memref<1x8x128xf32, #tpu.memory_space<vmem>>
        %dma_wait3A_124 = tpu.memref_squeeze %dma_wait3A_123 : memref<1x8x128xf32, #tpu.memory_space<vmem>> -> memref<8x128xf32, #tpu.memory_space<vmem>>
        %dma_wait3A_125 = arith.constant 4992 : i32
        %dma_wait3A_126 = arith.constant 0 : i32
        %dma_wait3A_127 = tpu.memref_slice %arg10[%dma_wait3A_125, %dma_wait3A_126] : memref<5120x128xf32, #tpu.memory_space<vmem_shared>> -> memref<8x128xf32, #tpu.memory_space<vmem_shared>>
        tpu.wait_dma2 semaphore(%run_scoped3A_100 : memref<!tpu.dma_semaphore, #tpu.memory_space<semaphore_mem>>) src(%dma_wait3A_127 : memref<8x128xf32, #tpu.memory_space<vmem_shared>>) dst(%dma_wait3A_124 : memref<8x128xf32, #tpu.memory_space<vmem>>)
        tpu.yield
      }) : () -> ()
      %run_scoped3A_99 = arith.constant 0 : i32
      "tpu.region"() ({
        %run_scoped3A_100 = tpu.sem_alloc : memref<!tpu.dma_semaphore, #tpu.memory_space<semaphore_mem>>
        %dma_start3A_101 = arith.constant 0 : i32
        %dma_start3A_102 = arith.constant 0 : i32
        %dma_start3A_103 = tpu.memref_slice %arg9[%run_scoped3A_99, %dma_start3A_101, %dma_start3A_102] : memref<4x128x128xf32, #tpu.memory_space<vmem>> -> memref<1x8x128xf32, #tpu.memory_space<vmem>>
        %dma_start3A_104 = tpu.memref_squeeze %dma_start3A_103 : memref<1x8x128xf32, #tpu.memory_space<vmem>> -> memref<8x128xf32, #tpu.memory_space<vmem>>
        %dma_start3A_105 = arith.constant 4992 : i32
        %dma_start3A_106 = arith.constant 0 : i32
        %dma_start3A_107 = tpu.memref_slice %arg6[%arg0, %dma_start3A_105, %dma_start3A_106] : memref<2x5000x128xf32, #tpu.memory_space<hbm>> -> memref<1x8x128xf32, #tpu.memory_space<hbm>>
        %dma_start3A_108 = tpu.memref_squeeze %dma_start3A_107 : memref<1x8x128xf32, #tpu.memory_space<hbm>> -> memref<8x128xf32, #tpu.memory_space<hbm>>
        %dma_start3A_109 = arith.constant 4992 : i32
        %dma_start3A_110 = arith.constant 0 : i32
        %dma_start3A_111 = tpu.memref_slice %arg6[%arg0, %dma_start3A_109, %dma_start3A_110] : memref<2x5000x128xf32, #tpu.memory_space<hbm>> -> memref<1x8x128xf32, #tpu.memory_space<hbm>>
        %dma_start3A_112 = tpu.memref_squeeze %dma_start3A_111 : memref<1x8x128xf32, #tpu.memory_space<hbm>> -> memref<8x128xf32, #tpu.memory_space<hbm>>
        %dma_start3A_113 = arith.constant 0 : i32
        %dma_start3A_114 = arith.constant 0 : i32
        %dma_start3A_115 = tpu.memref_slice %arg9[%run_scoped3A_99, %dma_start3A_113, %dma_start3A_114] : memref<4x128x128xf32, #tpu.memory_space<vmem>> -> memref<1x8x128xf32, #tpu.memory_space<vmem>>
        %dma_start3A_116 = tpu.memref_squeeze %dma_start3A_115 : memref<1x8x128xf32, #tpu.memory_space<vmem>> -> memref<8x128xf32, #tpu.memory_space<vmem>>
        tpu.enqueue_dma source(%dma_start3A_116 : memref<8x128xf32, #tpu.memory_space<vmem>>) target(%dma_start3A_112 : memref<8x128xf32, #tpu.memory_space<hbm>>) target_semaphore(%run_scoped3A_100 : memref<!tpu.dma_semaphore, #tpu.memory_space<semaphore_mem>>)
        %dma_wait3A = arith.constant 0 : i32
        %dma_wait3A_117 = arith.constant 0 : i32
        %dma_wait3A_118 = tpu.memref_slice %arg9[%run_scoped3A_99, %dma_wait3A, %dma_wait3A_117] : memref<4x128x128xf32, #tpu.memory_space<vmem>> -> memref<1x8x128xf32, #tpu.memory_space<vmem>>
        %dma_wait3A_119 = tpu.memref_squeeze %dma_wait3A_118 : memref<1x8x128xf32, #tpu.memory_space<vmem>> -> memref<8x128xf32, #tpu.memory_space<vmem>>
        %dma_wait3A_120 = arith.constant 4992 : i32
        %dma_wait3A_121 = arith.constant 0 : i32
        %dma_wait3A_122 = tpu.memref_slice %arg6[%arg0, %dma_wait3A_120, %dma_wait3A_121] : memref<2x5000x128xf32, #tpu.memory_space<hbm>> -> memref<1x8x128xf32, #tpu.memory_space<hbm>>
        %dma_wait3A_123 = tpu.memref_squeeze %dma_wait3A_122 : memref<1x8x128xf32, #tpu.memory_space<hbm>> -> memref<8x128xf32, #tpu.memory_space<hbm>>
        %dma_wait3A_124 = arith.constant 4992 : i32
        %dma_wait3A_125 = arith.constant 0 : i32
        %dma_wait3A_126 = tpu.memref_slice %arg6[%arg0, %dma_wait3A_124, %dma_wait3A_125] : memref<2x5000x128xf32, #tpu.memory_space<hbm>> -> memref<1x8x128xf32, #tpu.memory_space<hbm>>
        %dma_wait3A_127 = tpu.memref_squeeze %dma_wait3A_126 : memref<1x8x128xf32, #tpu.memory_space<hbm>> -> memref<8x128xf32, #tpu.memory_space<hbm>>
        %dma_wait3A_128 = arith.constant 0 : i32
        %dma_wait3A_129 = arith.constant 0 : i32
        %dma_wait3A_130 = tpu.memref_slice %arg9[%run_scoped3A_99, %dma_wait3A_128, %dma_wait3A_129] : memref<4x128x128xf32, #tpu.memory_space<vmem>> -> memref<1x8x128xf32, #tpu.memory_space<vmem>>
        %dma_wait3A_131 = tpu.memref_squeeze %dma_wait3A_130 : memref<1x8x128xf32, #tpu.memory_space<vmem>> -> memref<8x128xf32, #tpu.memory_space<vmem>>
        tpu.wait_dma2 semaphore(%run_scoped3A_100 : memref<!tpu.dma_semaphore, #tpu.memory_space<semaphore_mem>>) src(%dma_wait3A_131 : memref<8x128xf32, #tpu.memory_space<vmem>>) dst(%dma_wait3A_127 : memref<8x128xf32, #tpu.memory_space<hbm>>)
        tpu.yield
      }) : () -> ()
    } else {
    }
    return
  }
}

module attributes {stable_mosaic.version = 14 : i64} {
  func.func @_scale_body(%arg0: i32, %arg1: memref<1000x128xf32, #tpu.memory_space<vmem>>, %arg2: memref<1000x256xf32, #tpu.memory_space<vmem>>, %arg3: memref<2x1000x128xf32, #tpu.memory_space<vmem>>, %arg4: memref<1000x1xf32, #tpu.memory_space<vmem>>) attributes {dimension_semantics = [#tpu.dimension_semantics<arbitrary>], iteration_bounds = array<i64: 10>, scalar_prefetch = 0 : i64, scratch_operands = 0 : i64, tpu.core_type = #tpu.core_type<tc>, window_params = [{transform_indices = @transform_0, window_bounds = array<i64: 1000, 128>}, {transform_indices = @transform_1, window_bounds = array<i64: 1000, 256>}, {transform_indices = @transform_2, window_bounds = array<i64: 2, 1000, 128>}, {transform_indices = @transform_3, window_bounds = array<i64: 1000, 1>}]} {
    %get3A = arith.constant 0 : index
    %get3A_0 = arith.constant 0 : index
    %get3A_1 = vector.load %arg1[%get3A, %get3A_0] : memref<1000x128xf32, #tpu.memory_space<vmem>>, vector<1000x1xf32>
    %add3A = arith.constant 1.000000e+00 : f32
    %add3A_2 = vector.broadcast %add3A : f32 to vector<1000x1xf32>
    %add3A_3 = arith.addf %get3A_1, %add3A_2 : vector<1000x1xf32>
    %rsqrt3A = math.rsqrt %add3A_3 : vector<1000x1xf32>
    %get3A_4 = arith.constant 0 : index
    %get3A_5 = arith.constant 0 : index
    %get3A_6 = vector.load %arg2[%get3A_4, %get3A_5] : memref<1000x256xf32, #tpu.memory_space<vmem>>, vector<1000x256xf32>
    %mul3A = vector.broadcast %rsqrt3A : vector<1000x1xf32> to vector<1000x256xf32>
    %mul3A_7 = arith.mulf %get3A_6, %mul3A : vector<1000x256xf32>
    %slice3A = vector.extract_strided_slice %mul3A_7 {offsets = [0, 0], sizes = [1000, 128], strides = [1, 1]} : vector<1000x256xf32> to vector<1000x128xf32>
    %swap3A = arith.constant 0 : index
    %swap3A_8 = arith.constant 0 : index
    %swap3A_9 = arith.constant 0 : index
    %swap3A_10 = vector.load %arg3[%swap3A, %swap3A_8, %swap3A_9] : memref<2x1000x128xf32, #tpu.memory_space<vmem>>, vector<1x1000x128xf32>
    %swap3A_11 = vector.shape_cast %swap3A_10 : vector<1x1000x128xf32> to vector<1000x128xf32>
    %swap3A_12 = vector.shape_cast %slice3A : vector<1000x128xf32> to vector<1x1000x128xf32>
    tpu.vector_store %arg3[%swap3A, %swap3A_8, %swap3A_9], %swap3A_12 {strides = array<i32>} : memref<2x1000x128xf32, #tpu.memory_space<vmem>>, vector<1x1000x128xf32>,
    %slice3A_13 = vector.extract_strided_slice %mul3A_7 {offsets = [0, 128], sizes = [1000, 128], strides = [1, 1]} : vector<1000x256xf32> to vector<1000x128xf32>
    %swap3A_14 = arith.constant 1 : index
    %swap3A_15 = arith.constant 0 : index
    %swap3A_16 = arith.constant 0 : index
    %swap3A_17 = vector.load %arg3[%swap3A_14, %swap3A_15, %swap3A_16] : memref<2x1000x128xf32, #tpu.memory_space<vmem>>, vector<1x1000x128xf32>
    %swap3A_18 = vector.shape_cast %swap3A_17 : vector<1x1000x128xf32> to vector<1000x128xf32>
    %swap3A_19 = vector.shape_cast %slice3A_13 : vector<1000x128xf32> to vector<1x1000x128xf32>
    tpu.vector_store %arg3[%swap3A_14, %swap3A_15, %swap3A_16], %swap3A_19 {strides = array<i32>} : memref<2x1000x128xf32, #tpu.memory_space<vmem>>, vector<1x1000x128xf32>,
    %swap3A_20 = arith.constant 0 : index
    %swap3A_21 = arith.constant 0 : index
    %swap3A_22 = vector.load %arg4[%swap3A_20, %swap3A_21] : memref<1000x1xf32, #tpu.memory_space<vmem>>, vector<1000x1xf32>
    tpu.vector_store %arg4[%swap3A_20, %swap3A_21], %rsqrt3A {strides = array<i32>} : memref<1000x1xf32, #tpu.memory_space<vmem>>, vector<1000x1xf32>,
    return
  }
  func.func @transform_0(%arg0: i32) -> (i32, i32) {
    %c0_i32 = arith.constant 0 : i32
    %c0_i32_0 = arith.constant 0 : i32
    return %arg0, %c0_i32 : i32, i32
  }
  func.func @transform_1(%arg0: i32) -> (i32, i32) {
    %c0_i32 = arith.constant 0 : i32
    %c0_i32_0 = arith.constant 0 : i32
    return %arg0, %c0_i32 : i32, i32
  }
  func.func @transform_2(%arg0: i32) -> (i32, i32, i32) {
    %c0_i32 = arith.constant 0 : i32
    %c0_i32_0 = arith.constant 0 : i32
    %c0_i32_1 = arith.constant 0 : i32
    return %c0_i32, %arg0, %c0_i32_0 : i32, i32, i32
  }
  func.func @transform_3(%arg0: i32) -> (i32, i32) {
    %c0_i32 = arith.constant 0 : i32
    %c0_i32_0 = arith.constant 0 : i32
    return %arg0, %c0_i32 : i32, i32
  }
}

module attributes {stable_mosaic.version = 14 : i64} {
  func.func @_fold_body(%arg0: memref<256x256xf32, #tpu.memory_space<vmem>>, %arg1: memref<256x256xf32, #tpu.memory_space<vmem>>, %arg2: memref<1x256xf32, #tpu.memory_space<vmem>>, %arg3: memref<1x256xf32, #tpu.memory_space<vmem>>, %arg4: memref<256x256xf32, #tpu.memory_space<vmem>>, %arg5: memref<256x256xf32, #tpu.memory_space<vmem>>, %arg6: memref<1x256xf32, #tpu.memory_space<vmem>>, %arg7: memref<1x256xf32, #tpu.memory_space<vmem>>, %arg8: memref<256x256xf32, #tpu.memory_space<vmem>>, %arg9: memref<1x256xf32, #tpu.memory_space<vmem>>, %arg10: memref<256x256xf32, #tpu.memory_space<vmem>>, %arg11: memref<1x256xf32, #tpu.memory_space<vmem>>) attributes {dimension_semantics = [], scalar_prefetch = 0 : i64, scratch_operands = 0 : i64, tpu.core_type = #tpu.core_type<tc>} {
    %get3A = arith.constant 0 : index
    %get3A_0 = arith.constant 0 : index
    %get3A_1 = vector.load %arg0[%get3A, %get3A_0] : memref<256x256xf32, #tpu.memory_space<vmem>>, vector<256x256xf32>
    %get3A_2 = arith.constant 0 : index
    %get3A_3 = arith.constant 0 : index
    %get3A_4 = vector.load %arg1[%get3A_2, %get3A_3] : memref<256x256xf32, #tpu.memory_space<vmem>>, vector<256x256xf32>
    %dot_general3A = arith.constant dense<0.000000e+00> : vector<256x256xf32>
    %dot_general3A_5 = tpu.matmul %get3A_1, %get3A_4, %dot_general3A {dimension_numbers = #tpu.dot_dimension_numbers<[1], [0], [0], [1], [0, 0, 1, 1], [], []>, transpose_lhs_hint = false} : vector<256x256xf32>, vector<256x256xf32>, vector<256x256xf32> -> vector<256x256xf32>
    %swap3A = arith.constant 0 : index
    %swap3A_6 = arith.constant 0 : index
    %swap3A_7 = vector.load %arg8[%swap3A, %swap3A_6] : memref<256x256xf32, #tpu.memory_space<vmem>>, vector<256x256xf32>
    tpu.vector_store %arg8[%swap3A, %swap3A_6], %dot_general3A_5 {strides = array<i32>} : memref<256x256xf32, #tpu.memory_space<vmem>>, vector<256x256xf32>,
    %get3A_8 = arith.constant 0 : index
    %get3A_9 = arith.constant 0 : index
    %get3A_10 = vector.load %arg2[%get3A_8, %get3A_9] : memref<1x256xf32, #tpu.memory_space<vmem>>, vector<1x256xf32>
    %get3A_11 = arith.constant 0 : index
    %get3A_12 = arith.constant 0 : index
    %get3A_13 = vector.load %arg1[%get3A_11, %get3A_12] : memref<256x256xf32, #tpu.memory_space<vmem>>, vector<256x256xf32>
    %dot_general3A_14 = arith.constant dense<0.000000e+00> : vector<1x256xf32>
    %dot_general3A_15 = tpu.matmul %get3A_10, %get3A_13, %dot_general3A_14 {dimension_numbers = #tpu.dot_dimension_numbers<[1], [0], [0], [1], [0, 0, 1, 1], [], []>, transpose_lhs_hint = false} : vector<1x256xf32>, vector<256x256xf32>, vector<1x256xf32> -> vector<1x256xf32>
    %get3A_16 = arith.constant 0 : index
    %get3A_17 = arith.constant 0 : index
    %get3A_18 = vector.load %arg3[%get3A_16, %get3A_17] : memref<1x256xf32, #tpu.memory_space<vmem>>, vector<1x256xf32>
    %add3A = arith.addf %dot_general3A_15, %get3A_18 : vector<1x256xf32>
    %swap3A_19 = arith.constant 0 : index
    %swap3A_20 = arith.constant 0 : index
    %swap3A_21 = vector.load %arg9[%swap3A_19, %swap3A_20] : memref<1x256xf32, #tpu.memory_space<vmem>>, vector<1x256xf32>
    tpu.vector_store %arg9[%swap3A_19, %swap3A_20], %add3A {strides = array<i32>} : memref<1x256xf32, #tpu.memory_space<vmem>>, vector<1x256xf32>,
    %get3A_22 = arith.constant 0 : index
    %get3A_23 = arith.constant 0 : index
    %get3A_24 = vector.load %arg4[%get3A_22, %get3A_23] : memref<256x256xf32, #tpu.memory_space<vmem>>, vector<256x256xf32>
    %get3A_25 = arith.constant 0 : index
    %get3A_26 = arith.constant 0 : index
    %get3A_27 = vector.load %arg5[%get3A_25, %get3A_26] : memref<256x256xf32, #tpu.memory_space<vmem>>, vector<256x256xf32>
    %dot_general3A_28 = arith.constant dense<0.000000e+00> : vector<256x256xf32>
    %dot_general3A_29 = tpu.matmul %get3A_24, %get3A_27, %dot_general3A_28 {dimension_numbers = #tpu.dot_dimension_numbers<[1], [0], [0], [1], [0, 0, 1, 1], [], []>, transpose_lhs_hint = false} : vector<256x256xf32>, vector<256x256xf32>, vector<256x256xf32> -> vector<256x256xf32>
    %swap3A_30 = arith.constant 0 : index
    %swap3A_31 = arith.constant 0 : index
    %swap3A_32 = vector.load %arg10[%swap3A_30, %swap3A_31] : memref<256x256xf32, #tpu.memory_space<vmem>>, vector<256x256xf32>
    tpu.vector_store %arg10[%swap3A_30, %swap3A_31], %dot_general3A_29 {strides = array<i32>} : memref<256x256xf32, #tpu.memory_space<vmem>>, vector<256x256xf32>,
    %get3A_33 = arith.constant 0 : index
    %get3A_34 = arith.constant 0 : index
    %get3A_35 = vector.load %arg6[%get3A_33, %get3A_34] : memref<1x256xf32, #tpu.memory_space<vmem>>, vector<1x256xf32>
    %get3A_36 = arith.constant 0 : index
    %get3A_37 = arith.constant 0 : index
    %get3A_38 = vector.load %arg5[%get3A_36, %get3A_37] : memref<256x256xf32, #tpu.memory_space<vmem>>, vector<256x256xf32>
    %dot_general3A_39 = arith.constant dense<0.000000e+00> : vector<1x256xf32>
    %dot_general3A_40 = tpu.matmul %get3A_35, %get3A_38, %dot_general3A_39 {dimension_numbers = #tpu.dot_dimension_numbers<[1], [0], [0], [1], [0, 0, 1, 1], [], []>, transpose_lhs_hint = false} : vector<1x256xf32>, vector<256x256xf32>, vector<1x256xf32> -> vector<1x256xf32>
    %get3A_41 = arith.constant 0 : index
    %get3A_42 = arith.constant 0 : index
    %get3A_43 = vector.load %arg7[%get3A_41, %get3A_42] : memref<1x256xf32, #tpu.memory_space<vmem>>, vector<1x256xf32>
    %add3A_44 = arith.addf %dot_general3A_40, %get3A_43 : vector<1x256xf32>
    %swap3A_45 = arith.constant 0 : index
    %swap3A_46 = arith.constant 0 : index
    %swap3A_47 = vector.load %arg11[%swap3A_45, %swap3A_46] : memref<1x256xf32, #tpu.memory_space<vmem>>, vector<1x256xf32>
    tpu.vector_store %arg11[%swap3A_45, %swap3A_46], %add3A_44 {strides = array<i32>} : memref<1x256xf32, #tpu.memory_space<vmem>>, vector<1x256xf32>,
    return
  }
}

module attributes {stable_mosaic.version = 14 : i64} {
  func.func @_final_body(%arg0: i32, %arg1: memref<1000x128xf32, #tpu.memory_space<vmem>>, %arg2: memref<1000x128xf32, #tpu.memory_space<vmem>>, %arg3: memref<1x1000x128xf32, #tpu.memory_space<vmem>>, %arg4: memref<1x1000x128xf32, #tpu.memory_space<vmem>>, %arg5: memref<1000x1xf32, #tpu.memory_space<vmem>>, %arg6: memref<256x256xf32, #tpu.memory_space<vmem>>, %arg7: memref<1x256xf32, #tpu.memory_space<vmem>>, %arg8: memref<256x256xf32, #tpu.memory_space<vmem>>, %arg9: memref<1x256xf32, #tpu.memory_space<vmem>>, %arg10: memref<1000x256xf32, #tpu.memory_space<vmem>>) attributes {dimension_semantics = [#tpu.dimension_semantics<arbitrary>], iteration_bounds = array<i64: 10>, scalar_prefetch = 0 : i64, scratch_operands = 0 : i64, tpu.core_type = #tpu.core_type<tc>, window_params = [{transform_indices = @transform_0, window_bounds = array<i64: 1000, 128>}, {transform_indices = @transform_1, window_bounds = array<i64: 1000, 128>}, {transform_indices = @transform_2, window_bounds = array<i64: 1, 1000, 128>}, {transform_indices = @transform_3, window_bounds = array<i64: 1, 1000, 128>}, {transform_indices = @transform_4, window_bounds = array<i64: 1000, 1>}, {pipeline_mode = #tpu.pipeline_mode<synchronous>, transform_indices = @transform_5, window_bounds = array<i64: 256, 256>}, {pipeline_mode = #tpu.pipeline_mode<synchronous>, transform_indices = @transform_6, window_bounds = array<i64: 1, 256>}, {pipeline_mode = #tpu.pipeline_mode<synchronous>, transform_indices = @transform_7, window_bounds = array<i64: 256, 256>}, {pipeline_mode = #tpu.pipeline_mode<synchronous>, transform_indices = @transform_8, window_bounds = array<i64: 1, 256>}, {transform_indices = @transform_9, window_bounds = array<i64: 1000, 256>}]} {
    %get3A = arith.constant 0 : index
    %get3A_0 = arith.constant 0 : index
    %get3A_1 = vector.load %arg5[%get3A, %get3A_0] : memref<1000x1xf32, #tpu.memory_space<vmem>>, vector<1000x1xf32>
    %get3A_2 = arith.constant 0 : index
    %get3A_3 = arith.constant 0 : index
    %get3A_4 = vector.load %arg1[%get3A_2, %get3A_3] : memref<1000x128xf32, #tpu.memory_space<vmem>>, vector<1000x128xf32>
    %get3A_5 = arith.constant 0 : index
    %get3A_6 = arith.constant 0 : index
    %get3A_7 = arith.constant 0 : index
    %get3A_8 = vector.load %arg3[%get3A_5, %get3A_6, %get3A_7] : memref<1x1000x128xf32, #tpu.memory_space<vmem>>, vector<1x1000x128xf32>
    %get3A_9 = vector.shape_cast %get3A_8 : vector<1x1000x128xf32> to vector<1000x128xf32>
    %add3A = arith.addf %get3A_4, %get3A_9 : vector<1000x128xf32>
    %mul3A = vector.broadcast %get3A_1 : vector<1000x1xf32> to vector<1000x128xf32>
    %mul3A_10 = arith.mulf %add3A, %mul3A : vector<1000x128xf32>
    %get3A_11 = arith.constant 0 : index
    %get3A_12 = arith.constant 0 : index
    %get3A_13 = vector.load %arg2[%get3A_11, %get3A_12] : memref<1000x128xf32, #tpu.memory_space<vmem>>, vector<1000x128xf32>
    %get3A_14 = arith.constant 0 : index
    %get3A_15 = arith.constant 0 : index
    %get3A_16 = arith.constant 0 : index
    %get3A_17 = vector.load %arg4[%get3A_14, %get3A_15, %get3A_16] : memref<1x1000x128xf32, #tpu.memory_space<vmem>>, vector<1x1000x128xf32>
    %get3A_18 = vector.shape_cast %get3A_17 : vector<1x1000x128xf32> to vector<1000x128xf32>
    %add3A_19 = arith.addf %get3A_13, %get3A_18 : vector<1000x128xf32>
    %mul3A_20 = vector.broadcast %get3A_1 : vector<1000x1xf32> to vector<1000x128xf32>
    %mul3A_21 = arith.mulf %add3A_19, %mul3A_20 : vector<1000x128xf32>
    %get3A_22 = arith.constant 0 : index
    %get3A_23 = arith.constant 0 : index
    %get3A_24 = vector.load %arg6[%get3A_22, %get3A_23] : memref<256x256xf32, #tpu.memory_space<vmem>>, vector<256x256xf32>
    %get3A_25 = arith.constant 0 : index
    %get3A_26 = arith.constant 0 : index
    %get3A_27 = vector.load %arg8[%get3A_25, %get3A_26] : memref<256x256xf32, #tpu.memory_space<vmem>>, vector<256x256xf32>
    %slice3A = vector.extract_strided_slice %get3A_24 {offsets = [0, 0], sizes = [128, 256], strides = [1, 1]} : vector<256x256xf32> to vector<128x256xf32>
    %dot_general3A = arith.constant dense<0.000000e+00> : vector<1000x256xf32>
    %dot_general3A_28 = tpu.matmul %mul3A_10, %slice3A, %dot_general3A {dimension_numbers = #tpu.dot_dimension_numbers<[1], [0], [0], [1], [0, 0, 1, 1], [], []>, transpose_lhs_hint = false} : vector<1000x128xf32>, vector<128x256xf32>, vector<1000x256xf32> -> vector<1000x256xf32>
    %slice3A_29 = vector.extract_strided_slice %get3A_24 {offsets = [128, 0], sizes = [128, 256], strides = [1, 1]} : vector<256x256xf32> to vector<128x256xf32>
    %dot_general3A_30 = arith.constant dense<0.000000e+00> : vector<1000x256xf32>
    %dot_general3A_31 = tpu.matmul %mul3A_21, %slice3A_29, %dot_general3A_30 {dimension_numbers = #tpu.dot_dimension_numbers<[1], [0], [0], [1], [0, 0, 1, 1], [], []>, transpose_lhs_hint = false} : vector<1000x128xf32>, vector<128x256xf32>, vector<1000x256xf32> -> vector<1000x256xf32>
    %add3A_32 = arith.addf %dot_general3A_28, %dot_general3A_31 : vector<1000x256xf32>
    %get3A_33 = arith.constant 0 : index
    %get3A_34 = arith.constant 0 : index
    %get3A_35 = vector.load %arg7[%get3A_33, %get3A_34] : memref<1x256xf32, #tpu.memory_space<vmem>>, vector<1x256xf32>
    %add3A_36 = vector.broadcast %get3A_35 : vector<1x256xf32> to vector<1000x256xf32>
    %add3A_37 = arith.addf %add3A_32, %add3A_36 : vector<1000x256xf32>
    %slice3A_38 = vector.extract_strided_slice %get3A_27 {offsets = [0, 0], sizes = [128, 256], strides = [1, 1]} : vector<256x256xf32> to vector<128x256xf32>
    %dot_general3A_39 = arith.constant dense<0.000000e+00> : vector<1000x256xf32>
    %dot_general3A_40 = tpu.matmul %mul3A_10, %slice3A_38, %dot_general3A_39 {dimension_numbers = #tpu.dot_dimension_numbers<[1], [0], [0], [1], [0, 0, 1, 1], [], []>, transpose_lhs_hint = false} : vector<1000x128xf32>, vector<128x256xf32>, vector<1000x256xf32> -> vector<1000x256xf32>
    %slice3A_41 = vector.extract_strided_slice %get3A_27 {offsets = [128, 0], sizes = [128, 256], strides = [1, 1]} : vector<256x256xf32> to vector<128x256xf32>
    %dot_general3A_42 = arith.constant dense<0.000000e+00> : vector<1000x256xf32>
    %dot_general3A_43 = tpu.matmul %mul3A_21, %slice3A_41, %dot_general3A_42 {dimension_numbers = #tpu.dot_dimension_numbers<[1], [0], [0], [1], [0, 0, 1, 1], [], []>, transpose_lhs_hint = false} : vector<1000x128xf32>, vector<128x256xf32>, vector<1000x256xf32> -> vector<1000x256xf32>
    %add3A_44 = arith.addf %dot_general3A_40, %dot_general3A_43 : vector<1000x256xf32>
    %get3A_45 = arith.constant 0 : index
    %get3A_46 = arith.constant 0 : index
    %get3A_47 = vector.load %arg9[%get3A_45, %get3A_46] : memref<1x256xf32, #tpu.memory_space<vmem>>, vector<1x256xf32>
    %add3A_48 = vector.broadcast %get3A_47 : vector<1x256xf32> to vector<1000x256xf32>
    %add3A_49 = arith.addf %add3A_44, %add3A_48 : vector<1000x256xf32>
    %logistic3A = arith.negf %add3A_37 : vector<1000x256xf32>
    %logistic3A_50 = math.exp %logistic3A : vector<1000x256xf32>
    %logistic3A_51 = arith.constant 1.000000e+00 : f32
    %logistic3A_52 = vector.broadcast %logistic3A_51 : f32 to vector<1000x256xf32>
    %logistic3A_53 = arith.addf %logistic3A_52, %logistic3A_50 : vector<1000x256xf32>
    %logistic3A_54 = arith.divf %logistic3A_52, %logistic3A_53 : vector<1000x256xf32>
    %sub3A = arith.constant 1.000000e+00 : f32
    %sub3A_55 = vector.broadcast %sub3A : f32 to vector<1000x256xf32>
    %sub3A_56 = arith.subf %sub3A_55, %logistic3A_54 : vector<1000x256xf32>
    %tanh3A = math.tanh %add3A_49 : vector<1000x256xf32>
    %mul3A_57 = arith.mulf %sub3A_56, %tanh3A : vector<1000x256xf32>
    %swap3A = arith.constant 0 : index
    %swap3A_58 = arith.constant 0 : index
    %swap3A_59 = vector.load %arg10[%swap3A, %swap3A_58] : memref<1000x256xf32, #tpu.memory_space<vmem>>, vector<1000x256xf32>
    tpu.vector_store %arg10[%swap3A, %swap3A_58], %mul3A_57 {strides = array<i32>} : memref<1000x256xf32, #tpu.memory_space<vmem>>, vector<1000x256xf32>,
    return
  }
  func.func @transform_0(%arg0: i32) -> (i32, i32) {
    %c0_i32 = arith.constant 0 : i32
    %c0_i32_0 = arith.constant 0 : i32
    return %arg0, %c0_i32 : i32, i32
  }
  func.func @transform_1(%arg0: i32) -> (i32, i32) {
    %c0_i32 = arith.constant 0 : i32
    %c0_i32_0 = arith.constant 0 : i32
    return %arg0, %c0_i32 : i32, i32
  }
  func.func @transform_2(%arg0: i32) -> (i32, i32, i32) {
    %c0_i32 = arith.constant 0 : i32
    %c0_i32_0 = arith.constant 0 : i32
    %c0_i32_1 = arith.constant 0 : i32
    return %c0_i32, %arg0, %c0_i32_0 : i32, i32, i32
  }
  func.func @transform_3(%arg0: i32) -> (i32, i32, i32) {
    %c1_i32 = arith.constant 1 : i32
    %c0_i32 = arith.constant 0 : i32
    %c0_i32_0 = arith.constant 0 : i32
    return %c1_i32, %arg0, %c0_i32 : i32, i32, i32
  }
  func.func @transform_4(%arg0: i32) -> (i32, i32) {
    %c0_i32 = arith.constant 0 : i32
    %c0_i32_0 = arith.constant 0 : i32
    return %arg0, %c0_i32 : i32, i32
  }
  func.func @transform_5(%arg0: i32) -> (i32, i32) {
    %c0_i32 = arith.constant 0 : i32
    %c0_i32_0 = arith.constant 0 : i32
    %c0_i32_1 = arith.constant 0 : i32
    return %c0_i32, %c0_i32_0 : i32, i32
  }
  func.func @transform_6(%arg0: i32) -> (i32, i32) {
    %c0_i32 = arith.constant 0 : i32
    %c0_i32_0 = arith.constant 0 : i32
    %c0_i32_1 = arith.constant 0 : i32
    return %c0_i32, %c0_i32_0 : i32, i32
  }
  func.func @transform_7(%arg0: i32) -> (i32, i32) {
    %c0_i32 = arith.constant 0 : i32
    %c0_i32_0 = arith.constant 0 : i32
    %c0_i32_1 = arith.constant 0 : i32
    return %c0_i32, %c0_i32_0 : i32, i32
  }
  func.func @transform_8(%arg0: i32) -> (i32, i32) {
    %c0_i32 = arith.constant 0 : i32
    %c0_i32_0 = arith.constant 0 : i32
    %c0_i32_1 = arith.constant 0 : i32
    return %c0_i32, %c0_i32_0 : i32, i32
  }
  func.func @transform_9(%arg0: i32) -> (i32, i32) {
    %c0_i32 = arith.constant 0 : i32
    %c0_i32_0 = arith.constant 0 : i32
    return %arg0, %c0_i32 : i32, i32
  }
}

</mosaic_0001>

<sc_bundles>
// kernel: kernel.11.cloned.1.call-start
scs
__scs_entry_jumppad:
0x0: {  	(pc) =	sbr.rel $0x88, $3  }
0x1: {  	(tag) =	ssettag $0x0;
	lr =	simm.s32 $0x1  }
0x2: {  	[smem:$0x3F97] =	sst lr;
	_ =	strace $0xD0000000  }
0x3: {  	_ = 	snop  }
0x4: {  	_ = 	snop  }
0x5: {  	_ = 	snop  }
0x6: {  	_ = 	snop  }
0x7: {  	_ = 	snop  }
__scs_overlays_trampoline_lowered:
0x8: {  	[smem:$0x3FA6] =	sst s0  }
0x9: {  	[smem:$0x3FA7] =	sst s1  }
0xa: {  	[smem:$0x3FA8] =	sst s2  }
0xb: {  	[smem:$0x3FA9] =	sst s3  }
0xc: {  	[smem:$0x3FAA] =	sst s4  }
0xd: {  	[smem:$0x3FAB] =	sst s5  }
0xe: {  	[smem:$0x3FAC] =	sst s6  }
0xf: {  	[smem:$0x3FAD] =	sst s7  }
0x10: {  	[smem:$0x3FAE] =	sst s8  }
0x11: {  	[smem:$0x3FAF] =	sst s9;
	s0 =	simm.s32 @!p0 $0x0  }
0x12: {  	s1 =	sld [smem:$0x3F95];
	s0 =	simm.s32 @p0 $0x1  }
0x13: {  	[smem:$0x3FB0] =	sst s0;
	s0 =	simm.s32 @!p1 $0x0  }
0x14: {  	s2 =	sld [smem:$0x3F94];
	s0 =	simm.s32 @p1 $0x1  }
0x15: {  	[smem:$0x3FB1] =	sst s0;
	s0 =	simm.s32 @!p2 $0x0  }
0x16: {  	s3 =	sld [smem:$0x3FDB];
	s0 =	simm.s32 @p2 $0x1  }
0x17: {  	s4 =	simm.s32 $0x1BF5;
	[smem:$0x3FB3] =	sst s0  }
0x18: {  	s0 =	sld [smem:$0x3F96];
	_ =	swait.ge [sflag:s4], $0x0  }
0x19: {  	s7 =	sld [smem:$0x3F97]  }
0x1a: {  	s8 =	sadd.s32 $0xFFFFE003, lr  }
0x1b: {  	s9 =	sadd.s32 $0xFFFFFEF7, lr;
	s5 =	simm.s32 $0xFFFFFFFF;
	p2 =	slt.u32 s8, $0xFFFFF086  }
0x1c: {  	p1 =	slt.u32 s9, $0xF7A;
	s5 =	simm.s32 @!p2 $0x0  }
0x1d: {  	s5 =	simm.s32 @p1 $0x1;
	p0 =	seq.s32 s7, s2  }
0x1e: {  	s7 =	smul.u32 @!p0 $0xF7A, s2;
	p2 =	seq.s32 @!p0 s5, $0x0  }
0x1f: {  	s9 =	smul.u32 $0xF7A, s1;
	s8 =	simm.s32 @!p0 $0x1BF5;
	p2 =	por !p2, p0  }
0x20: {  	[sflag:s8] =	ssyncset.s32 @!p0 $0xFFFFF086;
	s6 =	sadd.s32 @!p0 s3, s7;
	s7 =	simm.s32 @!p0 $0x108  }
0x21: {  	s3 =	sadd.s32 s3, s9;
	s6 =	sadd.s32 @!p0 $0x88, s6;
	s7 =	simm.s32 @p2 $0x1082  }
0x22: {  	[simem:s7], [sflag:s8] =	dma.local @!p0 [hbm:s6], $0xF7A  }
0x23: {  	s9 =	sor.u32 $0xD0000000, s2;
	s6 =	simm.s32 $0x108;
	_ =	swait.ge @!p0 [sflag:s8], $0x0  }
0x24: {  	s3 =	sadd.s32 $0x88, s3;
	s6 =	simm.s32 @!p1 $0x1082;
	[sflag:s4] =	ssyncset.s32 $0xFFFFF086  }
0x25: {  	[simem:s6], [sflag:s4] =	dma.local [hbm:s3], $0xF7A  }
0x26: {  	[smem:$0x3F97] =	sst s1;
	(tag) =	ssettag s2;
	_ =	strace s9  }
0x27: {  	s1 =	sld [smem:$0x3FA7]  }
0x28: {  	s2 =	sld [smem:$0x3FA8]  }
0x29: {  	s4 =	sld [smem:$0x3FAA]  }
0x2a: {  	p0 =	seq.s32 s5, $0x0;
	s5 =	sld [smem:$0x3FAB]  }
0x2b: {  	s6 =	sld [smem:$0x3FAC]  }
0x2c: {  	s7 =	sld [smem:$0x3FAD]  }
0x2d: {  	s3 =	simm.s32 $0x108;
	s8 =	sld [smem:$0x3FAE]  }
0x2e: {  	s3 =	simm.s32 @!p0 $0x1082;
	s9 =	sld [smem:$0x3FAF]  }
0x2f: {  	lr =	sadd.s32 s0, s3;
	s0 =	sld [smem:$0x3FA6]  }
0x30: {  	s3 =	sld [smem:$0x3FA9]  }
0x31: {  	[smem:$0x3FB2] =	sst s10  }
0x32: {  	s10 =	sld [smem:$0x3FB0];
	_ =	sdelay $0x3  }
0x33: {  	p0 =	seq.s32 s10, $0x1;
	s10 =	sld [smem:$0x3FB2];
	_ =	sdelay $0x3  }
0x34: {  	[smem:$0x3FB2] =	sst s10  }
0x35: {  	s10 =	sld [smem:$0x3FB1];
	_ =	sdelay $0x3  }
0x36: {  	p1 =	seq.s32 s10, $0x1;
	s10 =	sld [smem:$0x3FB2];
	_ =	sdelay $0x3  }
0x37: {  	[smem:$0x3FB2] =	sst s10  }
0x38: {  	s10 =	sld [smem:$0x3FB3]  }
0x39: {  	_ = 	snop;
	(pc) =	sbr.ind lr, $3  }
0x3a: {  	_ = 	snop  }
0x3b: {  	_ = 	snop  }
0x3c: {  	p2 =	seq.s32 s10, $0x1;
	s10 =	sld [smem:$0x3FB2]  }
0x3d: {  	_ =	shalt  }
0x3e: {  	_ =	shalt  }
0x3f: {  	_ =	shalt  }
0x40: {  	_ =	shalt  }
0x41: {  	_ =	shalt  }
0x42: {  	_ =	shalt  }
0x43: {  	_ =	shalt  }
0x44: {  	_ =	shalt  }
0x45: {  	_ =	shalt  }
0x46: {  	_ =	shalt  }
0x47: {  	_ =	shalt  }
0x48: {  	_ =	shalt  }
0x49: {  	_ =	shalt  }
0x4a: {  	_ =	shalt  }
0x4b: {  	_ =	shalt  }
0x4c: {  	_ =	shalt  }
0x4d: {  	_ =	shalt  }
0x4e: {  	_ =	shalt  }
0x4f: {  	_ =	shalt  }
0x50: {  	_ =	shalt  }
0x51: {  	_ =	shalt  }
0x52: {  	_ =	shalt  }
0x53: {  	_ =	shalt  }
0x54: {  	_ =	shalt  }
0x55: {  	_ =	shalt  }
0x56: {  	_ =	shalt  }
0x57: {  	_ =	shalt  }
0x58: {  	_ =	shalt  }
0x59: {  	_ =	shalt  }
0x5a: {  	_ =	shalt  }
0x5b: {  	_ =	shalt  }
0x5c: {  	_ =	shalt  }
0x5d: {  	_ =	shalt  }
0x5e: {  	_ =	shalt  }
0x5f: {  	_ =	shalt  }
0x60: {  	_ =	shalt  }
0x61: {  	_ =	shalt  }
0x62: {  	_ =	shalt  }
0x63: {  	_ =	shalt  }
0x64: {  	_ =	shalt  }
0x65: {  	_ =	shalt  }
0x66: {  	_ =	shalt  }
0x67: {  	_ =	shalt  }
0x68: {  	_ =	shalt  }
0x69: {  	_ =	shalt  }
0x6a: {  	_ =	shalt  }
0x6b: {  	_ =	shalt  }
0x6c: {  	_ =	shalt  }
0x6d: {  	_ =	shalt  }
0x6e: {  	_ =	shalt  }
0x6f: {  	_ =	shalt  }
0x70: {  	_ =	shalt  }
0x71: {  	_ =	shalt  }
0x72: {  	_ =	shalt  }
0x73: {  	_ =	shalt  }
0x74: {  	_ =	shalt  }
0x75: {  	_ =	shalt  }
0x76: {  	_ =	shalt  }
0x77: {  	_ =	shalt  }
0x78: {  	_ =	shalt  }
0x79: {  	_ =	shalt  }
0x7a: {  	_ =	shalt  }
0x7b: {  	_ =	shalt  }
0x7c: {  	_ =	shalt  }
0x7d: {  	_ =	shalt  }
0x7e: {  	_ =	shalt  }
0x7f: {  	_ =	shalt  }
0x80: {  	_ =	shalt  }
0x81: {  	_ =	shalt  }
0x82: {  	_ =	shalt  }
0x83: {  	_ =	shalt  }
0x84: {  	_ =	shalt  }
0x85: {  	_ =	shalt  }
0x86: {  	_ =	shalt  }
0x87: {  	_ =	shalt  }
.Lfunc_end0:
.L_simem_size_0:
called_computation.1_lowered:
.L_overlay_start_0:
0x88: {  	s2 =	sld [smem:$0x3FD9]  }
0x89: {  	s3 =	sld [smem:$0x3FFE];
	_ =	sdelay $0x1  }
0x8a: {  	s1 =	srdreg.scid  }
0x8b: {  	s0 =	sand.u32 $0x1, s1  }
0x8c: {  	s17 =	sshll.u32 s0, $0xA;
	s2 =	sadd.s32 s3, s2  }
0x8d: {  	s2 =	sadd.s32 s2, s17  }
0x8e: {  	[smem:$0x3FBE] =	sst s2  }
0x8f: {  	_ = 	snop  }
0x90: {  	s18 =	sld [smem:$0x3FD0];
	(tm) =	ssettm $0x1  }
0x91: {  	s19 =	sld [smem:$0x3FFB];
	_ =	sdelay $0x3  }
0x92: {  	_ =	strace s19  }
0x93: {  	s2 =	sld [smem:$0x3FFC];
	_ =	sdelay $0x3  }
0x94: {  	_ =	strace s2  }
0x95: {  	s2 =	sld [smem:$0x3FFD];
	_ =	sdelay $0x3  }
0x96: {  	_ =	strace s2  }
0x97: {  	_ =	strace $0x8FFFFFFF  }
0x98: {  	s20 =	sld [smem:$0x3FDB];
	_ =	sdelay $0x1  }
0x99: {  	s4 =	simm.s32 $_scs_section_size  }
0x9a: {  	s5 =	simm.s32 $_size__tile_overlayer_lowered;
	s6 =	simm.s32 $_tile_overlayer_lowered  }
0x9b: {  	s7 =	simm.s32 $0x1BFF;
	s21 =	sshll.u32 s6, $0x1;
	s4 =	sadd.s32 s4, s20  }
0x9c: {  	s22 =	simm.s32 $0x0;
	s5 =	sshll.u32 s5, $0x1;
	s6 =	sadd.s32 s21, s4  }
0x9d: {  	[timem:s22], [sflag:s7] =	dma.local [hbm:s6], s5  }
0x9e: {  	_ =	swait.ge [sflag:s7], s5  }
0x9f: {  	s5 =	ssub.s32 $0x0, s5;
	[sflag:s7] =	ssyncset.done $0x0  }
0xa0: {  	[sflag:s7] =	ssyncadd.s32 s5;
	_ =	sdelay $0x1  }
0xa1: {  	s23 =	simm.s32 $0x1B8B  }
0xa2: {  	_ =	swait.ge [sflag:s23], $0x1  }
0xa3: {  	[sflag:s23] =	ssyncset.done $0x0  }
0xa4: {  	[sflag:s23] =	ssyncadd.s32 $0xFFFFFFFF  }
0xa5: {  	s5 =	sld [smem:$0x0]  }
0xa6: {  	s6 =	sand.u32 $0xFFFFFFFE, s1  }
0xa7: {  	p0 =	sne.s32 s1, s6  }
0xa8: {  	s6 =	sshll.u32 @p0 s6, $0xE  }
0xa9: {  	s6 =	sadd.s32 @p0 $0x11B8D, s6;
	s7 =	sshll.u32 @p0 s5, $0x11  }
0xaa: {  	s6 =	sor.u32 @p0 s7, s6  }
0xab: {  	[sflag:s6] =	ssyncadd.remote.s32 @p0 $0x1;
	_ =	sdelay $0x1  }
0xac: {  	s6 =	simm.s32 @p0 $0x1B8D  }
0xad: {  	_ =	swait.eq @p0 [sflag:s6], $0x1  }
0xae: {  	[sflag:s6] =	ssyncadd.s32 @p0 $0xFFFFFFFF  }
0xaf: {  	s7 =	sshll.u32 @!p0 s1, $0xE  }
0xb0: {  	s7 =	sor.u32 @!p0 $0x4000, s7;
	s6 =	simm.s32 @!p0 $0x1B8D  }
0xb1: {  	s5 =	sshll.u32 @!p0 s5, $0x11;
	s7 =	sadd.s32 @!p0 $0x11B8D, s7;
	_ =	swait.eq @!p0 [sflag:s6], $0x1  }
0xb2: {  	s5 =	sor.u32 @!p0 s5, s7;
	[sflag:s6] =	ssyncadd.s32 @!p0 $0xFFFFFFFF  }
0xb3: {  	s25 =	simm.s32 $0x1B8E;
	s24 =	sld [smem:$0x3FFE];
	[sflag:s5] =	ssyncadd.remote.s32 @!p0 $0x1  }
0xb4: {  	s26 =	simm.s32 $execute0_lowered;
	[smem:$0x3FD2] =	sst s25  }
0xb5: {  	s6 =	sshll.u32 s26, $0x1;
	_ =	strace $0x8000004C;
	[dreg:$0x1] =	wrdreg $0xFFFFFFFF  }
0xb6: {  	s28 =	simm.s32 $_size_execute0_lowered;
	s4 =	sadd.s32 s4, s6;
	[dreg:$0x0] =	wrdreg $0x0  }
0xb7: {  	s6 =	sshll.u32 s28, $0x1;
	[dreg:$0x2] =	wrdreg s4  }
0xb8: {  	[dreg:$0x3] =	wrdreg s6  }
0xb9: {  	[dreg:$0x4] =	wrdreg $0xC0  }
0xba: {  	_ =	task [dreg:s22], $0x5FFFF  }
0xbb: {  	[dreg:$0x1] =	wrdreg $0xFFFFFFFF  }
0xbc: {  	[dreg:$0x0] =	wrdreg $0x60  }
0xbd: {  	[dreg:$0x2] =	wrdreg s24  }
0xbe: {  	[dreg:$0x3] =	wrdreg s18  }
0xbf: {  	[dreg:$0x4] =	wrdreg $0x150000  }
0xc0: {  	[dreg:$0x5] =	wrdreg $0x9  }
0xc1: {  	_ =	task.clear_ibuf [dreg:s22], $0x6FFFF;
	_ =	strace $0x9000004C  }
0xc2: {  	s29 =	simm.s32 $0x9;
	_ =	strace $0x8000004E  }
0xc3: {  	_ =	swait.ge [sflag:s29], $0x1  }
0xc4: {  	[sflag:s29] =	ssyncadd.s32 $0xFFFFFFFF  }
0xc5: {  	_ =	strace $0x9000004E  }
0xc6: {  	_ =	sfence  }
0xc7: {  	s30 =	sld [smem:$0x0];
	_ =	sdelay $0x2  }
0xc8: {  	s31 =	sshll.u32 s1, $0xD;
	s1 =	sshrl.u32 s1, $0x2  }
0xc9: {  	s4 =	sand.u32 $0x4000, s31;
	s1 =	sadd.s32 s1, s30  }
0xca: {  	s0 =	sor.u32 s4, s0;
	s1 =	sshll.u32 s1, $0x11  }
0xcb: {  	s0 =	sor.u32 s1, s0  }
0xcc: {  	s0 =	sadd.s32 $0x8F2B, s0  }
0xcd: {  	[sflag:s0] =	ssyncadd.remote.s32 $0x1  }
0xce: {  	_ =	sfence.sel $0xFFFF  }
0xcf: {  	[dreg:$0x0] =	wrdreg $0xFFFFFFFF;
	(pc) =	sbr.abs _section_cstart, $3  }
0xd0: {  	[dreg:$0x1] =	wrdreg $0xFFFFFFFF  }
0xd1: {  	_ =	task.clear_ibuf [dreg:s22], $0x2FFFF;
	_ =	strace $0x9FFFFFFF  }
0xd2: {  	(tm) =	ssettm $0x7FFFFFFF  }
0xd3: {  	_ =	shalt  }
tec
execute0_lowered:
.L_overlay_start_1:
0x0: {  	(tag) =	ssettag $0x1  }
0x1: {  	s0 =	stileid.u32;
	s4 =	rddreg [dreg:$0x0]  }
0x2: {  	s1 =	srdreg.scid;
	s17 =	rddreg [dreg:$0x1]  }
0x3: {  	s2 =	simm.s32 $0x0;
	s28 =	simm.s32 $0x11000;
	s3 =	smul.u32 $0x2800, s0  }
0x4: {  	s29 =	simm.s32 $0x1;
	s30 =	simm.s32 $0x2;
	s9 =	smul.u32 $0x28000, s0  }
0x5: {  	s5 =	sand.u32 $0x1, s1;
	s1 =	rddreg [dreg:$0x2];
	s11 =	smul.u32 $0x27000, s0  }
0x6: {  	s31 =	simm.s32 $0x3;
	[smem:$0x7FF] =	sst s2;
	s12 =	smul.u32 $0x9C00, s0  }
0x7: {  	p0 =	sne.s32 s0, $0x0;
	s0 =	simm.s32 $0x4;
	s6 =	smul.u32 $0x28000, s5  }
0x8: {  	_ =	strace $0x8000004D;
	s21 =	ssub.s32 $0x2, s5;
	s15 =	smul.u32 $0x9C400, s5  }
0x9: {  	s10 =	sshrl.u32 s21, $0x1;
	s22 =	sshrl.u32 s9, $0x2;
	s23 =	sshrl.u32 s11, $0x2  }
0xa: {  	s13 =	sadd.s32 $0x4000, s12;
	s16 =	sadd.s32 $0x8000, s12;
	s6 =	sadd.s32 s3, s6  }
0xb: {  	s3 =	sshrl.u32 s3, $0x3;
	s18 =	ssub.s32 s21, s10;
	s24 =	sadd.s32 s12, s15  }
0xc: {  	s10 =	sadd.s32 s23, s1;
	s14 =	sadd.s32 s15, s13;
	s12 =	sadd.s32 s13, s1  }
0xd: {  	s19 =	sadd.s32 s15, s16;
	s26 =	sshrl.u32 s15, $0x3;
	s21 =	simm.s32 $0x5000  }
0xe: {  	s23 =	simm.s32 $0x9000;
	s6 =	sshrl.u32 s6, $0x3;
	s7 =	sadd.s32 s3, s4  }
0xf: {  	s3 =	sadd.s32 $0x16A00, s4;
	s11 =	sshrl.u32 s24, $0x3;
	s14 =	sshrl.u32 s14, $0x3  }
0x10: {  	s25 =	sshrl.u32 s19, $0x3;
	s18 =	smax.u32 s18, $0x1;
	s19 =	simm.s32 $0x5  }
0x11: {  	s24 =	simm.s32 $0x0;
	s8 =	sadd.s32 s6, s4;
	s4 =	sadd.s32 $0x16200, s4  }
0x12: {  	s5 =	sadd.s32 $0x7200, s7;
	s6 =	sadd.s32 s22, s1;
	s11 =	sadd.s32 s17, s11  }
0x13: {  	s13 =	sadd.s32 s17, s14;
	s14 =	sadd.s32 s16, s1;
	s15 =	sadd.s32 s17, s25  }
0x14: {  	s16 =	sadd.s32 $0x9C000, s1;
	s17 =	sadd.s32 s17, s26;
	s22 =	simm.s32 $0x80  }
0x15: {  	s25 =	simm.s32 $0xD000;
	[dreg:$0x4] =	wrdreg s4;
	s7 =	sadd.s32 $0xC200, s8  }
0x16: {  	s8 =	sadd.s32 $0x4000, s6;
	s9 =	sadd.s32 $0x8000, s6;
	s17 =	sadd.s32 $0x13800, s17  }
.LBB2_1:
0x17: {  	[tilespmem:s2], [sflag:$0x5] =	stream.linear.gather [hbm4b:s5+s2], $0x2800, $0x38;
	[tilespmem:$0x1F000] =	vst v63  }
0x18: {  	_ =	swait.ge [sflag:s19], $0x2800  }
0x19: {  	[sflag:s19] =	ssyncset.done $0x0  }
0x1a: {  	s4 =	simm.s32 $0x2800;
	[sflag:s19] =	ssyncadd.s32 $0xFFFFD800  }
0x1b: {  	[tilespmem:s4], [sflag:$0x5] =	stream.linear.gather [hbm4b:s7+s2], $0x2800, $0x38;
	[tilespmem:$0x1F000] =	vst v63  }
0x1c: {  	_ =	swait.ge [sflag:s19], $0x2800  }
0x1d: {  	[sflag:s19] =	ssyncset.done $0x0  }
0x1e: {  	s26 =	rddreg [dreg:$0x4];
	[sflag:s19] =	ssyncadd.s32 $0xFFFFD800  }
0x1f: {  	[tilespmem:s21], [sflag:$0x5] =	stream.linear.gather [hbm4b:s26+s2], $0x4000, $0x38;
	[tilespmem:$0x1F000] =	vst v63  }
0x20: {  	_ =	swait.ge [sflag:s19], $0x4000  }
0x21: {  	[sflag:s19] =	ssyncset.done $0x0  }
0x22: {  	[sflag:s19] =	ssyncadd.s32 $0xFFFFC000  }
0x23: {  	[spmem:s6] =	stream.linear.scatter [tilespmem:s21], [sflag:$0x5], $0x4000, $0x38;
	[tilespmem:$0x1F000] =	vst v63  }
0x24: {  	_ =	swait.ge [sflag:s19], $0x4000  }
0x25: {  	[sflag:s19] =	ssyncset.done $0x0  }
0x26: {  	[sflag:s19] =	ssyncadd.s32 $0xFFFFC000  }
0x27: {  	[spmem:s8] =	stream.linear.scatter [tilespmem:s21], [sflag:$0x5], $0x4000, $0x38;
	[tilespmem:$0x1F000] =	vst v63  }
0x28: {  	_ =	swait.ge [sflag:s19], $0x4000  }
0x29: {  	[sflag:s19] =	ssyncset.done $0x0  }
0x2a: {  	[sflag:s19] =	ssyncadd.s32 $0xFFFFC000  }
0x2b: {  	[spmem:s9] =	stream.linear.scatter [tilespmem:s21], [sflag:$0x5], $0x2000, $0x38;
	[tilespmem:$0x1F000] =	vst v63  }
0x2c: {  	_ =	swait.ge [sflag:s19], $0x2000  }
0x2d: {  	[sflag:s19] =	ssyncset.done $0x0  }
0x2e: {  	[sflag:s19] =	ssyncadd.s32 $0xFFFFE000  }
0x2f: {  	[bflag:$0x0] =	sbarrier.arrive $0xFFFF  }
0x30: {  	[tilespmem:s21], [sflag:$0x1] =	stream.indirect.gather [hbm4b:s3+s22], $0x80, s2, s22, $0xb8;
	[tilespmem:$0x1F000] =	vst v63  }
0x31: {  	_ = 	snop  }
0x32: {  	[tilespmem:s23], [sflag:$0x2] =	stream.indirect.gather [hbm4b:s3+s22], $0x80, s22, s22, $0xb8;
	[tilespmem:$0x1F000] =	vst v63  }
0x33: {  	s20 =	simm.s32 $0x100  }
0x34: {  	[tilespmem:s25], [sflag:$0x3] =	stream.indirect.gather [hbm4b:s3+s22], $0x80, s20, s22, $0xb8;
	[tilespmem:$0x1F000] =	vst v63  }
0x35: {  	s26 =	simm.s32 $0x180  }
0x36: {  	[tilespmem:s28], [sflag:$0x4] =	stream.indirect.gather [hbm4b:s3+s22], $0x80, s26, s22, $0xb8;
	[tilespmem:$0x1F000] =	vst v63  }
0x37: {  	_ =	swait.ge [sflag:s29], $0x4000  }
0x38: {  	[sflag:s29] =	ssyncset.done $0x0  }
0x39: {  	s20 =	simm.s32 $0x2800;
	[sflag:s29] =	ssyncadd.s32 $0xFFFFC000  }
0x3a: {  	[spmem:s1] =	stream.indirect.scatter.add.f32 [tilespmem:s21], [sflag:$0x5], $0x80, s20, s22, $0xb8;
	[tilespmem:$0x1F000] =	vst v63  }
0x3b: {  	_ =	swait.ge [sflag:s19], $0x4000  }
0x3c: {  	[sflag:s19] =	ssyncset.done $0x0  }
0x3d: {  	s4 =	simm.s32 $0x200;
	[sflag:s19] =	ssyncadd.s32 $0xFFFFC000  }
0x3e: {  	[tilespmem:s21], [sflag:$0x1] =	stream.indirect.gather [hbm4b:s3+s22], $0x80, s4, s22, $0xb8;
	[tilespmem:$0x1F000] =	vst v63  }
0x3f: {  	_ =	swait.ge [sflag:s30], $0x4000  }
0x40: {  	[sflag:s30] =	ssyncset.done $0x0  }
0x41: {  	s26 =	simm.s32 $0x2880;
	[sflag:s30] =	ssyncadd.s32 $0xFFFFC000  }
0x42: {  	[spmem:s1] =	stream.indirect.scatter.add.f32 [tilespmem:s23], [sflag:$0x5], $0x80, s26, s22, $0xb8;
	[tilespmem:$0x1F000] =	vst v63  }
0x43: {  	_ =	swait.ge [sflag:s19], $0x4000  }
0x44: {  	[sflag:s19] =	ssyncset.done $0x0  }
0x45: {  	s4 =	simm.s32 $0x280;
	[sflag:s19] =	ssyncadd.s32 $0xFFFFC000  }
0x46: {  	[tilespmem:s23], [sflag:$0x2] =	stream.indirect.gather [hbm4b:s3+s22], $0x80, s4, s22, $0xb8;
	[tilespmem:$0x1F000] =	vst v63  }
0x47: {  	_ =	swait.ge [sflag:s31], $0x4000  }
0x48: {  	[sflag:s31] =	ssyncset.done $0x0  }
0x49: {  	s26 =	simm.s32 $0x2900;
	[sflag:s31] =	ssyncadd.s32 $0xFFFFC000  }
0x4a: {  	[spmem:s1] =	stream.indirect.scatter.add.f32 [tilespmem:s25], [sflag:$0x5], $0x80, s26, s22, $0xb8;
	[tilespmem:$0x1F000] =	vst v63  }
0x4b: {  	_ =	swait.ge [sflag:s19], $0x4000  }
0x4c: {  	[sflag:s19] =	ssyncset.done $0x0  }
0x4d: {  	s4 =	simm.s32 $0x300;
	[sflag:s19] =	ssyncadd.s32 $0xFFFFC000  }
0x4e: {  	[tilespmem:s25], [sflag:$0x3] =	stream.indirect.gather [hbm4b:s3+s22], $0x80, s4, s22, $0xb8;
	[tilespmem:$0x1F000] =	vst v63  }
0x4f: {  	_ =	swait.ge [sflag:s0], $0x4000  }
0x50: {  	[sflag:s0] =	ssyncset.done $0x0  }
0x51: {  	s26 =	simm.s32 $0x2980;
	[sflag:s0] =	ssyncadd.s32 $0xFFFFC000  }
0x52: {  	[spmem:s1] =	stream.indirect.scatter.add.f32 [tilespmem:s28], [sflag:$0x5], $0x80, s26, s22, $0xb8;
	[tilespmem:$0x1F000] =	vst v63  }
0x53: {  	_ =	swait.ge [sflag:s19], $0x4000  }
0x54: {  	[sflag:s19] =	ssyncset.done $0x0  }
0x55: {  	s20 =	simm.s32 $0x380;
	s26 =	simm.s32 $0x800;
	[sflag:s19] =	ssyncadd.s32 $0xFFFFC000  }
.LBB2_2:
0x56: {  	[tilespmem:s28], [sflag:$0x4] =	stream.indirect.gather [hbm4b:s3+s22], $0x80, s20, s22, $0xb8;
	[tilespmem:$0x1F000] =	vst v63  }
0x57: {  	s20 =	smov.u32 s26  }
0x58: {  	p1 =	sne.s32 s26, $0x9000;
	s26 =	sadd.s32 $0x800, s26;
	_ =	swait.ge [sflag:s29], $0x4000  }
0x59: {  	s20 =	sshra.s32 s20, $0x2;
	[sflag:s29] =	ssyncset.done $0x0  }
0x5a: {  	s4 =	sadd.s32 $0x2800, s20;
	[sflag:s29] =	ssyncadd.s32 $0xFFFFC000  }
0x5b: {  	[spmem:s1] =	stream.indirect.scatter.add.f32 [tilespmem:s21], [sflag:$0x5], $0x80, s4, s22, $0xb8;
	[tilespmem:$0x1F000] =	vst v63  }
0x5c: {  	_ =	swait.ge [sflag:s19], $0x4000  }
0x5d: {  	[sflag:s19] =	ssyncset.done $0x0  }
0x5e: {  	s4 =	sadd.s32 $0x200, s20;
	[sflag:s19] =	ssyncadd.s32 $0xFFFFC000  }
0x5f: {  	[tilespmem:s21], [sflag:$0x1] =	stream.indirect.gather [hbm4b:s3+s22], $0x80, s4, s22, $0xb8;
	[tilespmem:$0x1F000] =	vst v63  }
0x60: {  	_ =	swait.ge [sflag:s30], $0x4000  }
0x61: {  	[sflag:s30] =	ssyncset.done $0x0  }
0x62: {  	s4 =	sadd.s32 $0x2880, s20;
	[sflag:s30] =	ssyncadd.s32 $0xFFFFC000  }
0x63: {  	[spmem:s1] =	stream.indirect.scatter.add.f32 [tilespmem:s23], [sflag:$0x5], $0x80, s4, s22, $0xb8;
	[tilespmem:$0x1F000] =	vst v63  }
0x64: {  	_ =	swait.ge [sflag:s19], $0x4000  }
0x65: {  	[sflag:s19] =	ssyncset.done $0x0  }
0x66: {  	s4 =	sadd.s32 $0x280, s20;
	[sflag:s19] =	ssyncadd.s32 $0xFFFFC000  }
0x67: {  	[tilespmem:s23], [sflag:$0x2] =	stream.indirect.gather [hbm4b:s3+s22], $0x80, s4, s22, $0xb8;
	[tilespmem:$0x1F000] =	vst v63  }
0x68: {  	_ =	swait.ge [sflag:s31], $0x4000  }
0x69: {  	[sflag:s31] =	ssyncset.done $0x0  }
0x6a: {  	s4 =	sadd.s32 $0x2900, s20;
	[sflag:s31] =	ssyncadd.s32 $0xFFFFC000  }
0x6b: {  	[spmem:s1] =	stream.indirect.scatter.add.f32 [tilespmem:s25], [sflag:$0x5], $0x80, s4, s22, $0xb8;
	[tilespmem:$0x1F000] =	vst v63  }
0x6c: {  	_ =	swait.ge [sflag:s19], $0x4000  }
0x6d: {  	[sflag:s19] =	ssyncset.done $0x0  }
0x6e: {  	s4 =	sadd.s32 $0x300, s20;
	[sflag:s19] =	ssyncadd.s32 $0xFFFFC000  }
0x6f: {  	[tilespmem:s25], [sflag:$0x3] =	stream.indirect.gather [hbm4b:s3+s22], $0x80, s4, s22, $0xb8;
	[tilespmem:$0x1F000] =	vst v63  }
0x70: {  	_ =	swait.ge [sflag:s0], $0x4000  }
0x71: {  	[sflag:s0] =	ssyncset.done $0x0  }
.Ltmp0:
0x72: {  	s4 =	sadd.s32 $0x2980, s20;
	[sflag:s0] =	ssyncadd.s32 $0xFFFFC000;
	(pc) =	sbr.rel @p1 .LBB2_2-.Ltmp0, $4  }
0x73: {  	[spmem:s1] =	stream.indirect.scatter.add.f32 [tilespmem:s28], [sflag:$0x5], $0x80, s4, s22, $0xb8;
	[tilespmem:$0x1F000] =	vst v63  }
0x74: {  	_ =	swait.ge [sflag:s19], $0x4000  }
0x75: {  	[sflag:s19] =	ssyncset.done $0x0  }
0x76: {  	s20 =	sadd.s32 $0x380, s20;
	[sflag:s19] =	ssyncadd.s32 $0xFFFFC000  }
0x77: {  	[tilespmem:s28], [sflag:$0x4] =	stream.indirect.gather [hbm4b:s3+s22], $0x80, s20, s22, $0xb8;
	[tilespmem:$0x1F000] =	vst v63  }
0x78: {  	_ =	swait.ge [sflag:s29], $0x4000  }
0x79: {  	[sflag:s29] =	ssyncset.done $0x0  }
0x7a: {  	s4 =	simm.s32 $0x4E00;
	[sflag:s29] =	ssyncadd.s32 $0xFFFFC000  }
0x7b: {  	[spmem:s1] =	stream.indirect.scatter.add.f32 [tilespmem:s21], [sflag:$0x5], $0x80, s4, s22, $0xb8;
	[tilespmem:$0x1F000] =	vst v63  }
0x7c: {  	_ =	swait.ge [sflag:s19], $0x4000  }
0x7d: {  	[sflag:s19] =	ssyncset.done $0x0  }
0x7e: {  	[sflag:s19] =	ssyncadd.s32 $0xFFFFC000  }
0x7f: {  	_ =	swait.ge [sflag:s30], $0x4000  }
0x80: {  	[sflag:s30] =	ssyncset.done $0x0  }
0x81: {  	s26 =	simm.s32 $0x4E80;
	[sflag:s30] =	ssyncadd.s32 $0xFFFFC000  }
0x82: {  	[spmem:s1] =	stream.indirect.scatter.add.f32 [tilespmem:s23], [sflag:$0x5], $0x80, s26, s22, $0xb8;
	[tilespmem:$0x1F000] =	vst v63  }
0x83: {  	_ =	swait.ge [sflag:s19], $0x4000  }
0x84: {  	[sflag:s19] =	ssyncset.done $0x0  }
0x85: {  	[sflag:s19] =	ssyncadd.s32 $0xFFFFC000  }
0x86: {  	_ =	swait.ge [sflag:s31], $0x4000  }
0x87: {  	[sflag:s31] =	ssyncset.done $0x0  }
0x88: {  	s20 =	simm.s32 $0x4F00;
	[sflag:s31] =	ssyncadd.s32 $0xFFFFC000  }
0x89: {  	[spmem:s1] =	stream.indirect.scatter.add.f32 [tilespmem:s25], [sflag:$0x5], $0x80, s20, s22, $0xb8;
	[tilespmem:$0x1F000] =	vst v63  }
0x8a: {  	_ =	swait.ge [sflag:s19], $0x4000  }
0x8b: {  	[sflag:s19] =	ssyncset.done $0x0  }
0x8c: {  	[sflag:s19] =	ssyncadd.s32 $0xFFFFC000  }
0x8d: {  	_ =	swait.ge [sflag:s0], $0x4000  }
0x8e: {  	[sflag:s0] =	ssyncset.done $0x0  }
0x8f: {  	s26 =	simm.s32 $0x4F80;
	[sflag:s0] =	ssyncadd.s32 $0xFFFFC000  }
0x90: {  	[spmem:s1] =	stream.indirect.scatter.add.f32 [tilespmem:s28], [sflag:$0x5], $0x80, s26, s22, $0xb8;
	[tilespmem:$0x1F000] =	vst v63  }
0x91: {  	_ =	swait.ge [sflag:s19], $0x4000  }
0x92: {  	[sflag:s19] =	ssyncset.done $0x0  }
0x93: {  	[sflag:s19] =	ssyncadd.s32 $0xFFFFC000  }
0x94: {  	[bflag:$0x0] =	sbarrier.arrive $0xFFFF  }
0x95: {  	[tilespmem:s21], [sflag:$0x5] =	stream.linear.gather [spmem:s10], $0x4000, $0x38;
	[tilespmem:$0x1F000] =	vst v63  }
0x96: {  	_ =	swait.ge [sflag:s19], $0x4000  }
0x97: {  	[sflag:s19] =	ssyncset.done $0x0  }
0x98: {  	[sflag:s19] =	ssyncadd.s32 $0xFFFFC000  }
0x99: {  	[hbm4b:s11+s2] =	stream.linear.scatter [tilespmem:s21], [sflag:$0x5], $0x4000, $0x38;
	[tilespmem:$0x1F000] =	vst v63  }
0x9a: {  	_ =	swait.ge [sflag:s19], $0x4000  }
0x9b: {  	[sflag:s19] =	ssyncset.done $0x0  }
0x9c: {  	[sflag:s19] =	ssyncadd.s32 $0xFFFFC000  }
0x9d: {  	[tilespmem:s21], [sflag:$0x5] =	stream.linear.gather [spmem:s12], $0x4000, $0x38;
	[tilespmem:$0x1F000] =	vst v63  }
0x9e: {  	_ =	swait.ge [sflag:s19], $0x4000  }
0x9f: {  	[sflag:s19] =	ssyncset.done $0x0  }
0xa0: {  	[sflag:s19] =	ssyncadd.s32 $0xFFFFC000  }
0xa1: {  	[hbm4b:s13+s2] =	stream.linear.scatter [tilespmem:s21], [sflag:$0x5], $0x4000, $0x38;
	[tilespmem:$0x1F000] =	vst v63  }
0xa2: {  	_ =	swait.ge [sflag:s19], $0x4000  }
0xa3: {  	[sflag:s19] =	ssyncset.done $0x0  }
0xa4: {  	[sflag:s19] =	ssyncadd.s32 $0xFFFFC000  }
0xa5: {  	[tilespmem:s21], [sflag:$0x5] =	stream.linear.gather [spmem:s14], $0x1C00, $0x38;
	[tilespmem:$0x1F000] =	vst v63  }
0xa6: {  	_ =	swait.ge [sflag:s19], $0x1C00  }
0xa7: {  	[sflag:s19] =	ssyncset.done $0x0  }
0xa8: {  	[sflag:s19] =	ssyncadd.s32 $0xFFFFE400  }
0xa9: {  	[hbm4b:s15+s2] =	stream.linear.scatter [tilespmem:s21], [sflag:$0x5], $0x1C00, $0x38;
	[tilespmem:$0x1F000] =	vst v63  }
0xaa: {  	_ =	swait.ge [sflag:s19], $0x1C00  }
0xab: {  	[sflag:s19] =	ssyncset.done $0x0  }
0xac: {  	s4 =	simm.s32 @!p0 $0x5000;
	s20 =	simm.s32 @!p0 $0x5;
	[sflag:s19] =	ssyncadd.s32 $0xFFFFE400  }
0xad: {  	[tilespmem:s4], [sflag:$0x5] =	stream.linear.gather @!p0 [spmem:s16], $0x400, $0x38;
	[tilespmem:$0x1F000] =	vst v63  }
0xae: {  	s24 =	sadd.s32 $0x1, s24;
	_ =	swait.ge @!p0 [sflag:s20], $0x400  }
0xaf: {  	p1 =	sne.s32 s24, s18;
	[sflag:s20] =	ssyncset.done @!p0 $0x0  }
.Ltmp1:
0xb0: {  	s26 =	simm.s32 @!p0 $0x0;
	[sflag:s20] =	ssyncadd.s32 @!p0 $0xFFFFFC00;
	(pc) =	sbr.rel @p1 .LBB2_1-.Ltmp1, $4  }
0xb1: {  	[hbm4b:s17+s26] =	stream.linear.scatter @!p0 [tilespmem:s4], [sflag:$0x5], $0x400, $0x38;
	[tilespmem:$0x1F000] =	vst v63  }
0xb2: {  	_ =	swait.ge @!p0 [sflag:s20], $0x400  }
0xb3: {  	[sflag:s20] =	ssyncset.done @!p0 $0x0  }
0xb4: {  	[sflag:s20] =	ssyncadd.s32 @!p0 $0xFFFFFC00  }
0xb5: {  	_ =	sfence.sel $0x180000  }
0xb6: {  	[bflag:$0x0] =	sbarrier.arrive $0xFFFF  }
0xb7: {  	_ =	strace $0x9000004D  }
0xb8: {  	[bflag:$0x2] =	sbarrier.arrive $0xFFFF  }
0xb9: {  	s0 =	rddreg [dreg:$0x3]  }
0xba: {  	s0 =	sadd.s32 @!p0 $0x100000, s0  }
0xbb: {  	[sflag:s0] =	ssyncadd.tile.s32 @!p0 $0x1;
	_ =	shalt  }
.Lfunc_end2:
_tile_overlayer_lowered:
.L_overlay_start_2:
0xbc: {  	(tag) =	ssettag $0x2  }
0xbd: {  	s0 =	rddreg [dreg:$0x0];
	s2 =	stileid.u32  }
0xbe: {  	s1 =	rddreg [dreg:$0x1];
	p0 =	sne.s32 s2, $0x0  }
0xbf: {  	s3 =	rddreg [dreg:$0x2];
	[bflag:$0x3] =	sbarrier.arrive $0xFFFF;
	s2 =	simm.s32 @!p0 $0x1C05  }
0xc0: {  	[timem:s3], [sflag:s2] =	dma.local @!p0 [hbm:s0], s1  }
0xc1: {  	s0 =	simm.s32 @!p0 $0x5  }
0xc2: {  	_ =	swait.ge @!p0 [sflag:s0], s1  }
0xc3: {  	s1 =	ssub.s32 @!p0 $0x0, s1;
	[sflag:s0] =	ssyncset.done @!p0 $0x0  }
0xc4: {  	[sflag:s0] =	ssyncadd.s32 @!p0 s1  }
0xc5: {  	[bflag:$0x3] =	sbarrier.arrive $0xFFFF  }
0xc6: {  	_ =	shalt  }

// kernel: kernel.14.cloned.1.call-start
scs
__scs_entry_jumppad:
0x0: {  	(pc) =	sbr.rel $0x88, $3  }
0x1: {  	(tag) =	ssettag $0x0;
	lr =	simm.s32 $0x1  }
0x2: {  	[smem:$0x3F97] =	sst lr;
	_ =	strace $0xD0000000  }
0x3: {  	_ = 	snop  }
0x4: {  	_ = 	snop  }
0x5: {  	_ = 	snop  }
0x6: {  	_ = 	snop  }
0x7: {  	_ = 	snop  }
__scs_overlays_trampoline_lowered:
0x8: {  	[smem:$0x3FA6] =	sst s0  }
0x9: {  	[smem:$0x3FA7] =	sst s1  }
0xa: {  	[smem:$0x3FA8] =	sst s2  }
0xb: {  	[smem:$0x3FA9] =	sst s3  }
0xc: {  	[smem:$0x3FAA] =	sst s4  }
0xd: {  	[smem:$0x3FAB] =	sst s5  }
0xe: {  	[smem:$0x3FAC] =	sst s6  }
0xf: {  	[smem:$0x3FAD] =	sst s7  }
0x10: {  	[smem:$0x3FAE] =	sst s8  }
0x11: {  	[smem:$0x3FAF] =	sst s9;
	s0 =	simm.s32 @!p0 $0x0  }
0x12: {  	s1 =	sld [smem:$0x3F95];
	s0 =	simm.s32 @p0 $0x1  }
0x13: {  	[smem:$0x3FB0] =	sst s0;
	s0 =	simm.s32 @!p1 $0x0  }
0x14: {  	s2 =	sld [smem:$0x3F94];
	s0 =	simm.s32 @p1 $0x1  }
0x15: {  	[smem:$0x3FB1] =	sst s0;
	s0 =	simm.s32 @!p2 $0x0  }
0x16: {  	s3 =	sld [smem:$0x3FDB];
	s0 =	simm.s32 @p2 $0x1  }
0x17: {  	s4 =	simm.s32 $0x1BF5;
	[smem:$0x3FB3] =	sst s0  }
0x18: {  	s0 =	sld [smem:$0x3F96];
	_ =	swait.ge [sflag:s4], $0x0  }
0x19: {  	s7 =	sld [smem:$0x3F97]  }
0x1a: {  	s8 =	sadd.s32 $0xFFFFE003, lr  }
0x1b: {  	s9 =	sadd.s32 $0xFFFFFEF7, lr;
	s5 =	simm.s32 $0xFFFFFFFF;
	p2 =	slt.u32 s8, $0xFFFFF086  }
0x1c: {  	p1 =	slt.u32 s9, $0xF7A;
	s5 =	simm.s32 @!p2 $0x0  }
0x1d: {  	s5 =	simm.s32 @p1 $0x1;
	p0 =	seq.s32 s7, s2  }
0x1e: {  	s7 =	smul.u32 @!p0 $0xF7A, s2;
	p2 =	seq.s32 @!p0 s5, $0x0  }
0x1f: {  	s9 =	smul.u32 $0xF7A, s1;
	s8 =	simm.s32 @!p0 $0x1BF5;
	p2 =	por !p2, p0  }
0x20: {  	[sflag:s8] =	ssyncset.s32 @!p0 $0xFFFFF086;
	s6 =	sadd.s32 @!p0 s3, s7;
	s7 =	simm.s32 @!p0 $0x108  }
0x21: {  	s3 =	sadd.s32 s3, s9;
	s6 =	sadd.s32 @!p0 $0x88, s6;
	s7 =	simm.s32 @p2 $0x1082  }
0x22: {  	[simem:s7], [sflag:s8] =	dma.local @!p0 [hbm:s6], $0xF7A  }
0x23: {  	s9 =	sor.u32 $0xD0000000, s2;
	s6 =	simm.s32 $0x108;
	_ =	swait.ge @!p0 [sflag:s8], $0x0  }
0x24: {  	s3 =	sadd.s32 $0x88, s3;
	s6 =	simm.s32 @!p1 $0x1082;
	[sflag:s4] =	ssyncset.s32 $0xFFFFF086  }
0x25: {  	[simem:s6], [sflag:s4] =	dma.local [hbm:s3], $0xF7A  }
0x26: {  	[smem:$0x3F97] =	sst s1;
	(tag) =	ssettag s2;
	_ =	strace s9  }
0x27: {  	s1 =	sld [smem:$0x3FA7]  }
0x28: {  	s2 =	sld [smem:$0x3FA8]  }
0x29: {  	s4 =	sld [smem:$0x3FAA]  }
0x2a: {  	p0 =	seq.s32 s5, $0x0;
	s5 =	sld [smem:$0x3FAB]  }
0x2b: {  	s6 =	sld [smem:$0x3FAC]  }
0x2c: {  	s7 =	sld [smem:$0x3FAD]  }
0x2d: {  	s3 =	simm.s32 $0x108;
	s8 =	sld [smem:$0x3FAE]  }
0x2e: {  	s3 =	simm.s32 @!p0 $0x1082;
	s9 =	sld [smem:$0x3FAF]  }
0x2f: {  	lr =	sadd.s32 s0, s3;
	s0 =	sld [smem:$0x3FA6]  }
0x30: {  	s3 =	sld [smem:$0x3FA9]  }
0x31: {  	[smem:$0x3FB2] =	sst s10  }
0x32: {  	s10 =	sld [smem:$0x3FB0];
	_ =	sdelay $0x3  }
0x33: {  	p0 =	seq.s32 s10, $0x1;
	s10 =	sld [smem:$0x3FB2];
	_ =	sdelay $0x3  }
0x34: {  	[smem:$0x3FB2] =	sst s10  }
0x35: {  	s10 =	sld [smem:$0x3FB1];
	_ =	sdelay $0x3  }
0x36: {  	p1 =	seq.s32 s10, $0x1;
	s10 =	sld [smem:$0x3FB2];
	_ =	sdelay $0x3  }
0x37: {  	[smem:$0x3FB2] =	sst s10  }
0x38: {  	s10 =	sld [smem:$0x3FB3]  }
0x39: {  	_ = 	snop;
	(pc) =	sbr.ind lr, $3  }
0x3a: {  	_ = 	snop  }
0x3b: {  	_ = 	snop  }
0x3c: {  	p2 =	seq.s32 s10, $0x1;
	s10 =	sld [smem:$0x3FB2]  }
0x3d: {  	_ =	shalt  }
0x3e: {  	_ =	shalt  }
0x3f: {  	_ =	shalt  }
0x40: {  	_ =	shalt  }
0x41: {  	_ =	shalt  }
0x42: {  	_ =	shalt  }
0x43: {  	_ =	shalt  }
0x44: {  	_ =	shalt  }
0x45: {  	_ =	shalt  }
0x46: {  	_ =	shalt  }
0x47: {  	_ =	shalt  }
0x48: {  	_ =	shalt  }
0x49: {  	_ =	shalt  }
0x4a: {  	_ =	shalt  }
0x4b: {  	_ =	shalt  }
0x4c: {  	_ =	shalt  }
0x4d: {  	_ =	shalt  }
0x4e: {  	_ =	shalt  }
0x4f: {  	_ =	shalt  }
0x50: {  	_ =	shalt  }
0x51: {  	_ =	shalt  }
0x52: {  	_ =	shalt  }
0x53: {  	_ =	shalt  }
0x54: {  	_ =	shalt  }
0x55: {  	_ =	shalt  }
0x56: {  	_ =	shalt  }
0x57: {  	_ =	shalt  }
0x58: {  	_ =	shalt  }
0x59: {  	_ =	shalt  }
0x5a: {  	_ =	shalt  }
0x5b: {  	_ =	shalt  }
0x5c: {  	_ =	shalt  }
0x5d: {  	_ =	shalt  }
0x5e: {  	_ =	shalt  }
0x5f: {  	_ =	shalt  }
0x60: {  	_ =	shalt  }
0x61: {  	_ =	shalt  }
0x62: {  	_ =	shalt  }
0x63: {  	_ =	shalt  }
0x64: {  	_ =	shalt  }
0x65: {  	_ =	shalt  }
0x66: {  	_ =	shalt  }
0x67: {  	_ =	shalt  }
0x68: {  	_ =	shalt  }
0x69: {  	_ =	shalt  }
0x6a: {  	_ =	shalt  }
0x6b: {  	_ =	shalt  }
0x6c: {  	_ =	shalt  }
0x6d: {  	_ =	shalt  }
0x6e: {  	_ =	shalt  }
0x6f: {  	_ =	shalt  }
0x70: {  	_ =	shalt  }
0x71: {  	_ =	shalt  }
0x72: {  	_ =	shalt  }
0x73: {  	_ =	shalt  }
0x74: {  	_ =	shalt  }
0x75: {  	_ =	shalt  }
0x76: {  	_ =	shalt  }
0x77: {  	_ =	shalt  }
0x78: {  	_ =	shalt  }
0x79: {  	_ =	shalt  }
0x7a: {  	_ =	shalt  }
0x7b: {  	_ =	shalt  }
0x7c: {  	_ =	shalt  }
0x7d: {  	_ =	shalt  }
0x7e: {  	_ =	shalt  }
0x7f: {  	_ =	shalt  }
0x80: {  	_ =	shalt  }
0x81: {  	_ =	shalt  }
0x82: {  	_ =	shalt  }
0x83: {  	_ =	shalt  }
0x84: {  	_ =	shalt  }
0x85: {  	_ =	shalt  }
0x86: {  	_ =	shalt  }
0x87: {  	_ =	shalt  }
.Lfunc_end0:
.L_simem_size_0:
called_computation.2_lowered:
.L_overlay_start_0:
0x88: {  	s2 =	sld [smem:$0x3FD9]  }
0x89: {  	s3 =	sld [smem:$0x3FFE];
	_ =	sdelay $0x1  }
0x8a: {  	s1 =	srdreg.scid  }
0x8b: {  	s0 =	sand.u32 $0x1, s1  }
0x8c: {  	s16 =	sshll.u32 s0, $0xA;
	s2 =	sadd.s32 s3, s2  }
0x8d: {  	s2 =	sadd.s32 s2, s16  }
0x8e: {  	[smem:$0x3FBE] =	sst s2  }
0x8f: {  	_ = 	snop  }
0x90: {  	(tm) =	ssettm $0x1  }
0x91: {  	s17 =	sld [smem:$0x3FFB];
	_ =	sdelay $0x3  }
0x92: {  	_ =	strace s17  }
0x93: {  	s2 =	sld [smem:$0x3FFC];
	_ =	sdelay $0x3  }
0x94: {  	_ =	strace s2  }
0x95: {  	s2 =	sld [smem:$0x3FFD];
	_ =	sdelay $0x3  }
0x96: {  	_ =	strace s2  }
0x97: {  	_ =	strace $0x8FFFFFFF  }
0x98: {  	s18 =	sld [smem:$0x3FDB];
	_ =	sdelay $0x1  }
0x99: {  	s19 =	simm.s32 $_scs_section_size  }
0x9a: {  	s4 =	simm.s32 $_size__tile_overlayer_lowered;
	s5 =	simm.s32 $_tile_overlayer_lowered  }
0x9b: {  	s22 =	simm.s32 $0x1BFF;
	s21 =	sshll.u32 s5, $0x1;
	s2 =	sadd.s32 s19, s18  }
0x9c: {  	s6 =	simm.s32 $0x0;
	s20 =	sshll.u32 s4, $0x1;
	s4 =	sadd.s32 s21, s2  }
0x9d: {  	[timem:s6], [sflag:s22] =	dma.local [hbm:s4], s20  }
0x9e: {  	_ =	swait.ge [sflag:s22], s20  }
0x9f: {  	s3 =	ssub.s32 $0x0, s20;
	[sflag:s22] =	ssyncset.done $0x0  }
0xa0: {  	[sflag:s22] =	ssyncadd.s32 s3;
	_ =	sdelay $0x1  }
0xa1: {  	s23 =	simm.s32 $0x1B8B  }
0xa2: {  	_ =	swait.ge [sflag:s23], $0x1  }
0xa3: {  	[sflag:s23] =	ssyncset.done $0x0  }
0xa4: {  	s25 =	simm.s32 $0x1B8E;
	s24 =	sld [smem:$0x3FFE];
	[sflag:s23] =	ssyncadd.s32 $0xFFFFFFFF  }
0xa5: {  	s26 =	simm.s32 $execute0_lowered;
	[smem:$0x3FD2] =	sst s25  }
0xa6: {  	s4 =	sshll.u32 s26, $0x1;
	_ =	strace $0x80000049;
	[dreg:$0x1] =	wrdreg $0xFFFFFFFF  }
0xa7: {  	s28 =	simm.s32 $_size_execute0_lowered;
	s2 =	sadd.s32 s2, s4;
	[dreg:$0x0] =	wrdreg $0x0  }
0xa8: {  	s4 =	sshll.u32 s28, $0x1;
	[dreg:$0x2] =	wrdreg s2  }
0xa9: {  	[dreg:$0x3] =	wrdreg s4  }
0xaa: {  	[dreg:$0x4] =	wrdreg $0xC0  }
0xab: {  	_ =	task [dreg:s6], $0x5FFFF  }
0xac: {  	[dreg:$0x1] =	wrdreg $0xFFFFFFFF  }
0xad: {  	[dreg:$0x0] =	wrdreg $0x60  }
0xae: {  	[dreg:$0x2] =	wrdreg s24  }
0xaf: {  	[dreg:$0x3] =	wrdreg $0x150000  }
0xb0: {  	[dreg:$0x4] =	wrdreg $0xA  }
0xb1: {  	_ =	task.clear_ibuf [dreg:s6], $0x5FFFF;
	_ =	strace $0x90000049  }
0xb2: {  	s29 =	simm.s32 $0xA;
	_ =	strace $0x8000004B  }
0xb3: {  	_ =	swait.ge [sflag:s29], $0x1  }
0xb4: {  	[sflag:s29] =	ssyncadd.s32 $0xFFFFFFFF  }
0xb5: {  	_ =	strace $0x9000004B  }
0xb6: {  	_ =	sfence  }
0xb7: {  	s30 =	sld [smem:$0x0];
	_ =	sdelay $0x2  }
0xb8: {  	s31 =	sshll.u32 s1, $0xD;
	s1 =	sshrl.u32 s1, $0x2  }
0xb9: {  	s3 =	sand.u32 $0x4000, s31;
	s1 =	sadd.s32 s1, s30  }
0xba: {  	s0 =	sor.u32 s3, s0;
	s1 =	sshll.u32 s1, $0x11  }
0xbb: {  	s0 =	sor.u32 s1, s0  }
0xbc: {  	s0 =	sadd.s32 $0x8F2B, s0  }
0xbd: {  	[sflag:s0] =	ssyncadd.remote.s32 $0x1  }
0xbe: {  	_ =	sfence.sel $0xFFFF  }
0xbf: {  	[dreg:$0x0] =	wrdreg $0xFFFFFFFF;
	(pc) =	sbr.abs _section_cstart, $3  }
0xc0: {  	[dreg:$0x1] =	wrdreg $0xFFFFFFFF  }
0xc1: {  	_ =	task.clear_ibuf [dreg:s6], $0x2FFFF;
	_ =	strace $0x9FFFFFFF  }
0xc2: {  	(tm) =	ssettm $0x7FFFFFFF  }
0xc3: {  	_ =	shalt  }
tec
execute0_lowered:
.L_overlay_start_1:
0x0: {  	(tag) =	ssettag $0x1  }
0x1: {  	s0 =	stileid.u32  }
0x2: {  	s1 =	srdreg.scid;
	s5 =	rddreg [dreg:$0x0];
	s2 =	simm.s32 $0x0  }
0x3: {  	s28 =	simm.s32 $0x11000;
	s29 =	simm.s32 $0x1;
	s30 =	simm.s32 $0x2  }
0x4: {  	s3 =	smul.u32 $0x2800, s0;
	s6 =	sand.u32 $0x1, s1;
	s1 =	rddreg [dreg:$0x1]  }
0x5: {  	s31 =	simm.s32 $0x3;
	[smem:$0x7FF] =	sst s2;
	s10 =	smul.u32 $0x28000, s0  }
0x6: {  	s20 =	sadd.s32 $0x16200, s5;
	s17 =	sadd.s32 $0x64C00, s5;
	s11 =	smul.u32 $0x27000, s0  }
0x7: {  	s12 =	smul.u32 $0x9C00, s0;
	p0 =	sne.s32 s0, $0x0;
	s0 =	simm.s32 $0x4  }
0x8: {  	s4 =	smul.u32 $0x28000, s6;
	_ =	strace $0x8000004A;
	s9 =	ssub.s32 $0x2, s6  }
0x9: {  	[dreg:$0x3] =	wrdreg s20;
	s15 =	smul.u32 $0x9C400, s6;
	s21 =	sshrl.u32 s9, $0x1  }
0xa: {  	s22 =	sshrl.u32 s10, $0x2;
	s23 =	sshrl.u32 s11, $0x2;
	s13 =	sadd.s32 $0x4000, s12  }
0xb: {  	s16 =	sadd.s32 $0x8000, s12;
	s4 =	sadd.s32 s3, s4;
	s3 =	sshrl.u32 s3, $0x3  }
0xc: {  	s18 =	ssub.s32 s9, s21;
	s6 =	sadd.s32 s22, s1;
	s24 =	sadd.s32 s12, s15  }
0xd: {  	s10 =	sadd.s32 s23, s1;
	s14 =	sadd.s32 s15, s13;
	s12 =	sadd.s32 s13, s1  }
0xe: {  	s19 =	sadd.s32 s15, s16;
	s26 =	sshrl.u32 s15, $0x3;
	s21 =	simm.s32 $0x5000  }
0xf: {  	s22 =	simm.s32 $0x80;
	s23 =	simm.s32 $0x9000;
	s4 =	sshrl.u32 s4, $0x3  }
0x10: {  	s7 =	sadd.s32 s3, s5;
	s3 =	sadd.s32 $0x16A00, s5;
	s9 =	sadd.s32 $0x8000, s6  }
0x11: {  	s11 =	sshrl.u32 s24, $0x3;
	s14 =	sshrl.u32 s14, $0x3;
	s25 =	sshrl.u32 s19, $0x3  }
0x12: {  	s18 =	smax.u32 s18, $0x1;
	s19 =	simm.s32 $0x5;
	s24 =	simm.s32 $0x0  }
0x13: {  	s8 =	sadd.s32 s4, s5;
	s5 =	sadd.s32 $0x2200, s7;
	s11 =	sadd.s32 s17, s11  }
0x14: {  	s13 =	sadd.s32 s17, s14;
	s14 =	sadd.s32 s16, s1;
	s15 =	sadd.s32 s17, s25  }
0x15: {  	s16 =	sadd.s32 $0x9C000, s1;
	s17 =	sadd.s32 s17, s26;
	s25 =	simm.s32 $0xD000  }
0x16: {  	s7 =	sadd.s32 $0xC200, s8;
	s8 =	sadd.s32 $0x4000, s6;
	s17 =	sadd.s32 $0x13800, s17  }
.LBB2_1:
0x17: {  	[tilespmem:s2], [sflag:$0x5] =	stream.linear.gather [hbm4b:s5+s2], $0x2800, $0x38;
	[tilespmem:$0x1F000] =	vst v63  }
0x18: {  	_ =	swait.ge [sflag:s19], $0x2800  }
0x19: {  	[sflag:s19] =	ssyncset.done $0x0  }
0x1a: {  	s4 =	simm.s32 $0x2800;
	[sflag:s19] =	ssyncadd.s32 $0xFFFFD800  }
0x1b: {  	[tilespmem:s4], [sflag:$0x5] =	stream.linear.gather [hbm4b:s7+s2], $0x2800, $0x38;
	[tilespmem:$0x1F000] =	vst v63  }
0x1c: {  	_ =	swait.ge [sflag:s19], $0x2800  }
0x1d: {  	[sflag:s19] =	ssyncset.done $0x0  }
0x1e: {  	s26 =	rddreg [dreg:$0x3];
	[sflag:s19] =	ssyncadd.s32 $0xFFFFD800  }
0x1f: {  	[tilespmem:s21], [sflag:$0x5] =	stream.linear.gather [hbm4b:s26+s2], $0x4000, $0x38;
	[tilespmem:$0x1F000] =	vst v63  }
0x20: {  	_ =	swait.ge [sflag:s19], $0x4000  }
0x21: {  	[sflag:s19] =	ssyncset.done $0x0  }
0x22: {  	[sflag:s19] =	ssyncadd.s32 $0xFFFFC000  }
0x23: {  	[spmem:s6] =	stream.linear.scatter [tilespmem:s21], [sflag:$0x5], $0x4000, $0x38;
	[tilespmem:$0x1F000] =	vst v63  }
0x24: {  	_ =	swait.ge [sflag:s19], $0x4000  }
0x25: {  	[sflag:s19] =	ssyncset.done $0x0  }
0x26: {  	[sflag:s19] =	ssyncadd.s32 $0xFFFFC000  }
0x27: {  	[spmem:s8] =	stream.linear.scatter [tilespmem:s21], [sflag:$0x5], $0x4000, $0x38;
	[tilespmem:$0x1F000] =	vst v63  }
0x28: {  	_ =	swait.ge [sflag:s19], $0x4000  }
0x29: {  	[sflag:s19] =	ssyncset.done $0x0  }
0x2a: {  	[sflag:s19] =	ssyncadd.s32 $0xFFFFC000  }
0x2b: {  	[spmem:s9] =	stream.linear.scatter [tilespmem:s21], [sflag:$0x5], $0x2000, $0x38;
	[tilespmem:$0x1F000] =	vst v63  }
0x2c: {  	_ =	swait.ge [sflag:s19], $0x2000  }
0x2d: {  	[sflag:s19] =	ssyncset.done $0x0  }
0x2e: {  	[sflag:s19] =	ssyncadd.s32 $0xFFFFE000  }
0x2f: {  	[bflag:$0x0] =	sbarrier.arrive $0xFFFF  }
0x30: {  	[tilespmem:s21], [sflag:$0x1] =	stream.indirect.gather [hbm4b:s3+s22], $0x80, s2, s22, $0xb8;
	[tilespmem:$0x1F000] =	vst v63  }
0x31: {  	_ = 	snop  }
0x32: {  	[tilespmem:s23], [sflag:$0x2] =	stream.indirect.gather [hbm4b:s3+s22], $0x80, s22, s22, $0xb8;
	[tilespmem:$0x1F000] =	vst v63  }
0x33: {  	s20 =	simm.s32 $0x100  }
0x34: {  	[tilespmem:s25], [sflag:$0x3] =	stream.indirect.gather [hbm4b:s3+s22], $0x80, s20, s22, $0xb8;
	[tilespmem:$0x1F000] =	vst v63  }
0x35: {  	s26 =	simm.s32 $0x180  }
0x36: {  	[tilespmem:s28], [sflag:$0x4] =	stream.indirect.gather [hbm4b:s3+s22], $0x80, s26, s22, $0xb8;
	[tilespmem:$0x1F000] =	vst v63  }
0x37: {  	_ =	swait.ge [sflag:s29], $0x4000  }
0x38: {  	[sflag:s29] =	ssyncset.done $0x0  }
0x39: {  	s20 =	simm.s32 $0x2800;
	[sflag:s29] =	ssyncadd.s32 $0xFFFFC000  }
0x3a: {  	[spmem:s1] =	stream.indirect.scatter.add.f32 [tilespmem:s21], [sflag:$0x5], $0x80, s20, s22, $0xb8;
	[tilespmem:$0x1F000] =	vst v63  }
0x3b: {  	_ =	swait.ge [sflag:s19], $0x4000  }
0x3c: {  	[sflag:s19] =	ssyncset.done $0x0  }
0x3d: {  	s4 =	simm.s32 $0x200;
	[sflag:s19] =	ssyncadd.s32 $0xFFFFC000  }
0x3e: {  	[tilespmem:s21], [sflag:$0x1] =	stream.indirect.gather [hbm4b:s3+s22], $0x80, s4, s22, $0xb8;
	[tilespmem:$0x1F000] =	vst v63  }
0x3f: {  	_ =	swait.ge [sflag:s30], $0x4000  }
0x40: {  	[sflag:s30] =	ssyncset.done $0x0  }
0x41: {  	s26 =	simm.s32 $0x2880;
	[sflag:s30] =	ssyncadd.s32 $0xFFFFC000  }
0x42: {  	[spmem:s1] =	stream.indirect.scatter.add.f32 [tilespmem:s23], [sflag:$0x5], $0x80, s26, s22, $0xb8;
	[tilespmem:$0x1F000] =	vst v63  }
0x43: {  	_ =	swait.ge [sflag:s19], $0x4000  }
0x44: {  	[sflag:s19] =	ssyncset.done $0x0  }
0x45: {  	s4 =	simm.s32 $0x280;
	[sflag:s19] =	ssyncadd.s32 $0xFFFFC000  }
0x46: {  	[tilespmem:s23], [sflag:$0x2] =	stream.indirect.gather [hbm4b:s3+s22], $0x80, s4, s22, $0xb8;
	[tilespmem:$0x1F000] =	vst v63  }
0x47: {  	_ =	swait.ge [sflag:s31], $0x4000  }
0x48: {  	[sflag:s31] =	ssyncset.done $0x0  }
0x49: {  	s26 =	simm.s32 $0x2900;
	[sflag:s31] =	ssyncadd.s32 $0xFFFFC000  }
0x4a: {  	[spmem:s1] =	stream.indirect.scatter.add.f32 [tilespmem:s25], [sflag:$0x5], $0x80, s26, s22, $0xb8;
	[tilespmem:$0x1F000] =	vst v63  }
0x4b: {  	_ =	swait.ge [sflag:s19], $0x4000  }
0x4c: {  	[sflag:s19] =	ssyncset.done $0x0  }
0x4d: {  	s4 =	simm.s32 $0x300;
	[sflag:s19] =	ssyncadd.s32 $0xFFFFC000  }
0x4e: {  	[tilespmem:s25], [sflag:$0x3] =	stream.indirect.gather [hbm4b:s3+s22], $0x80, s4, s22, $0xb8;
	[tilespmem:$0x1F000] =	vst v63  }
0x4f: {  	_ =	swait.ge [sflag:s0], $0x4000  }
0x50: {  	[sflag:s0] =	ssyncset.done $0x0  }
0x51: {  	s26 =	simm.s32 $0x2980;
	[sflag:s0] =	ssyncadd.s32 $0xFFFFC000  }
0x52: {  	[spmem:s1] =	stream.indirect.scatter.add.f32 [tilespmem:s28], [sflag:$0x5], $0x80, s26, s22, $0xb8;
	[tilespmem:$0x1F000] =	vst v63  }
0x53: {  	_ =	swait.ge [sflag:s19], $0x4000  }
0x54: {  	[sflag:s19] =	ssyncset.done $0x0  }
0x55: {  	s20 =	simm.s32 $0x380;
	s26 =	simm.s32 $0x800;
	[sflag:s19] =	ssyncadd.s32 $0xFFFFC000  }
.LBB2_2:
0x56: {  	[tilespmem:s28], [sflag:$0x4] =	stream.indirect.gather [hbm4b:s3+s22], $0x80, s20, s22, $0xb8;
	[tilespmem:$0x1F000] =	vst v63  }
0x57: {  	s20 =	smov.u32 s26  }
0x58: {  	p1 =	sne.s32 s26, $0x9000;
	s26 =	sadd.s32 $0x800, s26;
	_ =	swait.ge [sflag:s29], $0x4000  }
0x59: {  	s20 =	sshra.s32 s20, $0x2;
	[sflag:s29] =	ssyncset.done $0x0  }
0x5a: {  	s4 =	sadd.s32 $0x2800, s20;
	[sflag:s29] =	ssyncadd.s32 $0xFFFFC000  }
0x5b: {  	[spmem:s1] =	stream.indirect.scatter.add.f32 [tilespmem:s21], [sflag:$0x5], $0x80, s4, s22, $0xb8;
	[tilespmem:$0x1F000] =	vst v63  }
0x5c: {  	_ =	swait.ge [sflag:s19], $0x4000  }
0x5d: {  	[sflag:s19] =	ssyncset.done $0x0  }
0x5e: {  	s4 =	sadd.s32 $0x200, s20;
	[sflag:s19] =	ssyncadd.s32 $0xFFFFC000  }
0x5f: {  	[tilespmem:s21], [sflag:$0x1] =	stream.indirect.gather [hbm4b:s3+s22], $0x80, s4, s22, $0xb8;
	[tilespmem:$0x1F000] =	vst v63  }
0x60: {  	_ =	swait.ge [sflag:s30], $0x4000  }
0x61: {  	[sflag:s30] =	ssyncset.done $0x0  }
0x62: {  	s4 =	sadd.s32 $0x2880, s20;
	[sflag:s30] =	ssyncadd.s32 $0xFFFFC000  }
0x63: {  	[spmem:s1] =	stream.indirect.scatter.add.f32 [tilespmem:s23], [sflag:$0x5], $0x80, s4, s22, $0xb8;
	[tilespmem:$0x1F000] =	vst v63  }
0x64: {  	_ =	swait.ge [sflag:s19], $0x4000  }
0x65: {  	[sflag:s19] =	ssyncset.done $0x0  }
0x66: {  	s4 =	sadd.s32 $0x280, s20;
	[sflag:s19] =	ssyncadd.s32 $0xFFFFC000  }
0x67: {  	[tilespmem:s23], [sflag:$0x2] =	stream.indirect.gather [hbm4b:s3+s22], $0x80, s4, s22, $0xb8;
	[tilespmem:$0x1F000] =	vst v63  }
0x68: {  	_ =	swait.ge [sflag:s31], $0x4000  }
0x69: {  	[sflag:s31] =	ssyncset.done $0x0  }
0x6a: {  	s4 =	sadd.s32 $0x2900, s20;
	[sflag:s31] =	ssyncadd.s32 $0xFFFFC000  }
0x6b: {  	[spmem:s1] =	stream.indirect.scatter.add.f32 [tilespmem:s25], [sflag:$0x5], $0x80, s4, s22, $0xb8;
	[tilespmem:$0x1F000] =	vst v63  }
0x6c: {  	_ =	swait.ge [sflag:s19], $0x4000  }
0x6d: {  	[sflag:s19] =	ssyncset.done $0x0  }
0x6e: {  	s4 =	sadd.s32 $0x300, s20;
	[sflag:s19] =	ssyncadd.s32 $0xFFFFC000  }
0x6f: {  	[tilespmem:s25], [sflag:$0x3] =	stream.indirect.gather [hbm4b:s3+s22], $0x80, s4, s22, $0xb8;
	[tilespmem:$0x1F000] =	vst v63  }
0x70: {  	_ =	swait.ge [sflag:s0], $0x4000  }
0x71: {  	[sflag:s0] =	ssyncset.done $0x0  }
.Ltmp0:
0x72: {  	s4 =	sadd.s32 $0x2980, s20;
	[sflag:s0] =	ssyncadd.s32 $0xFFFFC000;
	(pc) =	sbr.rel @p1 .LBB2_2-.Ltmp0, $4  }
0x73: {  	[spmem:s1] =	stream.indirect.scatter.add.f32 [tilespmem:s28], [sflag:$0x5], $0x80, s4, s22, $0xb8;
	[tilespmem:$0x1F000] =	vst v63  }
0x74: {  	_ =	swait.ge [sflag:s19], $0x4000  }
0x75: {  	[sflag:s19] =	ssyncset.done $0x0  }
0x76: {  	s20 =	sadd.s32 $0x380, s20;
	[sflag:s19] =	ssyncadd.s32 $0xFFFFC000  }
0x77: {  	[tilespmem:s28], [sflag:$0x4] =	stream.indirect.gather [hbm4b:s3+s22], $0x80, s20, s22, $0xb8;
	[tilespmem:$0x1F000] =	vst v63  }
0x78: {  	_ =	swait.ge [sflag:s29], $0x4000  }
0x79: {  	[sflag:s29] =	ssyncset.done $0x0  }
0x7a: {  	s4 =	simm.s32 $0x4E00;
	[sflag:s29] =	ssyncadd.s32 $0xFFFFC000  }
0x7b: {  	[spmem:s1] =	stream.indirect.scatter.add.f32 [tilespmem:s21], [sflag:$0x5], $0x80, s4, s22, $0xb8;
	[tilespmem:$0x1F000] =	vst v63  }
0x7c: {  	_ =	swait.ge [sflag:s19], $0x4000  }
0x7d: {  	[sflag:s19] =	ssyncset.done $0x0  }
0x7e: {  	[sflag:s19] =	ssyncadd.s32 $0xFFFFC000  }
0x7f: {  	_ =	swait.ge [sflag:s30], $0x4000  }
0x80: {  	[sflag:s30] =	ssyncset.done $0x0  }
0x81: {  	s26 =	simm.s32 $0x4E80;
	[sflag:s30] =	ssyncadd.s32 $0xFFFFC000  }
0x82: {  	[spmem:s1] =	stream.indirect.scatter.add.f32 [tilespmem:s23], [sflag:$0x5], $0x80, s26, s22, $0xb8;
	[tilespmem:$0x1F000] =	vst v63  }
0x83: {  	_ =	swait.ge [sflag:s19], $0x4000  }
0x84: {  	[sflag:s19] =	ssyncset.done $0x0  }
0x85: {  	[sflag:s19] =	ssyncadd.s32 $0xFFFFC000  }
0x86: {  	_ =	swait.ge [sflag:s31], $0x4000  }
0x87: {  	[sflag:s31] =	ssyncset.done $0x0  }
0x88: {  	s20 =	simm.s32 $0x4F00;
	[sflag:s31] =	ssyncadd.s32 $0xFFFFC000  }
0x89: {  	[spmem:s1] =	stream.indirect.scatter.add.f32 [tilespmem:s25], [sflag:$0x5], $0x80, s20, s22, $0xb8;
	[tilespmem:$0x1F000] =	vst v63  }
0x8a: {  	_ =	swait.ge [sflag:s19], $0x4000  }
0x8b: {  	[sflag:s19] =	ssyncset.done $0x0  }
0x8c: {  	[sflag:s19] =	ssyncadd.s32 $0xFFFFC000  }
0x8d: {  	_ =	swait.ge [sflag:s0], $0x4000  }
0x8e: {  	[sflag:s0] =	ssyncset.done $0x0  }
0x8f: {  	s26 =	simm.s32 $0x4F80;
	[sflag:s0] =	ssyncadd.s32 $0xFFFFC000  }
0x90: {  	[spmem:s1] =	stream.indirect.scatter.add.f32 [tilespmem:s28], [sflag:$0x5], $0x80, s26, s22, $0xb8;
	[tilespmem:$0x1F000] =	vst v63  }
0x91: {  	_ =	swait.ge [sflag:s19], $0x4000  }
0x92: {  	[sflag:s19] =	ssyncset.done $0x0  }
0x93: {  	[sflag:s19] =	ssyncadd.s32 $0xFFFFC000  }
0x94: {  	[bflag:$0x0] =	sbarrier.arrive $0xFFFF  }
0x95: {  	[tilespmem:s21], [sflag:$0x5] =	stream.linear.gather [spmem:s10], $0x4000, $0x38;
	[tilespmem:$0x1F000] =	vst v63  }
0x96: {  	_ =	swait.ge [sflag:s19], $0x4000  }
0x97: {  	[sflag:s19] =	ssyncset.done $0x0  }
0x98: {  	[sflag:s19] =	ssyncadd.s32 $0xFFFFC000  }
0x99: {  	[hbm4b:s11+s2] =	stream.linear.scatter [tilespmem:s21], [sflag:$0x5], $0x4000, $0x38;
	[tilespmem:$0x1F000] =	vst v63  }
0x9a: {  	_ =	swait.ge [sflag:s19], $0x4000  }
0x9b: {  	[sflag:s19] =	ssyncset.done $0x0  }
0x9c: {  	[sflag:s19] =	ssyncadd.s32 $0xFFFFC000  }
0x9d: {  	[tilespmem:s21], [sflag:$0x5] =	stream.linear.gather [spmem:s12], $0x4000, $0x38;
	[tilespmem:$0x1F000] =	vst v63  }
0x9e: {  	_ =	swait.ge [sflag:s19], $0x4000  }
0x9f: {  	[sflag:s19] =	ssyncset.done $0x0  }
0xa0: {  	[sflag:s19] =	ssyncadd.s32 $0xFFFFC000  }
0xa1: {  	[hbm4b:s13+s2] =	stream.linear.scatter [tilespmem:s21], [sflag:$0x5], $0x4000, $0x38;
	[tilespmem:$0x1F000] =	vst v63  }
0xa2: {  	_ =	swait.ge [sflag:s19], $0x4000  }
0xa3: {  	[sflag:s19] =	ssyncset.done $0x0  }
0xa4: {  	[sflag:s19] =	ssyncadd.s32 $0xFFFFC000  }
0xa5: {  	[tilespmem:s21], [sflag:$0x5] =	stream.linear.gather [spmem:s14], $0x1C00, $0x38;
	[tilespmem:$0x1F000] =	vst v63  }
0xa6: {  	_ =	swait.ge [sflag:s19], $0x1C00  }
0xa7: {  	[sflag:s19] =	ssyncset.done $0x0  }
0xa8: {  	[sflag:s19] =	ssyncadd.s32 $0xFFFFE400  }
0xa9: {  	[hbm4b:s15+s2] =	stream.linear.scatter [tilespmem:s21], [sflag:$0x5], $0x1C00, $0x38;
	[tilespmem:$0x1F000] =	vst v63  }
0xaa: {  	_ =	swait.ge [sflag:s19], $0x1C00  }
0xab: {  	[sflag:s19] =	ssyncset.done $0x0  }
0xac: {  	s4 =	simm.s32 @!p0 $0x5000;
	s20 =	simm.s32 @!p0 $0x5;
	[sflag:s19] =	ssyncadd.s32 $0xFFFFE400  }
0xad: {  	[tilespmem:s4], [sflag:$0x5] =	stream.linear.gather @!p0 [spmem:s16], $0x400, $0x38;
	[tilespmem:$0x1F000] =	vst v63  }
0xae: {  	s24 =	sadd.s32 $0x1, s24;
	_ =	swait.ge @!p0 [sflag:s20], $0x400  }
0xaf: {  	p1 =	sne.s32 s24, s18;
	[sflag:s20] =	ssyncset.done @!p0 $0x0  }
.Ltmp1:
0xb0: {  	s26 =	simm.s32 @!p0 $0x0;
	[sflag:s20] =	ssyncadd.s32 @!p0 $0xFFFFFC00;
	(pc) =	sbr.rel @p1 .LBB2_1-.Ltmp1, $4  }
0xb1: {  	[hbm4b:s17+s26] =	stream.linear.scatter @!p0 [tilespmem:s4], [sflag:$0x5], $0x400, $0x38;
	[tilespmem:$0x1F000] =	vst v63  }
0xb2: {  	_ =	swait.ge @!p0 [sflag:s20], $0x400  }
0xb3: {  	[sflag:s20] =	ssyncset.done @!p0 $0x0  }
0xb4: {  	[sflag:s20] =	ssyncadd.s32 @!p0 $0xFFFFFC00  }
0xb5: {  	_ =	sfence.sel $0x180000  }
0xb6: {  	[bflag:$0x0] =	sbarrier.arrive $0xFFFF  }
0xb7: {  	_ =	strace $0x9000004A  }
0xb8: {  	[bflag:$0x2] =	sbarrier.arrive $0xFFFF  }
0xb9: {  	s0 =	rddreg [dreg:$0x2]  }
0xba: {  	s0 =	sadd.s32 @!p0 $0x100000, s0  }
0xbb: {  	[sflag:s0] =	ssyncadd.tile.s32 @!p0 $0x1;
	_ =	shalt  }
.Lfunc_end2:
_tile_overlayer_lowered:
.L_overlay_start_2:
0xbc: {  	(tag) =	ssettag $0x2  }
0xbd: {  	s0 =	rddreg [dreg:$0x0];
	s2 =	stileid.u32  }
0xbe: {  	s1 =	rddreg [dreg:$0x1];
	p0 =	sne.s32 s2, $0x0  }
0xbf: {  	s3 =	rddreg [dreg:$0x2];
	[bflag:$0x3] =	sbarrier.arrive $0xFFFF;
	s2 =	simm.s32 @!p0 $0x1C05  }
0xc0: {  	[timem:s3], [sflag:s2] =	dma.local @!p0 [hbm:s0], s1  }
0xc1: {  	s0 =	simm.s32 @!p0 $0x5  }
0xc2: {  	_ =	swait.ge @!p0 [sflag:s0], s1  }
0xc3: {  	s1 =	ssub.s32 @!p0 $0x0, s1;
	[sflag:s0] =	ssyncset.done @!p0 $0x0  }
0xc4: {  	[sflag:s0] =	ssyncadd.s32 @!p0 s1  }
0xc5: {  	[bflag:$0x3] =	sbarrier.arrive $0xFFFF  }
0xc6: {  	_ =	shalt  }

// kernel: kernel.8.cloned.1.call-start
scs
__scs_entry_jumppad:
0x0: {  	(pc) =	sbr.rel $0x88, $3  }
0x1: {  	(tag) =	ssettag $0x0;
	lr =	simm.s32 $0x1  }
0x2: {  	[smem:$0x3F97] =	sst lr;
	_ =	strace $0xD0000000  }
0x3: {  	_ = 	snop  }
0x4: {  	_ = 	snop  }
0x5: {  	_ = 	snop  }
0x6: {  	_ = 	snop  }
0x7: {  	_ = 	snop  }
__scs_overlays_trampoline_lowered:
0x8: {  	[smem:$0x3FA6] =	sst s0  }
0x9: {  	[smem:$0x3FA7] =	sst s1  }
0xa: {  	[smem:$0x3FA8] =	sst s2  }
0xb: {  	[smem:$0x3FA9] =	sst s3  }
0xc: {  	[smem:$0x3FAA] =	sst s4  }
0xd: {  	[smem:$0x3FAB] =	sst s5  }
0xe: {  	[smem:$0x3FAC] =	sst s6  }
0xf: {  	[smem:$0x3FAD] =	sst s7  }
0x10: {  	[smem:$0x3FAE] =	sst s8  }
0x11: {  	[smem:$0x3FAF] =	sst s9;
	s0 =	simm.s32 @!p0 $0x0  }
0x12: {  	s1 =	sld [smem:$0x3F95];
	s0 =	simm.s32 @p0 $0x1  }
0x13: {  	[smem:$0x3FB0] =	sst s0;
	s0 =	simm.s32 @!p1 $0x0  }
0x14: {  	s2 =	sld [smem:$0x3F94];
	s0 =	simm.s32 @p1 $0x1  }
0x15: {  	[smem:$0x3FB1] =	sst s0;
	s0 =	simm.s32 @!p2 $0x0  }
0x16: {  	s3 =	sld [smem:$0x3FDB];
	s0 =	simm.s32 @p2 $0x1  }
0x17: {  	s4 =	simm.s32 $0x1BF5;
	[smem:$0x3FB3] =	sst s0  }
0x18: {  	s0 =	sld [smem:$0x3F96];
	_ =	swait.ge [sflag:s4], $0x0  }
0x19: {  	s7 =	sld [smem:$0x3F97]  }
0x1a: {  	s8 =	sadd.s32 $0xFFFFE003, lr  }
0x1b: {  	s9 =	sadd.s32 $0xFFFFFEF7, lr;
	s5 =	simm.s32 $0xFFFFFFFF;
	p2 =	slt.u32 s8, $0xFFFFF086  }
0x1c: {  	p1 =	slt.u32 s9, $0xF7A;
	s5 =	simm.s32 @!p2 $0x0  }
0x1d: {  	s5 =	simm.s32 @p1 $0x1;
	p0 =	seq.s32 s7, s2  }
0x1e: {  	s7 =	smul.u32 @!p0 $0xF7A, s2;
	p2 =	seq.s32 @!p0 s5, $0x0  }
0x1f: {  	s9 =	smul.u32 $0xF7A, s1;
	s8 =	simm.s32 @!p0 $0x1BF5;
	p2 =	por !p2, p0  }
0x20: {  	[sflag:s8] =	ssyncset.s32 @!p0 $0xFFFFF086;
	s6 =	sadd.s32 @!p0 s3, s7;
	s7 =	simm.s32 @!p0 $0x108  }
0x21: {  	s3 =	sadd.s32 s3, s9;
	s6 =	sadd.s32 @!p0 $0x88, s6;
	s7 =	simm.s32 @p2 $0x1082  }
0x22: {  	[simem:s7], [sflag:s8] =	dma.local @!p0 [hbm:s6], $0xF7A  }
0x23: {  	s9 =	sor.u32 $0xD0000000, s2;
	s6 =	simm.s32 $0x108;
	_ =	swait.ge @!p0 [sflag:s8], $0x0  }
0x24: {  	s3 =	sadd.s32 $0x88, s3;
	s6 =	simm.s32 @!p1 $0x1082;
	[sflag:s4] =	ssyncset.s32 $0xFFFFF086  }
0x25: {  	[simem:s6], [sflag:s4] =	dma.local [hbm:s3], $0xF7A  }
0x26: {  	[smem:$0x3F97] =	sst s1;
	(tag) =	ssettag s2;
	_ =	strace s9  }
0x27: {  	s1 =	sld [smem:$0x3FA7]  }
0x28: {  	s2 =	sld [smem:$0x3FA8]  }
0x29: {  	s4 =	sld [smem:$0x3FAA]  }
0x2a: {  	p0 =	seq.s32 s5, $0x0;
	s5 =	sld [smem:$0x3FAB]  }
0x2b: {  	s6 =	sld [smem:$0x3FAC]  }
0x2c: {  	s7 =	sld [smem:$0x3FAD]  }
0x2d: {  	s3 =	simm.s32 $0x108;
	s8 =	sld [smem:$0x3FAE]  }
0x2e: {  	s3 =	simm.s32 @!p0 $0x1082;
	s9 =	sld [smem:$0x3FAF]  }
0x2f: {  	lr =	sadd.s32 s0, s3;
	s0 =	sld [smem:$0x3FA6]  }
0x30: {  	s3 =	sld [smem:$0x3FA9]  }
0x31: {  	[smem:$0x3FB2] =	sst s10  }
0x32: {  	s10 =	sld [smem:$0x3FB0];
	_ =	sdelay $0x3  }
0x33: {  	p0 =	seq.s32 s10, $0x1;
	s10 =	sld [smem:$0x3FB2];
	_ =	sdelay $0x3  }
0x34: {  	[smem:$0x3FB2] =	sst s10  }
0x35: {  	s10 =	sld [smem:$0x3FB1];
	_ =	sdelay $0x3  }
0x36: {  	p1 =	seq.s32 s10, $0x1;
	s10 =	sld [smem:$0x3FB2];
	_ =	sdelay $0x3  }
0x37: {  	[smem:$0x3FB2] =	sst s10  }
0x38: {  	s10 =	sld [smem:$0x3FB3]  }
0x39: {  	_ = 	snop;
	(pc) =	sbr.ind lr, $3  }
0x3a: {  	_ = 	snop  }
0x3b: {  	_ = 	snop  }
0x3c: {  	p2 =	seq.s32 s10, $0x1;
	s10 =	sld [smem:$0x3FB2]  }
0x3d: {  	_ =	shalt  }
0x3e: {  	_ =	shalt  }
0x3f: {  	_ =	shalt  }
0x40: {  	_ =	shalt  }
0x41: {  	_ =	shalt  }
0x42: {  	_ =	shalt  }
0x43: {  	_ =	shalt  }
0x44: {  	_ =	shalt  }
0x45: {  	_ =	shalt  }
0x46: {  	_ =	shalt  }
0x47: {  	_ =	shalt  }
0x48: {  	_ =	shalt  }
0x49: {  	_ =	shalt  }
0x4a: {  	_ =	shalt  }
0x4b: {  	_ =	shalt  }
0x4c: {  	_ =	shalt  }
0x4d: {  	_ =	shalt  }
0x4e: {  	_ =	shalt  }
0x4f: {  	_ =	shalt  }
0x50: {  	_ =	shalt  }
0x51: {  	_ =	shalt  }
0x52: {  	_ =	shalt  }
0x53: {  	_ =	shalt  }
0x54: {  	_ =	shalt  }
0x55: {  	_ =	shalt  }
0x56: {  	_ =	shalt  }
0x57: {  	_ =	shalt  }
0x58: {  	_ =	shalt  }
0x59: {  	_ =	shalt  }
0x5a: {  	_ =	shalt  }
0x5b: {  	_ =	shalt  }
0x5c: {  	_ =	shalt  }
0x5d: {  	_ =	shalt  }
0x5e: {  	_ =	shalt  }
0x5f: {  	_ =	shalt  }
0x60: {  	_ =	shalt  }
0x61: {  	_ =	shalt  }
0x62: {  	_ =	shalt  }
0x63: {  	_ =	shalt  }
0x64: {  	_ =	shalt  }
0x65: {  	_ =	shalt  }
0x66: {  	_ =	shalt  }
0x67: {  	_ =	shalt  }
0x68: {  	_ =	shalt  }
0x69: {  	_ =	shalt  }
0x6a: {  	_ =	shalt  }
0x6b: {  	_ =	shalt  }
0x6c: {  	_ =	shalt  }
0x6d: {  	_ =	shalt  }
0x6e: {  	_ =	shalt  }
0x6f: {  	_ =	shalt  }
0x70: {  	_ =	shalt  }
0x71: {  	_ =	shalt  }
0x72: {  	_ =	shalt  }
0x73: {  	_ =	shalt  }
0x74: {  	_ =	shalt  }
0x75: {  	_ =	shalt  }
0x76: {  	_ =	shalt  }
0x77: {  	_ =	shalt  }
0x78: {  	_ =	shalt  }
0x79: {  	_ =	shalt  }
0x7a: {  	_ =	shalt  }
0x7b: {  	_ =	shalt  }
0x7c: {  	_ =	shalt  }
0x7d: {  	_ =	shalt  }
0x7e: {  	_ =	shalt  }
0x7f: {  	_ =	shalt  }
0x80: {  	_ =	shalt  }
0x81: {  	_ =	shalt  }
0x82: {  	_ =	shalt  }
0x83: {  	_ =	shalt  }
0x84: {  	_ =	shalt  }
0x85: {  	_ =	shalt  }
0x86: {  	_ =	shalt  }
0x87: {  	_ =	shalt  }
.Lfunc_end0:
.L_simem_size_0:
called_computation_lowered:
.L_overlay_start_0:
0x88: {  	s2 =	sld [smem:$0x3FD9]  }
0x89: {  	s3 =	sld [smem:$0x3FFE];
	_ =	sdelay $0x1  }
0x8a: {  	s1 =	srdreg.scid  }
0x8b: {  	s0 =	sand.u32 $0x1, s1  }
0x8c: {  	s17 =	sshll.u32 s0, $0xA;
	s2 =	sadd.s32 s3, s2  }
0x8d: {  	s2 =	sadd.s32 s2, s17  }
0x8e: {  	[smem:$0x3FBE] =	sst s2  }
0x8f: {  	_ = 	snop  }
0x90: {  	s2 =	sld [smem:$0x3FD0];
	(tm) =	ssettm $0x1  }
0x91: {  	s18 =	sld [smem:$0x3FFB];
	_ =	sdelay $0x3  }
0x92: {  	_ =	strace s18  }
0x93: {  	s3 =	sld [smem:$0x3FFC];
	_ =	sdelay $0x3  }
0x94: {  	_ =	strace s3  }
0x95: {  	s3 =	sld [smem:$0x3FFD];
	_ =	sdelay $0x3  }
0x96: {  	_ =	strace s3  }
0x97: {  	_ =	strace $0x8FFFFFFF  }
0x98: {  	s19 =	sld [smem:$0x3FDB];
	_ =	sdelay $0x1  }
0x99: {  	s4 =	simm.s32 $_scs_section_size  }
0x9a: {  	s5 =	simm.s32 $_size__tile_overlayer_lowered;
	s6 =	simm.s32 $_tile_overlayer_lowered  }
0x9b: {  	s22 =	simm.s32 $0x1BFF;
	s21 =	sshll.u32 s6, $0x1;
	s3 =	sadd.s32 s4, s19  }
0x9c: {  	s7 =	simm.s32 $0x0;
	s20 =	sshll.u32 s5, $0x1;
	s5 =	sadd.s32 s21, s3  }
0x9d: {  	[timem:s7], [sflag:s22] =	dma.local [hbm:s5], s20  }
0x9e: {  	_ =	swait.ge [sflag:s22], s20  }
0x9f: {  	s4 =	ssub.s32 $0x0, s20;
	[sflag:s22] =	ssyncset.done $0x0  }
0xa0: {  	[sflag:s22] =	ssyncadd.s32 s4;
	_ =	sdelay $0x1  }
0xa1: {  	s23 =	simm.s32 $0x1B8B  }
0xa2: {  	_ =	swait.ge [sflag:s23], $0x1  }
0xa3: {  	[sflag:s23] =	ssyncset.done $0x0  }
0xa4: {  	s25 =	simm.s32 $0x1B8E;
	s24 =	sld [smem:$0x3FFE];
	[sflag:s23] =	ssyncadd.s32 $0xFFFFFFFF  }
0xa5: {  	s26 =	simm.s32 $execute0_lowered;
	[smem:$0x3FD2] =	sst s25  }
0xa6: {  	s5 =	sshll.u32 s26, $0x1;
	_ =	strace $0x80000046;
	[dreg:$0x1] =	wrdreg $0xFFFFFFFF  }
0xa7: {  	s28 =	simm.s32 $_size_execute0_lowered;
	s3 =	sadd.s32 s3, s5;
	[dreg:$0x0] =	wrdreg $0x0  }
0xa8: {  	s5 =	sshll.u32 s28, $0x1;
	[dreg:$0x2] =	wrdreg s3  }
0xa9: {  	[dreg:$0x3] =	wrdreg s5  }
0xaa: {  	[dreg:$0x4] =	wrdreg $0xC0  }
0xab: {  	_ =	task [dreg:s7], $0x5FFFF  }
0xac: {  	[dreg:$0x1] =	wrdreg $0xFFFFFFFF  }
0xad: {  	[dreg:$0x0] =	wrdreg $0x60  }
0xae: {  	[dreg:$0x2] =	wrdreg s24  }
0xaf: {  	[dreg:$0x3] =	wrdreg s2  }
0xb0: {  	[dreg:$0x4] =	wrdreg $0x68000  }
0xb1: {  	[dreg:$0x5] =	wrdreg $0x9  }
0xb2: {  	_ =	task.clear_ibuf [dreg:s7], $0x6FFFF;
	_ =	strace $0x90000046  }
0xb3: {  	s29 =	simm.s32 $0x9;
	_ =	strace $0x80000048  }
0xb4: {  	_ =	swait.ge [sflag:s29], $0x1  }
0xb5: {  	[sflag:s29] =	ssyncadd.s32 $0xFFFFFFFF  }
0xb6: {  	_ =	strace $0x90000048  }
0xb7: {  	_ =	sfence  }
0xb8: {  	s30 =	sld [smem:$0x0];
	_ =	sdelay $0x2  }
0xb9: {  	s31 =	sshll.u32 s1, $0xD;
	s1 =	sshrl.u32 s1, $0x2  }
0xba: {  	s3 =	sand.u32 $0x4000, s31;
	s1 =	sadd.s32 s1, s30  }
0xbb: {  	s0 =	sor.u32 s3, s0;
	s1 =	sshll.u32 s1, $0x11  }
0xbc: {  	s0 =	sor.u32 s1, s0  }
0xbd: {  	s0 =	sadd.s32 $0x8F2B, s0  }
0xbe: {  	[sflag:s0] =	ssyncadd.remote.s32 $0x1  }
0xbf: {  	_ =	sfence.sel $0xFFFF  }
0xc0: {  	[dreg:$0x0] =	wrdreg $0xFFFFFFFF;
	(pc) =	sbr.abs _section_cstart, $3  }
0xc1: {  	[dreg:$0x1] =	wrdreg $0xFFFFFFFF  }
0xc2: {  	_ =	task.clear_ibuf [dreg:s7], $0x2FFFF;
	_ =	strace $0x9FFFFFFF  }
0xc3: {  	(tm) =	ssettm $0x7FFFFFFF  }
tec
execute0_lowered:
.L_overlay_start_1:
0x0: {  	(tag) =	ssettag $0x1  }
0x1: {  	s0 =	srdreg.scid;
	s4 =	rddreg [dreg:$0x0]  }
0x2: {  	s21 =	stileid.u32;
	s14 =	rddreg [dreg:$0x1]  }
0x3: {  	s1 =	rddreg [dreg:$0x2];
	s6 =	smul.u32 $0x2800, s21  }
0x4: {  	s2 =	simm.s32 $0x0;
	s19 =	simm.s32 $0x2800;
	s8 =	smul.u32 $0x28000, s21  }
0x5: {  	s5 =	sand.u32 $0x1, s0;
	s0 =	rddreg [dreg:$0x3];
	s12 =	smul.u32 $0x9C00, s21  }
0x6: {  	s20 =	simm.s32 $0x80;
	[smem:$0x7FF] =	sst s2;
	s29 =	smul.u32 $0x27000, s21  }
0x7: {  	p0 =	sne.s32 s21, $0x0;
	s21 =	simm.s32 $0x0;
	s3 =	smul.u32 $0x28000, s5  }
0x8: {  	_ =	strace $0x80000047;
	s7 =	ssub.s32 $0x2, s5;
	s13 =	smul.u32 $0x9C400, s5  }
0x9: {  	s9 =	sshrl.u32 s7, $0x1;
	s28 =	sshrl.u32 s8, $0x2;
	s11 =	sadd.s32 $0x4000, s12  }
0xa: {  	s16 =	sadd.s32 $0x8000, s12;
	s3 =	sadd.s32 s6, s3;
	s17 =	ssub.s32 s7, s9  }
0xb: {  	s6 =	sadd.s32 s28, s1;
	s10 =	sadd.s32 s12, s13;
	s9 =	sshrl.u32 s29, $0x2  }
0xc: {  	s15 =	sadd.s32 s13, s11;
	s11 =	sadd.s32 s11, s1;
	s30 =	sadd.s32 s13, s16  }
0xd: {  	s18 =	sshrl.u32 s13, $0x3;
	s13 =	sadd.s32 s16, s1;
	s3 =	sshrl.u32 s3, $0x3  }
0xe: {  	s7 =	sadd.s32 $0x4000, s6;
	s8 =	sadd.s32 $0x8000, s6;
	s10 =	sshrl.u32 s10, $0x3  }
0xf: {  	s9 =	sadd.s32 s9, s1;
	s15 =	sshrl.u32 s15, $0x3;
	s31 =	sadd.s32 s14, s18  }
0x10: {  	s17 =	smax.u32 s17, $0x1;
	s18 =	simm.s32 $0x1;
	s26 =	sadd.s32 s3, s4  }
0x11: {  	s3 =	sadd.s32 $0x16A00, s4;
	s4 =	sadd.s32 $0x16200, s4;
	s10 =	sadd.s32 s14, s10  }
0x12: {  	s12 =	sadd.s32 s14, s15;
	s15 =	sshrl.u32 s30, $0x3;
	s16 =	sadd.s32 $0x13800, s31  }
0x13: {  	s5 =	sadd.s32 $0xC200, s26;
	s14 =	sadd.s32 s14, s15;
	s15 =	sadd.s32 $0x9C000, s1  }
.LBB2_1:
0x14: {  	[tilespmem:s2], [sflag:$0x1] =	stream.linear.gather [hbm4b:s5+s2], $0x2800, $0x38;
	[tilespmem:$0x10800] =	vst v63  }
0x15: {  	_ =	swait.ge [sflag:s18], $0x2800  }
0x16: {  	[sflag:s18] =	ssyncset.done $0x0  }
0x17: {  	[sflag:s18] =	ssyncadd.s32 $0xFFFFD800  }
0x18: {  	[tilespmem:s19], [sflag:$0x1] =	stream.linear.gather [hbm4b:s4+s2], $0x4000, $0x38;
	[tilespmem:$0x10800] =	vst v63  }
0x19: {  	_ =	swait.ge [sflag:s18], $0x4000  }
0x1a: {  	[sflag:s18] =	ssyncset.done $0x0  }
0x1b: {  	[sflag:s18] =	ssyncadd.s32 $0xFFFFC000  }
0x1c: {  	[spmem:s6] =	stream.linear.scatter [tilespmem:s19], [sflag:$0x1], $0x4000, $0x38;
	[tilespmem:$0x10800] =	vst v63  }
0x1d: {  	_ =	swait.ge [sflag:s18], $0x4000  }
0x1e: {  	[sflag:s18] =	ssyncset.done $0x0  }
0x1f: {  	[sflag:s18] =	ssyncadd.s32 $0xFFFFC000  }
0x20: {  	[spmem:s7] =	stream.linear.scatter [tilespmem:s19], [sflag:$0x1], $0x4000, $0x38;
	[tilespmem:$0x10800] =	vst v63  }
0x21: {  	_ =	swait.ge [sflag:s18], $0x4000  }
0x22: {  	[sflag:s18] =	ssyncset.done $0x0  }
0x23: {  	[sflag:s18] =	ssyncadd.s32 $0xFFFFC000  }
0x24: {  	[spmem:s8] =	stream.linear.scatter [tilespmem:s19], [sflag:$0x1], $0x2000, $0x38;
	[tilespmem:$0x10800] =	vst v63  }
0x25: {  	_ =	swait.ge [sflag:s18], $0x2000  }
0x26: {  	[sflag:s18] =	ssyncset.done $0x0  }
0x27: {  	[sflag:s18] =	ssyncadd.s32 $0xFFFFE000  }
0x28: {  	[tilespmem:s19], [sflag:$0x1] =	stream.linear.gather [hbm4b:s3+s2], $0x4000, $0x38;
	[tilespmem:$0x10800] =	vst v63  }
0x29: {  	_ =	swait.ge [sflag:s18], $0x4000  }
0x2a: {  	[sflag:s18] =	ssyncset.done $0x0  }
0x2b: {  	[sflag:s18] =	ssyncadd.s32 $0xFFFFC000  }
0x2c: {  	s22 =	simm.s32 $0x0;
	[bflag:$0x0] =	sbarrier.arrive $0xFFFF  }
0x2d: {  	[spmem:s1] =	stream.indirect.scatter.add.f32 [tilespmem:s19], [sflag:$0x1], $0x80, s22, s20, $0xb8;
	[tilespmem:$0x10800] =	vst v63  }
0x2e: {  	_ =	swait.ge [sflag:s18], $0x4000  }
0x2f: {  	s22 =	simm.s32 $0x200;
	[sflag:s18] =	ssyncset.done $0x0  }
.LBB2_2:
0x30: {  	s23 =	sshra.s32 s22, $0x2;
	[sflag:s18] =	ssyncadd.s32 $0xFFFFC000;
	p1 =	sne.s32 s22, $0x9E00  }
0x31: {  	[spmem:s1] =	stream.indirect.scatter.add.f32 [tilespmem:s19], [sflag:$0x1], $0x80, s23, s20, $0xb8;
	[tilespmem:$0x10800] =	vst v63  }
.Ltmp0:
0x32: {  	_ = 	snop;
	(pc) =	sbr.rel @p1 .LBB2_2-.Ltmp0, $4  }
0x33: {  	_ = 	snop  }
0x34: {  	s22 =	sadd.s32 $0x200, s22  }
0x35: {  	_ =	swait.ge [sflag:s18], $0x4000  }
0x36: {  	[sflag:s18] =	ssyncset.done $0x0  }
0x37: {  	[sflag:s18] =	ssyncadd.s32 $0xFFFFC000  }
0x38: {  	[bflag:$0x0] =	sbarrier.arrive $0xFFFF  }
0x39: {  	[tilespmem:s19], [sflag:$0x1] =	stream.linear.gather [spmem:s9], $0x4000, $0x38;
	[tilespmem:$0x10800] =	vst v63  }
0x3a: {  	_ =	swait.ge [sflag:s18], $0x4000  }
0x3b: {  	[sflag:s18] =	ssyncset.done $0x0  }
0x3c: {  	[sflag:s18] =	ssyncadd.s32 $0xFFFFC000  }
0x3d: {  	[hbm4b:s10+s2] =	stream.linear.scatter [tilespmem:s19], [sflag:$0x1], $0x4000, $0x38;
	[tilespmem:$0x10800] =	vst v63  }
0x3e: {  	_ =	swait.ge [sflag:s18], $0x4000  }
0x3f: {  	[sflag:s18] =	ssyncset.done $0x0  }
0x40: {  	[sflag:s18] =	ssyncadd.s32 $0xFFFFC000  }
0x41: {  	[tilespmem:s19], [sflag:$0x1] =	stream.linear.gather [spmem:s11], $0x4000, $0x38;
	[tilespmem:$0x10800] =	vst v63  }
0x42: {  	_ =	swait.ge [sflag:s18], $0x4000  }
0x43: {  	[sflag:s18] =	ssyncset.done $0x0  }
0x44: {  	[sflag:s18] =	ssyncadd.s32 $0xFFFFC000  }
0x45: {  	[hbm4b:s12+s2] =	stream.linear.scatter [tilespmem:s19], [sflag:$0x1], $0x4000, $0x38;
	[tilespmem:$0x10800] =	vst v63  }
0x46: {  	_ =	swait.ge [sflag:s18], $0x4000  }
0x47: {  	[sflag:s18] =	ssyncset.done $0x0  }
0x48: {  	[sflag:s18] =	ssyncadd.s32 $0xFFFFC000  }
0x49: {  	[tilespmem:s19], [sflag:$0x1] =	stream.linear.gather [spmem:s13], $0x1C00, $0x38;
	[tilespmem:$0x10800] =	vst v63  }
0x4a: {  	_ =	swait.ge [sflag:s18], $0x1C00  }
0x4b: {  	[sflag:s18] =	ssyncset.done $0x0  }
0x4c: {  	[sflag:s18] =	ssyncadd.s32 $0xFFFFE400  }
0x4d: {  	[hbm4b:s14+s2] =	stream.linear.scatter [tilespmem:s19], [sflag:$0x1], $0x1C00, $0x38;
	[tilespmem:$0x10800] =	vst v63  }
0x4e: {  	_ =	swait.ge [sflag:s18], $0x1C00  }
0x4f: {  	[sflag:s18] =	ssyncset.done $0x0  }
0x50: {  	s22 =	simm.s32 @!p0 $0x2800;
	s23 =	simm.s32 @!p0 $0x1;
	[sflag:s18] =	ssyncadd.s32 $0xFFFFE400  }
0x51: {  	[tilespmem:s22], [sflag:$0x1] =	stream.linear.gather @!p0 [spmem:s15], $0x400, $0x38;
	[tilespmem:$0x10800] =	vst v63  }
0x52: {  	s21 =	sadd.s32 $0x1, s21;
	_ =	swait.ge @!p0 [sflag:s23], $0x400  }
0x53: {  	p1 =	sne.s32 s21, s17;
	[sflag:s23] =	ssyncset.done @!p0 $0x0  }
.Ltmp1:
0x54: {  	s24 =	simm.s32 @!p0 $0x0;
	[sflag:s23] =	ssyncadd.s32 @!p0 $0xFFFFFC00;
	(pc) =	sbr.rel @p1 .LBB2_1-.Ltmp1, $4  }
0x55: {  	[hbm4b:s16+s24] =	stream.linear.scatter @!p0 [tilespmem:s22], [sflag:$0x1], $0x400, $0x38;
	[tilespmem:$0x10800] =	vst v63  }
0x56: {  	_ =	swait.ge @!p0 [sflag:s23], $0x400  }
0x57: {  	[sflag:s23] =	ssyncset.done @!p0 $0x0  }
0x58: {  	[sflag:s23] =	ssyncadd.s32 @!p0 $0xFFFFFC00  }
0x59: {  	_ =	sfence.sel $0x180000  }
0x5a: {  	[bflag:$0x0] =	sbarrier.arrive $0xFFFF  }
0x5b: {  	_ =	strace $0x90000047  }
0x5c: {  	s0 =	sadd.s32 @!p0 $0x100000, s0;
	[bflag:$0x2] =	sbarrier.arrive $0xFFFF  }
0x5d: {  	[sflag:s0] =	ssyncadd.tile.s32 @!p0 $0x1;
	_ =	shalt  }
.Lfunc_end2:
_tile_overlayer_lowered:
.L_overlay_start_2:
0x5e: {  	(tag) =	ssettag $0x2  }
0x5f: {  	s0 =	rddreg [dreg:$0x0];
	s2 =	stileid.u32  }
0x60: {  	s1 =	rddreg [dreg:$0x1];
	p0 =	sne.s32 s2, $0x0  }
0x61: {  	s3 =	rddreg [dreg:$0x2];
	[bflag:$0x3] =	sbarrier.arrive $0xFFFF;
	s2 =	simm.s32 @!p0 $0x1C01  }
0x62: {  	[timem:s3], [sflag:s2] =	dma.local @!p0 [hbm:s0], s1  }
0x63: {  	s0 =	simm.s32 @!p0 $0x1  }
0x64: {  	_ =	swait.ge @!p0 [sflag:s0], s1  }
0x65: {  	s1 =	ssub.s32 @!p0 $0x0, s1;
	[sflag:s0] =	ssyncset.done @!p0 $0x0  }
0x66: {  	[sflag:s0] =	ssyncadd.s32 @!p0 s1  }
0x67: {  	[bflag:$0x3] =	sbarrier.arrive $0xFFFF  }
0x68: {  	_ =	shalt  }

</sc_bundles>
